<compile_context>
chip_gen: v7x
topology: tpu7x:2x2x1
jax: 0.10.2.dev20260603
libtpu: 0.0.44.dev20260713+nightly
codegen_flags: <defaults>
</compile_context>

<pallas_src>
import functools

import jax
import jax.numpy as jnp
from jax import lax
from jax.experimental import pallas as pl
from jax.experimental.pallas import tpu as pltpu
from jax.experimental.pallas import tpu_sc as plsc

NC = 2
NS = 16
NW = NC * NS


def _mesh():
    return plsc.VectorSubcoreMesh(
        core_axis_name="c", subcore_axis_name="s",
        num_cores=NC, num_subcores=NS)


def _wid():
    return lax.axis_index("s") * NC + lax.axis_index("c")


def _split(total, nworkers, w):
    base, rem = total // nworkers, total % nworkers
    cnt = base + (w < rem).astype(jnp.int32)
    lo = w * base + jnp.minimum(w, rem)
    return lo, cnt


def _zero_spmem_slice(acc, zbuf, rows_per_tile, sid):
    zrows = zbuf.shape[0]
    zvec = jnp.zeros((16,), jnp.float32)

    def zstore(i, _):
        zbuf[i, :] = zvec
        return 0
    lax.fori_loop(0, zrows, zstore, 0)
    nrep = rows_per_tile // zrows

    def zcopy(k, _):
        pltpu.sync_copy(zbuf, acc.at[pl.ds(sid * rows_per_tile + k * zrows,
                                           zrows)])
        return 0
    lax.fori_loop(0, nrep, zcopy, 0)


def _make_deg_kernel(n, nrows):
    rpt = n // NS

    @functools.partial(
        pl.kernel,
        out_type=jax.ShapeDtypeStruct((NC * n, 16), jnp.float32),
        mesh=_mesh(),
        compiler_params=pltpu.CompilerParams(use_tc_tiling_on_sc=False, needs_layout_passes=False),
        scratch_types=[
            pltpu.VMEM((1, 128), jnp.int32),
            pltpu.VMEM((128, 16), jnp.float32),
            pltpu.VMEM((625, 16), jnp.float32),
            pltpu.VMEM_SHARED((n, 16), jnp.float32),
        ],
    )
    def deg_kernel(col_hbm, out_hbm, idx_v, ones_v, zbuf, acc):
        cid = lax.axis_index("c")
        sid = lax.axis_index("s")
        wid = _wid()
        one = jnp.ones((16,), jnp.float32)

        def ostore(i, _):
            ones_v[i, :] = one
            return 0
        lax.fori_loop(0, 128, ostore, 0)
        _zero_spmem_slice(acc, zbuf, rpt, sid)
        plsc.subcore_barrier()

        lo, cnt = _split(nrows, NW, wid)

        def body(j, _):
            pltpu.sync_copy(col_hbm.at[pl.ds(lo + j, 1)], idx_v)
            pltpu.sync_copy(ones_v, acc.at[idx_v.at[0]], add=True)
            return 0
        lax.fori_loop(0, cnt, body, 0)
        plsc.subcore_barrier()
        pltpu.sync_copy(acc.at[pl.ds(sid * rpt, rpt)],
                        out_hbm.at[pl.ds(cid * n + sid * rpt, rpt)])

    return deg_kernel


def _make_agg1_kernel(n, nrows):
    rpt = n // NS

    @functools.partial(
        pl.kernel,
        out_type=jax.ShapeDtypeStruct((NC * n, 16), jnp.float32),
        mesh=_mesh(),
        compiler_params=pltpu.CompilerParams(use_tc_tiling_on_sc=False, needs_layout_passes=False),
        scratch_types=[
            pltpu.VMEM((1, 128), jnp.int32),
            pltpu.VMEM((1, 128), jnp.int32),
            pltpu.VMEM((128, 16), jnp.float32),
            pltpu.VMEM((625, 16), jnp.float32),
            pltpu.VMEM_SHARED((n, 16), jnp.float32),
            pltpu.SemaphoreType.DMA,
        ],
    )
    def agg1_kernel(row_hbm, col_hbm, x16_hbm, out_hbm,
                    idxr, idxc, rows_v, zbuf, acc, sem):
        cid = lax.axis_index("c")
        sid = lax.axis_index("s")
        wid = _wid()
        _zero_spmem_slice(acc, zbuf, rpt, sid)
        plsc.subcore_barrier()

        lo, cnt = _split(nrows, NW, wid)

        def body(j, _):
            pltpu.sync_copy(row_hbm.at[pl.ds(lo + j, 1)], idxr)
            pltpu.sync_copy(col_hbm.at[pl.ds(lo + j, 1)], idxc)
            pltpu.async_copy(x16_hbm.at[idxr.at[0]], rows_v, sem).wait()
            pltpu.sync_copy(rows_v, acc.at[idxc.at[0]], add=True)
            return 0
        lax.fori_loop(0, cnt, body, 0)
        plsc.subcore_barrier()
        pltpu.sync_copy(acc.at[pl.ds(sid * rpt, rpt)],
                        out_hbm.at[pl.ds(cid * n + sid * rpt, rpt)])

    return agg1_kernel


def _make_agg2_kernel(n, nrows):
    rpt = n // NS

    @functools.partial(
        pl.kernel,
        out_type=jax.ShapeDtypeStruct((NC * n, 16), jnp.float32),
        mesh=_mesh(),
        compiler_params=pltpu.CompilerParams(use_tc_tiling_on_sc=False, needs_layout_passes=False),
        scratch_types=[
            pltpu.VMEM((1, 128), jnp.int32),
            pltpu.VMEM((1, 128), jnp.int32),
            pltpu.VMEM((128, 16), jnp.float32),
            pltpu.VMEM((625, 16), jnp.float32),
            pltpu.VMEM_SHARED((n, 16), jnp.float32),
            pltpu.SemaphoreType.DMA,
        ],
    )
    def agg2_kernel(row_hbm, col_hbm, zsplit_hbm, out_hbm,
                    idxr, idxc, rows_v, zbuf, acc, sem):
        cid = lax.axis_index("c")
        sid = lax.axis_index("s")
        _zero_spmem_slice(acc, zbuf, rpt, sid)
        plsc.subcore_barrier()

        lo, cnt = _split(nrows, NS, sid)
        offs = jnp.full((16,), 0, jnp.int32) + (cid * n).astype(jnp.int32)

        def body(j, _):
            pltpu.sync_copy(row_hbm.at[pl.ds(lo + j, 1)], idxr)
            pltpu.sync_copy(col_hbm.at[pl.ds(lo + j, 1)], idxc)
            for k in range(8):
                idxr[0, pl.ds(k * 16, 16)] = idxr[0, pl.ds(k * 16, 16)] + offs
            pltpu.async_copy(zsplit_hbm.at[idxr.at[0]], rows_v, sem).wait()
            pltpu.sync_copy(rows_v, acc.at[idxc.at[0]], add=True)
            return 0
        lax.fori_loop(0, cnt, body, 0)
        plsc.subcore_barrier()
        pltpu.sync_copy(acc.at[pl.ds(sid * rpt, rpt)],
                        out_hbm.at[pl.ds(cid * n + sid * rpt, rpt)])

    return agg2_kernel


def _make_mlp_kernel(n, nrows):
    @functools.partial(
        pl.kernel,
        out_type=jax.ShapeDtypeStruct((nrows, 128), jnp.float32),
        mesh=_mesh(),
        compiler_params=pltpu.CompilerParams(use_tc_tiling_on_sc=False, needs_layout_passes=False),
        scratch_types=[
            pltpu.VMEM((1, 128), jnp.int32),
            pltpu.VMEM((1, 128), jnp.int32),
            pltpu.VMEM((1, 128), jnp.float32),
            pltpu.VMEM((128, 16), jnp.float32),
            pltpu.VMEM((128, 16), jnp.float32),
            pltpu.VMEM((1, 128), jnp.float32),
            pltpu.VMEM((16, 16), jnp.float32),
            pltpu.VMEM((16, 16), jnp.float32),
            pltpu.VMEM((16,), jnp.float32),
            pltpu.SemaphoreType.DMA,
            pltpu.SemaphoreType.DMA,
        ],
    )
    def mlp_kernel(row_hbm, col_hbm, attr_hbm, pq_hbm, cmat_hbm, w2mat_hbm,
                   bm2_hbm, out_hbm,
                   idxr, idxc, attr_v, prow, qrow, outb,
                   cmat, w2mat, bm2v, semp, semq):
        wid = _wid()
        pltpu.sync_copy(cmat_hbm, cmat)
        pltpu.sync_copy(w2mat_hbm, w2mat)
        pltpu.sync_copy(bm2_hbm, bm2v)
        cj = [cmat[j, :] for j in range(16)]
        w2j = [w2mat[j, :] for j in range(16)]
        bias = bm2v[...]
        iota = lax.iota(jnp.int32, 16)
        nsplat = jnp.full((16,), n, jnp.int32)
        jsplat = [jnp.full((16,), j, jnp.int32) for j in range(16)]

        lo, cnt = _split(nrows, NW, wid)

        def body(j, _):
            pltpu.sync_copy(row_hbm.at[pl.ds(lo + j, 1)], idxr)
            pltpu.sync_copy(col_hbm.at[pl.ds(lo + j, 1)], idxc)
            pltpu.sync_copy(attr_hbm.at[pl.ds(lo + j, 1)], attr_v)
            for k in range(8):
                idxc[0, pl.ds(k * 16, 16)] = (idxc[0, pl.ds(k * 16, 16)]
                                              + nsplat)
            cp = pltpu.async_copy(pq_hbm.at[idxr.at[0]], prow, semp)
            cq = pltpu.async_copy(pq_hbm.at[idxc.at[0]], qrow, semq)
            cp.wait()
            cq.wait()

            def group(t, _):
                av = attr_v[0, pl.ds(t * 16, 16)]
                eids = jnp.full((16,), t * 16, jnp.int32) + iota
                acc = bias
                for jj in range(16):
                    pT = plsc.load_gather(prow, [eids, jsplat[jj]])
                    qT = plsc.load_gather(qrow, [eids, jsplat[jj]])
                    h = jnp.maximum(pT + qT + av * cj[jj], 0.0)
                    acc = acc + h * w2j[jj]
                y = 1.0 / (1.0 + jnp.exp(-acc))
                outb[0, pl.ds(t * 16, 16)] = y
                return 0
            lax.fori_loop(0, 8, group, 0)
            pltpu.sync_copy(outb, out_hbm.at[pl.ds(lo + j, 1)])
            return 0
        lax.fori_loop(0, cnt, body, 0)

    return mlp_kernel


def _tc_dis_kernel(ca_ref, cb_ref, x_ref, dis_ref, x16_ref):
    dis = lax.rsqrt(ca_ref[...] + cb_ref[...] + 1.0)
    dis_ref[...] = dis
    b = x_ref.shape[0]
    xpad = jnp.concatenate(
        [x_ref[...], jnp.zeros((b, 14), jnp.float32)], axis=1)
    x16_ref[...] = dis * xpad


def _tc_layer1_kernel(a0_ref, a1_ref, dis_ref, x_ref, w1_ref, b1_ref,
                      w2_ref, z_ref, zs_ref):
    dis2 = dis_ref[:, :2]
    s1 = dis2 * (a0_ref[:, :2] + a1_ref[:, :2]) + dis2 * dis2 * x_ref[...]
    h1 = (s1[:, 0:1] * w1_ref[0:1, :] + s1[:, 1:2] * w1_ref[1:2, :]
          + b1_ref[...])
    h1 = jnp.maximum(h1, 0.0)
    z = jnp.dot(h1, w2_ref[...], preferred_element_type=jnp.float32)
    z_ref[...] = z
    dis = dis_ref[...]
    zs_ref[...] = jnp.stack([dis * z[:, :16], dis * z[:, 16:]], axis=0)


def _tc_layer2_kernel(a0_ref, a1_ref, dis_ref, z_ref, b2_ref, wa_ref,
                      wb_ref, bm1_ref, pq_ref):
    dis = dis_ref[...]
    s2 = (jnp.concatenate([dis * a0_ref[...], dis * a1_ref[...]], axis=1)
          + jnp.concatenate([dis * dis, dis * dis], axis=1) * z_ref[...]
          + b2_ref[...])
    h2 = jnp.maximum(s2, 0.0)
    p = jnp.dot(h2, wa_ref[...], preferred_element_type=jnp.float32) \
        + bm1_ref[...]
    q = jnp.dot(h2, wb_ref[...], preferred_element_type=jnp.float32)
    pq_ref[...] = jnp.stack([p, q], axis=0)


def kernel(x, edge_index, edge_attr, W1, b1, W2, b2, Wm1, bm1, Wm2, bm2):
    n = x.shape[0]
    e = edge_index.shape[1]
    nrows = e // 128
    row2d = edge_index[0].reshape(nrows, 128)
    col2d = edge_index[1].reshape(nrows, 128)
    attr2d = edge_attr.reshape(nrows, 128)

    cnt2 = _make_deg_kernel(n, nrows)(col2d)

    B = 2000
    g = n // B
    dis16, x16 = pl.pallas_call(
        _tc_dis_kernel,
        grid=(g,),
        in_specs=[
            pl.BlockSpec((B, 16), lambda i: (i, 0)),
            pl.BlockSpec((B, 16), lambda i, gg=g: (i + gg, 0)),
            pl.BlockSpec((B, 2), lambda i: (i, 0)),
        ],
        out_specs=[
            pl.BlockSpec((B, 16), lambda i: (i, 0)),
            pl.BlockSpec((B, 16), lambda i: (i, 0)),
        ],
        out_shape=[
            jax.ShapeDtypeStruct((n, 16), jnp.float32),
            jax.ShapeDtypeStruct((n, 16), jnp.float32),
        ],
    )(cnt2, cnt2, x)

    acc1 = _make_agg1_kernel(n, nrows)(row2d, col2d, x16)

    z, zsplit = pl.pallas_call(
        _tc_layer1_kernel,
        grid=(g,),
        in_specs=[
            pl.BlockSpec((B, 16), lambda i: (i, 0)),
            pl.BlockSpec((B, 16), lambda i, gg=g: (i + gg, 0)),
            pl.BlockSpec((B, 16), lambda i: (i, 0)),
            pl.BlockSpec((B, 2), lambda i: (i, 0)),
            pl.BlockSpec((2, 64), lambda i: (0, 0)),
            pl.BlockSpec((1, 64), lambda i: (0, 0)),
            pl.BlockSpec((64, 32), lambda i: (0, 0)),
        ],
        out_specs=[
            pl.BlockSpec((B, 32), lambda i: (i, 0)),
            pl.BlockSpec((2, B, 16), lambda i: (0, i, 0)),
        ],
        out_shape=[
            jax.ShapeDtypeStruct((n, 32), jnp.float32),
            jax.ShapeDtypeStruct((2, n, 16), jnp.float32),
        ],
    )(acc1, acc1, dis16, x, W1, b1.reshape(1, 64), W2)
    zsplit = zsplit.reshape(2 * n, 16)

    acc2 = _make_agg2_kernel(n, nrows)(row2d, col2d, zsplit)

    pq = pl.pallas_call(
        _tc_layer2_kernel,
        grid=(g,),
        in_specs=[
            pl.BlockSpec((B, 16), lambda i: (i, 0)),
            pl.BlockSpec((B, 16), lambda i, gg=g: (i + gg, 0)),
            pl.BlockSpec((B, 16), lambda i: (i, 0)),
            pl.BlockSpec((B, 32), lambda i: (i, 0)),
            pl.BlockSpec((1, 32), lambda i: (0, 0)),
            pl.BlockSpec((32, 16), lambda i: (0, 0)),
            pl.BlockSpec((32, 16), lambda i: (0, 0)),
            pl.BlockSpec((1, 16), lambda i: (0, 0)),
        ],
        out_specs=pl.BlockSpec((2, B, 16), lambda i: (0, i, 0)),
        out_shape=jax.ShapeDtypeStruct((2, n, 16), jnp.float32),
    )(acc2, acc2, dis16, z, b2.reshape(1, 32), Wm1[:32], Wm1[32:64],
      bm1.reshape(1, 16))
    pq = pq.reshape(2 * n, 16)

    cmat = jnp.broadcast_to(Wm1[64][:, None], (16, 16))
    w2mat = jnp.broadcast_to(Wm2[:, 0][:, None], (16, 16))
    bm2v = jnp.full((16,), bm2[0], jnp.float32)
    out2d = _make_mlp_kernel(n, nrows)(
        row2d, col2d, attr2d, pq, cmat, w2mat, bm2v)
    return out2d.reshape(e, 1)

# --- scband reference (transcript-rebuilt; emitter-appended) ---
"""Pipeline reference for scband-tspgnn-29652454211949 (READ-ONLY COPY).

The authoritative reference and input builder live on the scoring server;
editing this copy changes nothing except your own understanding.
"""

import jax, jax.numpy as jnp
import numpy as np


def gcn_conv(x, edge_index, W, b, n):
    # PyG GCNConv: add self-loops, symmetric deg^{-1/2} normalization,
    # aggregate messages from edge_index[0] (src) at edge_index[1] (dst).
    xw = x @ W
    self_loops = jnp.arange(n, dtype=edge_index.dtype)
    row = jnp.concatenate([edge_index[0], self_loops])
    col = jnp.concatenate([edge_index[1], self_loops])
    ew = jnp.ones(row.shape[0], dtype=x.dtype)
    deg = jax.ops.segment_sum(ew, col, num_segments=n)
    deg_inv_sqrt = jnp.where(deg > 0, 1.0 / jnp.sqrt(deg), 0.0)
    norm = deg_inv_sqrt[row] * deg_inv_sqrt[col]
    msg = norm[:, None] * jnp.take(xw, row, axis=0)
    out = jax.ops.segment_sum(msg, col, num_segments=n)
    return out + b


def setup_inputs(seed: int = 0) -> dict:
    key = jax.random.key(seed)
    ks = jax.random.split(key, 11)
    n, e = 100000, 1600000
    x = jax.random.normal(ks[0], (n, 2), dtype=jnp.float32)
    edge_index = jax.random.randint(ks[1], (2, e), 0, n, dtype=jnp.int32)
    edge_attr = jax.random.uniform(ks[2], (e, 1), dtype=jnp.float32)
    W1 = jax.random.normal(ks[3], (2, 64), dtype=jnp.float32) * (1.0 / np.sqrt(2))
    b1 = jnp.zeros((64,), dtype=jnp.float32)
    W2 = jax.random.normal(ks[4], (64, 32), dtype=jnp.float32) * (1.0 / np.sqrt(64))
    b2 = jnp.zeros((32,), dtype=jnp.float32)
    Wm1 = jax.random.normal(ks[5], (65, 16), dtype=jnp.float32) * (1.0 / np.sqrt(65))
    bm1 = jnp.zeros((16,), dtype=jnp.float32)
    Wm2 = jax.random.normal(ks[6], (16, 1), dtype=jnp.float32) * (1.0 / np.sqrt(16))
    bm2 = jnp.zeros((1,), dtype=jnp.float32)
    return {"x": x, "edge_index": edge_index, "edge_attr": edge_attr,
            "W1": W1, "b1": b1, "W2": W2, "b2": b2,
            "Wm1": Wm1, "bm1": bm1, "Wm2": Wm2, "bm2": bm2}


def reference(x, edge_index, edge_attr, W1, b1, W2, b2, Wm1, bm1, Wm2, bm2):
    n = x.shape[0]
    h = jax.nn.relu(gcn_conv(x, edge_index, W1, b1, n))
    h = jax.nn.relu(gcn_conv(h, edge_index, W2, b2, n))
    row, col = edge_index[0], edge_index[1]
    edge_features = jnp.concatenate([jnp.take(h, row, axis=0), jnp.take(h, col, axis=0), edge_attr], axis=1)
    hidden = jax.nn.relu(edge_features @ Wm1 + bm1)
    edge_prob = jax.nn.sigmoid(hidden @ Wm2 + bm2)
    return edge_prob

if __name__ == "__main__":
    import jax
    _d = setup_inputs()
    print(jax.jit(kernel)(*tuple(_d.values())))

</pallas_src>

<mosaic_0001>
#map = affine_map<(d0, d1) -> (0, 0)>
module attributes {stable_mosaic.version = 14 : i64} {
  func.func @agg2_kernel(%arg0: i32, %arg1: i32, %arg2: memref<12500x128xi32, #tpu.memory_space<hbm>>, %arg3: memref<12500x128xi32, #tpu.memory_space<hbm>>, %arg4: memref<200000x16xf32, #tpu.memory_space<hbm>>, %arg5: memref<200000x16xf32, #tpu.memory_space<hbm>>, %arg6: memref<1x128xi32, #tpu.memory_space<vmem>>, %arg7: memref<1x128xi32, #tpu.memory_space<vmem>>, %arg8: memref<128x16xf32, #tpu.memory_space<vmem>>, %arg9: memref<625x16xf32, #tpu.memory_space<vmem>>, %arg10: memref<100000x16xf32, #tpu.memory_space<vmem_shared>>, %arg11: memref<!tpu.dma_semaphore, #tpu.memory_space<semaphore_mem>>) attributes {dimension_semantics = [#tpu.dimension_semantics<core_parallel>, #tpu.dimension_semantics<subcore_parallel>], iteration_bounds = array<i64: 2, 16>, scalar_prefetch = 0 : i64, scratch_operands = 6 : i64, tpu.core_type = #tpu.core_type<sc_vector_subcore>, window_params = [{transform_indices = #map}, {transform_indices = #map}, {transform_indices = #map}, {transform_indices = #map}]} {
    %broadcast_in_dim3A = arith.constant 0.000000e+00 : f32
    %broadcast_in_dim3A_0 = vector.broadcast %broadcast_in_dim3A : f32 to vector<16xf32>
    %scan3A = arith.constant 0 : i32
    %scan3A_1 = arith.constant 0 : i32
    %scan3A_2 = arith.constant 625 : i32
    %scan3A_3 = arith.addi %scan3A_1, %scan3A_2 : i32
    %scan3A_4 = arith.constant 1 : i32
    %scan3A_5 = scf.for %scan3A_44 = %scan3A_1 to %scan3A_3 step %scan3A_4 iter_args(%scan3A_45 = %scan3A) -> (i32)  : i32 {
      %swap3A = arith.index_cast %scan3A_44 : i32 to index
      %swap3A_46 = arith.constant 0 : index
      %swap3A_47 = tpu.vector_load %arg9[%swap3A, %swap3A_46] {strides = array<i32>} : memref<625x16xf32, #tpu.memory_space<vmem>>, vector<16xf32>,
      tpu.vector_store %arg9[%swap3A, %swap3A_46], %broadcast_in_dim3A_0 {strides = array<i32>} : memref<625x16xf32, #tpu.memory_space<vmem>>, vector<16xf32>,
      %scan3A_48 = arith.constant 0 : i32
      scf.yield %scan3A_48 : i32
    }
    %scan3A_6 = arith.constant 625 : i32
    %scan3A_7 = arith.constant 0 : i32
    %scan3A_8 = arith.constant 0 : i32
    %scan3A_9 = arith.constant 10 : i32
    %scan3A_10 = arith.addi %scan3A_8, %scan3A_9 : i32
    %scan3A_11 = arith.constant 1 : i32
    %scan3A_12 = scf.for %scan3A_44 = %scan3A_8 to %scan3A_10 step %scan3A_11 iter_args(%scan3A_45 = %scan3A_7) -> (i32)  : i32 {
      %mul3A_46 = arith.constant 6250 : i32
      %mul3A_47 = arith.muli %arg1, %mul3A_46 : i32
      %mul3A_48 = arith.constant 625 : i32
      %mul3A_49 = arith.muli %scan3A_44, %mul3A_48 : i32
      %add3A_50 = arith.addi %mul3A_47, %mul3A_49 : i32
      "tpu.region"() ({
        %run_scoped3A = tpu.sem_alloc : memref<!tpu.dma_semaphore, #tpu.memory_space<semaphore_mem>>
        %dma_start3A = arith.constant 0 : i32
        %dma_start3A_52 = tpu.memref_slice %arg10[%add3A_50, %dma_start3A] : memref<100000x16xf32, #tpu.memory_space<vmem_shared>> -> memref<625x16xf32, #tpu.memory_space<vmem_shared>>
        %dma_start3A_53 = arith.constant 0 : i32
        %dma_start3A_54 = tpu.memref_slice %arg10[%add3A_50, %dma_start3A_53] : memref<100000x16xf32, #tpu.memory_space<vmem_shared>> -> memref<625x16xf32, #tpu.memory_space<vmem_shared>>
        tpu.enqueue_dma source(%arg9 : memref<625x16xf32, #tpu.memory_space<vmem>>) target(%dma_start3A_54 : memref<625x16xf32, #tpu.memory_space<vmem_shared>>) target_semaphore(%run_scoped3A : memref<!tpu.dma_semaphore, #tpu.memory_space<semaphore_mem>>)
        %dma_wait3A = arith.constant 0 : i32
        %dma_wait3A_55 = tpu.memref_slice %arg10[%add3A_50, %dma_wait3A] : memref<100000x16xf32, #tpu.memory_space<vmem_shared>> -> memref<625x16xf32, #tpu.memory_space<vmem_shared>>
        %dma_wait3A_56 = arith.constant 0 : i32
        %dma_wait3A_57 = tpu.memref_slice %arg10[%add3A_50, %dma_wait3A_56] : memref<100000x16xf32, #tpu.memory_space<vmem_shared>> -> memref<625x16xf32, #tpu.memory_space<vmem_shared>>
        tpu.wait_dma2 semaphore(%run_scoped3A : memref<!tpu.dma_semaphore, #tpu.memory_space<semaphore_mem>>) src(%arg9 : memref<625x16xf32, #tpu.memory_space<vmem>>) dst(%dma_wait3A_57 : memref<625x16xf32, #tpu.memory_space<vmem_shared>>)
        tpu.yield
      }) : () -> ()
      %scan3A_51 = arith.constant 0 : i32
      scf.yield %scan3A_51 : i32
    }
    %scan3A_13 = arith.constant 10 : i32
    %barrier3A = arith.constant 0 : index
    tpu.barrier barrier_id(%barrier3A)
    %lt3A = arith.constant 4 : i32
    %lt3A_14 = arith.cmpi slt, %arg1, %lt3A : i32
    %convert_element_type3A = arith.extui %lt3A_14 : i1 to i32
    %add3A = arith.constant 781 : i32
    %add3A_15 = arith.addi %add3A, %convert_element_type3A : i32
    %mul3A = arith.constant 781 : i32
    %mul3A_16 = arith.muli %arg1, %mul3A : i32
    %min3A = arith.constant 4 : i32
    %min3A_17 = arith.minsi %arg1, %min3A : i32
    %add3A_18 = arith.addi %mul3A_16, %min3A_17 : i32
    %broadcast_in_dim3A_19 = arith.constant 0 : i32
    %broadcast_in_dim3A_20 = vector.broadcast %broadcast_in_dim3A_19 : i32 to vector<16xi32>
    %mul3A_21 = arith.constant 100000 : i32
    %mul3A_22 = arith.muli %arg0, %mul3A_21 : i32
    %add3A_23 = vector.broadcast %mul3A_22 : i32 to vector<16xi32>
    %add3A_24 = arith.addi %broadcast_in_dim3A_20, %add3A_23 : vector<16xi32>
    %while3A = arith.constant 0 : i32
    %while3A_25 = arith.constant 0 : i32
    %while3A_26 = arith.subi %add3A_15, %while3A : i32
    %while3A_27 = arith.addi %while3A, %while3A_26 : i32
    %while3A_28 = arith.constant 1 : i32
    %while3A_29 = arith.divsi %while3A_26, %while3A_28 : i32
    %while3A_30 = arith.muli %while3A_29, %while3A_28 : i32
    %while3A_31 = arith.addi %while3A, %while3A_30 : i32
    %while3A_32 = arith.constant 1 : i32
    %while3A_33 = scf.for %while3A_44 = %while3A to %while3A_31 step %while3A_32 iter_args(%while3A_45 = %while3A_25) -> (i32)  : i32 {
      %add3A_46 = arith.addi %add3A_18, %while3A_44 : i32
      "tpu.region"() ({
        %run_scoped3A_131 = tpu.sem_alloc : memref<!tpu.dma_semaphore, #tpu.memory_space<semaphore_mem>>
        %dma_start3A_132 = arith.constant 0 : i32
        %dma_start3A_133 = tpu.memref_slice %arg2[%add3A_46, %dma_start3A_132] : memref<12500x128xi32, #tpu.memory_space<hbm>> -> memref<1x128xi32, #tpu.memory_space<hbm>>
        %dma_start3A_134 = arith.constant 0 : i32
        %dma_start3A_135 = tpu.memref_slice %arg2[%add3A_46, %dma_start3A_134] : memref<12500x128xi32, #tpu.memory_space<hbm>> -> memref<1x128xi32, #tpu.memory_space<hbm>>
        tpu.enqueue_dma source(%dma_start3A_135 : memref<1x128xi32, #tpu.memory_space<hbm>>) target(%arg6 : memref<1x128xi32, #tpu.memory_space<vmem>>) target_semaphore(%run_scoped3A_131 : memref<!tpu.dma_semaphore, #tpu.memory_space<semaphore_mem>>)
        %dma_wait3A_136 = arith.constant 0 : i32
        %dma_wait3A_137 = tpu.memref_slice %arg2[%add3A_46, %dma_wait3A_136] : memref<12500x128xi32, #tpu.memory_space<hbm>> -> memref<1x128xi32, #tpu.memory_space<hbm>>
        %dma_wait3A_138 = arith.constant 0 : i32
        %dma_wait3A_139 = tpu.memref_slice %arg2[%add3A_46, %dma_wait3A_138] : memref<12500x128xi32, #tpu.memory_space<hbm>> -> memref<1x128xi32, #tpu.memory_space<hbm>>
        tpu.wait_dma2 semaphore(%run_scoped3A_131 : memref<!tpu.dma_semaphore, #tpu.memory_space<semaphore_mem>>) src(%dma_wait3A_139 : memref<1x128xi32, #tpu.memory_space<hbm>>) dst(%arg6 : memref<1x128xi32, #tpu.memory_space<vmem>>)
        tpu.yield
      }) : () -> ()
      %add3A_47 = arith.addi %add3A_18, %while3A_44 : i32
      "tpu.region"() ({
        %run_scoped3A_131 = tpu.sem_alloc : memref<!tpu.dma_semaphore, #tpu.memory_space<semaphore_mem>>
        %dma_start3A_132 = arith.constant 0 : i32
        %dma_start3A_133 = tpu.memref_slice %arg3[%add3A_47, %dma_start3A_132] : memref<12500x128xi32, #tpu.memory_space<hbm>> -> memref<1x128xi32, #tpu.memory_space<hbm>>
        %dma_start3A_134 = arith.constant 0 : i32
        %dma_start3A_135 = tpu.memref_slice %arg3[%add3A_47, %dma_start3A_134] : memref<12500x128xi32, #tpu.memory_space<hbm>> -> memref<1x128xi32, #tpu.memory_space<hbm>>
        tpu.enqueue_dma source(%dma_start3A_135 : memref<1x128xi32, #tpu.memory_space<hbm>>) target(%arg7 : memref<1x128xi32, #tpu.memory_space<vmem>>) target_semaphore(%run_scoped3A_131 : memref<!tpu.dma_semaphore, #tpu.memory_space<semaphore_mem>>)
        %dma_wait3A_136 = arith.constant 0 : i32
        %dma_wait3A_137 = tpu.memref_slice %arg3[%add3A_47, %dma_wait3A_136] : memref<12500x128xi32, #tpu.memory_space<hbm>> -> memref<1x128xi32, #tpu.memory_space<hbm>>
        %dma_wait3A_138 = arith.constant 0 : i32
        %dma_wait3A_139 = tpu.memref_slice %arg3[%add3A_47, %dma_wait3A_138] : memref<12500x128xi32, #tpu.memory_space<hbm>> -> memref<1x128xi32, #tpu.memory_space<hbm>>
        tpu.wait_dma2 semaphore(%run_scoped3A_131 : memref<!tpu.dma_semaphore, #tpu.memory_space<semaphore_mem>>) src(%dma_wait3A_139 : memref<1x128xi32, #tpu.memory_space<hbm>>) dst(%arg7 : memref<1x128xi32, #tpu.memory_space<vmem>>)
        tpu.yield
      }) : () -> ()
      %get3A = arith.constant 0 : i32
      %get3A_48 = arith.index_cast %get3A : i32 to index
      %get3A_49 = arith.constant 0 : index
      %get3A_50 = tpu.vector_load %arg6[%get3A_48, %get3A_49] {strides = array<i32>} : memref<1x128xi32, #tpu.memory_space<vmem>>, vector<16xi32>,
      %add3A_51 = arith.addi %get3A_50, %add3A_24 : vector<16xi32>
      %swap3A = arith.constant 0 : i32
      %swap3A_52 = arith.index_cast %swap3A : i32 to index
      %swap3A_53 = arith.constant 0 : index
      %swap3A_54 = tpu.vector_load %arg6[%swap3A_52, %swap3A_53] {strides = array<i32>} : memref<1x128xi32, #tpu.memory_space<vmem>>, vector<16xi32>,
      tpu.vector_store %arg6[%swap3A_52, %swap3A_53], %add3A_51 {strides = array<i32>} : memref<1x128xi32, #tpu.memory_space<vmem>>, vector<16xi32>,
      %get3A_55 = arith.constant 0 : i32
      %get3A_56 = arith.index_cast %get3A_55 : i32 to index
      %get3A_57 = arith.constant 16 : index
      %get3A_58 = tpu.vector_load %arg6[%get3A_56, %get3A_57] {strides = array<i32>} : memref<1x128xi32, #tpu.memory_space<vmem>>, vector<16xi32>,
      %add3A_59 = arith.addi %get3A_58, %add3A_24 : vector<16xi32>
      %swap3A_60 = arith.constant 0 : i32
      %swap3A_61 = arith.index_cast %swap3A_60 : i32 to index
      %swap3A_62 = arith.constant 16 : index
      %swap3A_63 = tpu.vector_load %arg6[%swap3A_61, %swap3A_62] {strides = array<i32>} : memref<1x128xi32, #tpu.memory_space<vmem>>, vector<16xi32>,
      tpu.vector_store %arg6[%swap3A_61, %swap3A_62], %add3A_59 {strides = array<i32>} : memref<1x128xi32, #tpu.memory_space<vmem>>, vector<16xi32>,
      %get3A_64 = arith.constant 0 : i32
      %get3A_65 = arith.index_cast %get3A_64 : i32 to index
      %get3A_66 = arith.constant 32 : index
      %get3A_67 = tpu.vector_load %arg6[%get3A_65, %get3A_66] {strides = array<i32>} : memref<1x128xi32, #tpu.memory_space<vmem>>, vector<16xi32>,
      %add3A_68 = arith.addi %get3A_67, %add3A_24 : vector<16xi32>
      %swap3A_69 = arith.constant 0 : i32
      %swap3A_70 = arith.index_cast %swap3A_69 : i32 to index
      %swap3A_71 = arith.constant 32 : index
      %swap3A_72 = tpu.vector_load %arg6[%swap3A_70, %swap3A_71] {strides = array<i32>} : memref<1x128xi32, #tpu.memory_space<vmem>>, vector<16xi32>,
      tpu.vector_store %arg6[%swap3A_70, %swap3A_71], %add3A_68 {strides = array<i32>} : memref<1x128xi32, #tpu.memory_space<vmem>>, vector<16xi32>,
      %get3A_73 = arith.constant 0 : i32
      %get3A_74 = arith.index_cast %get3A_73 : i32 to index
      %get3A_75 = arith.constant 48 : index
      %get3A_76 = tpu.vector_load %arg6[%get3A_74, %get3A_75] {strides = array<i32>} : memref<1x128xi32, #tpu.memory_space<vmem>>, vector<16xi32>,
      %add3A_77 = arith.addi %get3A_76, %add3A_24 : vector<16xi32>
      %swap3A_78 = arith.constant 0 : i32
      %swap3A_79 = arith.index_cast %swap3A_78 : i32 to index
      %swap3A_80 = arith.constant 48 : index
      %swap3A_81 = tpu.vector_load %arg6[%swap3A_79, %swap3A_80] {strides = array<i32>} : memref<1x128xi32, #tpu.memory_space<vmem>>, vector<16xi32>,
      tpu.vector_store %arg6[%swap3A_79, %swap3A_80], %add3A_77 {strides = array<i32>} : memref<1x128xi32, #tpu.memory_space<vmem>>, vector<16xi32>,
      %get3A_82 = arith.constant 0 : i32
      %get3A_83 = arith.index_cast %get3A_82 : i32 to index
      %get3A_84 = arith.constant 64 : index
      %get3A_85 = tpu.vector_load %arg6[%get3A_83, %get3A_84] {strides = array<i32>} : memref<1x128xi32, #tpu.memory_space<vmem>>, vector<16xi32>,
      %add3A_86 = arith.addi %get3A_85, %add3A_24 : vector<16xi32>
      %swap3A_87 = arith.constant 0 : i32
      %swap3A_88 = arith.index_cast %swap3A_87 : i32 to index
      %swap3A_89 = arith.constant 64 : index
      %swap3A_90 = tpu.vector_load %arg6[%swap3A_88, %swap3A_89] {strides = array<i32>} : memref<1x128xi32, #tpu.memory_space<vmem>>, vector<16xi32>,
      tpu.vector_store %arg6[%swap3A_88, %swap3A_89], %add3A_86 {strides = array<i32>} : memref<1x128xi32, #tpu.memory_space<vmem>>, vector<16xi32>,
      %get3A_91 = arith.constant 0 : i32
      %get3A_92 = arith.index_cast %get3A_91 : i32 to index
      %get3A_93 = arith.constant 80 : index
      %get3A_94 = tpu.vector_load %arg6[%get3A_92, %get3A_93] {strides = array<i32>} : memref<1x128xi32, #tpu.memory_space<vmem>>, vector<16xi32>,
      %add3A_95 = arith.addi %get3A_94, %add3A_24 : vector<16xi32>
      %swap3A_96 = arith.constant 0 : i32
      %swap3A_97 = arith.index_cast %swap3A_96 : i32 to index
      %swap3A_98 = arith.constant 80 : index
      %swap3A_99 = tpu.vector_load %arg6[%swap3A_97, %swap3A_98] {strides = array<i32>} : memref<1x128xi32, #tpu.memory_space<vmem>>, vector<16xi32>,
      tpu.vector_store %arg6[%swap3A_97, %swap3A_98], %add3A_95 {strides = array<i32>} : memref<1x128xi32, #tpu.memory_space<vmem>>, vector<16xi32>,
      %get3A_100 = arith.constant 0 : i32
      %get3A_101 = arith.index_cast %get3A_100 : i32 to index
      %get3A_102 = arith.constant 96 : index
      %get3A_103 = tpu.vector_load %arg6[%get3A_101, %get3A_102] {strides = array<i32>} : memref<1x128xi32, #tpu.memory_space<vmem>>, vector<16xi32>,
      %add3A_104 = arith.addi %get3A_103, %add3A_24 : vector<16xi32>
      %swap3A_105 = arith.constant 0 : i32
      %swap3A_106 = arith.index_cast %swap3A_105 : i32 to index
      %swap3A_107 = arith.constant 96 : index
      %swap3A_108 = tpu.vector_load %arg6[%swap3A_106, %swap3A_107] {strides = array<i32>} : memref<1x128xi32, #tpu.memory_space<vmem>>, vector<16xi32>,
      tpu.vector_store %arg6[%swap3A_106, %swap3A_107], %add3A_104 {strides = array<i32>} : memref<1x128xi32, #tpu.memory_space<vmem>>, vector<16xi32>,
      %get3A_109 = arith.constant 0 : i32
      %get3A_110 = arith.index_cast %get3A_109 : i32 to index
      %get3A_111 = arith.constant 112 : index
      %get3A_112 = tpu.vector_load %arg6[%get3A_110, %get3A_111] {strides = array<i32>} : memref<1x128xi32, #tpu.memory_space<vmem>>, vector<16xi32>,
      %add3A_113 = arith.addi %get3A_112, %add3A_24 : vector<16xi32>
      %swap3A_114 = arith.constant 0 : i32
      %swap3A_115 = arith.index_cast %swap3A_114 : i32 to index
      %swap3A_116 = arith.constant 112 : index
      %swap3A_117 = tpu.vector_load %arg6[%swap3A_115, %swap3A_116] {strides = array<i32>} : memref<1x128xi32, #tpu.memory_space<vmem>>, vector<16xi32>,
      tpu.vector_store %arg6[%swap3A_115, %swap3A_116], %add3A_113 {strides = array<i32>} : memref<1x128xi32, #tpu.memory_space<vmem>>, vector<16xi32>,
      %dma_start3A = arith.constant 0 : i32
      %dma_start3A_118 = arith.constant 0 : i32
      %dma_start3A_119 = tpu.memref_slice %arg6[%dma_start3A, %dma_start3A_118] : memref<1x128xi32, #tpu.memory_space<vmem>> -> memref<1x128xi32, #tpu.memory_space<vmem>>
      %dma_start3A_120 = tpu.memref_squeeze %dma_start3A_119 : memref<1x128xi32, #tpu.memory_space<vmem>> -> memref<128xi32, #tpu.memory_space<vmem>>
      %dma_start3A_121 = arith.constant 0 : i32
      %dma_start3A_122 = arith.constant 0 : i32
      %dma_start3A_123 = tpu.memref_slice %arg4[%dma_start3A_121, %dma_start3A_122] : memref<200000x16xf32, #tpu.memory_space<hbm>> -> memref<200000x16xf32, #tpu.memory_space<hbm>>
      tpu.enqueue_indirect_dma source(%dma_start3A_123 : memref<200000x16xf32, #tpu.memory_space<hbm>>) target(%arg8 : memref<128x16xf32, #tpu.memory_space<vmem>>) offsets(%dma_start3A_120 : memref<128xi32, #tpu.memory_space<vmem>>) semaphore(%arg11 : memref<!tpu.dma_semaphore, #tpu.memory_space<semaphore_mem>>)
      %dma_wait3A = arith.constant 0 : i32
      %dma_wait3A_124 = arith.constant 0 : i32
      %dma_wait3A_125 = tpu.memref_slice %arg6[%dma_wait3A, %dma_wait3A_124] : memref<1x128xi32, #tpu.memory_space<vmem>> -> memref<1x128xi32, #tpu.memory_space<vmem>>
      %dma_wait3A_126 = tpu.memref_squeeze %dma_wait3A_125 : memref<1x128xi32, #tpu.memory_space<vmem>> -> memref<128xi32, #tpu.memory_space<vmem>>
      %dma_wait3A_127 = arith.constant 0 : i32
      %dma_wait3A_128 = arith.constant 0 : i32
      %dma_wait3A_129 = tpu.memref_slice %arg4[%dma_wait3A_127, %dma_wait3A_128] : memref<200000x16xf32, #tpu.memory_space<hbm>> -> memref<200000x16xf32, #tpu.memory_space<hbm>>
      tpu.wait_indirect_dma semaphore(%arg11 : memref<!tpu.dma_semaphore, #tpu.memory_space<semaphore_mem>>) src(%dma_wait3A_129 : memref<200000x16xf32, #tpu.memory_space<hbm>>) dst(%arg8 : memref<128x16xf32, #tpu.memory_space<vmem>>)
      %run_scoped3A = arith.constant 0 : i32
      "tpu.region"() ({
        %run_scoped3A_131 = tpu.sem_alloc : memref<!tpu.dma_semaphore, #tpu.memory_space<semaphore_mem>>
        %dma_start3A_132 = arith.constant 0 : i32
        %dma_start3A_133 = tpu.memref_slice %arg7[%run_scoped3A, %dma_start3A_132] : memref<1x128xi32, #tpu.memory_space<vmem>> -> memref<1x128xi32, #tpu.memory_space<vmem>>
        %dma_start3A_134 = tpu.memref_squeeze %dma_start3A_133 : memref<1x128xi32, #tpu.memory_space<vmem>> -> memref<128xi32, #tpu.memory_space<vmem>>
        %dma_start3A_135 = arith.constant 0 : i32
        %dma_start3A_136 = arith.constant 0 : i32
        %dma_start3A_137 = tpu.memref_slice %arg10[%dma_start3A_135, %dma_start3A_136] : memref<100000x16xf32, #tpu.memory_space<vmem_shared>> -> memref<100000x16xf32, #tpu.memory_space<vmem_shared>>
        tpu.enqueue_indirect_dma source(%arg8 : memref<128x16xf32, #tpu.memory_space<vmem>>) target(%dma_start3A_137 : memref<100000x16xf32, #tpu.memory_space<vmem_shared>>) offsets(%dma_start3A_134 : memref<128xi32, #tpu.memory_space<vmem>>) semaphore(%run_scoped3A_131 : memref<!tpu.dma_semaphore, #tpu.memory_space<semaphore_mem>>) {add = true}
        %dma_wait3A_138 = arith.constant 0 : i32
        %dma_wait3A_139 = tpu.memref_slice %arg7[%run_scoped3A, %dma_wait3A_138] : memref<1x128xi32, #tpu.memory_space<vmem>> -> memref<1x128xi32, #tpu.memory_space<vmem>>
        %dma_wait3A_140 = tpu.memref_squeeze %dma_wait3A_139 : memref<1x128xi32, #tpu.memory_space<vmem>> -> memref<128xi32, #tpu.memory_space<vmem>>
        %dma_wait3A_141 = arith.constant 0 : i32
        %dma_wait3A_142 = arith.constant 0 : i32
        %dma_wait3A_143 = tpu.memref_slice %arg10[%dma_wait3A_141, %dma_wait3A_142] : memref<100000x16xf32, #tpu.memory_space<vmem_shared>> -> memref<100000x16xf32, #tpu.memory_space<vmem_shared>>
        tpu.wait_indirect_dma semaphore(%run_scoped3A_131 : memref<!tpu.dma_semaphore, #tpu.memory_space<semaphore_mem>>) src(%arg8 : memref<128x16xf32, #tpu.memory_space<vmem>>) dst(%dma_wait3A_143 : memref<100000x16xf32, #tpu.memory_space<vmem_shared>>)
        tpu.yield
      }) : () -> ()
      %while3A_130 = arith.constant 0 : i32
      scf.yield %while3A_130 : i32
    }
    %while3A_34 = arith.constant 1 : i32
    %while3A_35 = scf.for %while3A_44 = %while3A_31 to %while3A_27 step %while3A_34 iter_args(%while3A_45 = %while3A_33) -> (i32)  : i32 {
      %add3A_46 = arith.addi %add3A_18, %while3A_44 : i32
      "tpu.region"() ({
        %run_scoped3A_131 = tpu.sem_alloc : memref<!tpu.dma_semaphore, #tpu.memory_space<semaphore_mem>>
        %dma_start3A_132 = arith.constant 0 : i32
        %dma_start3A_133 = tpu.memref_slice %arg2[%add3A_46, %dma_start3A_132] : memref<12500x128xi32, #tpu.memory_space<hbm>> -> memref<1x128xi32, #tpu.memory_space<hbm>>
        %dma_start3A_134 = arith.constant 0 : i32
        %dma_start3A_135 = tpu.memref_slice %arg2[%add3A_46, %dma_start3A_134] : memref<12500x128xi32, #tpu.memory_space<hbm>> -> memref<1x128xi32, #tpu.memory_space<hbm>>
        tpu.enqueue_dma source(%dma_start3A_135 : memref<1x128xi32, #tpu.memory_space<hbm>>) target(%arg6 : memref<1x128xi32, #tpu.memory_space<vmem>>) target_semaphore(%run_scoped3A_131 : memref<!tpu.dma_semaphore, #tpu.memory_space<semaphore_mem>>)
        %dma_wait3A_136 = arith.constant 0 : i32
        %dma_wait3A_137 = tpu.memref_slice %arg2[%add3A_46, %dma_wait3A_136] : memref<12500x128xi32, #tpu.memory_space<hbm>> -> memref<1x128xi32, #tpu.memory_space<hbm>>
        %dma_wait3A_138 = arith.constant 0 : i32
        %dma_wait3A_139 = tpu.memref_slice %arg2[%add3A_46, %dma_wait3A_138] : memref<12500x128xi32, #tpu.memory_space<hbm>> -> memref<1x128xi32, #tpu.memory_space<hbm>>
        tpu.wait_dma2 semaphore(%run_scoped3A_131 : memref<!tpu.dma_semaphore, #tpu.memory_space<semaphore_mem>>) src(%dma_wait3A_139 : memref<1x128xi32, #tpu.memory_space<hbm>>) dst(%arg6 : memref<1x128xi32, #tpu.memory_space<vmem>>)
        tpu.yield
      }) : () -> ()
      %add3A_47 = arith.addi %add3A_18, %while3A_44 : i32
      "tpu.region"() ({
        %run_scoped3A_131 = tpu.sem_alloc : memref<!tpu.dma_semaphore, #tpu.memory_space<semaphore_mem>>
        %dma_start3A_132 = arith.constant 0 : i32
        %dma_start3A_133 = tpu.memref_slice %arg3[%add3A_47, %dma_start3A_132] : memref<12500x128xi32, #tpu.memory_space<hbm>> -> memref<1x128xi32, #tpu.memory_space<hbm>>
        %dma_start3A_134 = arith.constant 0 : i32
        %dma_start3A_135 = tpu.memref_slice %arg3[%add3A_47, %dma_start3A_134] : memref<12500x128xi32, #tpu.memory_space<hbm>> -> memref<1x128xi32, #tpu.memory_space<hbm>>
        tpu.enqueue_dma source(%dma_start3A_135 : memref<1x128xi32, #tpu.memory_space<hbm>>) target(%arg7 : memref<1x128xi32, #tpu.memory_space<vmem>>) target_semaphore(%run_scoped3A_131 : memref<!tpu.dma_semaphore, #tpu.memory_space<semaphore_mem>>)
        %dma_wait3A_136 = arith.constant 0 : i32
        %dma_wait3A_137 = tpu.memref_slice %arg3[%add3A_47, %dma_wait3A_136] : memref<12500x128xi32, #tpu.memory_space<hbm>> -> memref<1x128xi32, #tpu.memory_space<hbm>>
        %dma_wait3A_138 = arith.constant 0 : i32
        %dma_wait3A_139 = tpu.memref_slice %arg3[%add3A_47, %dma_wait3A_138] : memref<12500x128xi32, #tpu.memory_space<hbm>> -> memref<1x128xi32, #tpu.memory_space<hbm>>
        tpu.wait_dma2 semaphore(%run_scoped3A_131 : memref<!tpu.dma_semaphore, #tpu.memory_space<semaphore_mem>>) src(%dma_wait3A_139 : memref<1x128xi32, #tpu.memory_space<hbm>>) dst(%arg7 : memref<1x128xi32, #tpu.memory_space<vmem>>)
        tpu.yield
      }) : () -> ()
      %get3A = arith.constant 0 : i32
      %get3A_48 = arith.index_cast %get3A : i32 to index
      %get3A_49 = arith.constant 0 : index
      %get3A_50 = tpu.vector_load %arg6[%get3A_48, %get3A_49] {strides = array<i32>} : memref<1x128xi32, #tpu.memory_space<vmem>>, vector<16xi32>,
      %add3A_51 = arith.addi %get3A_50, %add3A_24 : vector<16xi32>
      %swap3A = arith.constant 0 : i32
      %swap3A_52 = arith.index_cast %swap3A : i32 to index
      %swap3A_53 = arith.constant 0 : index
      %swap3A_54 = tpu.vector_load %arg6[%swap3A_52, %swap3A_53] {strides = array<i32>} : memref<1x128xi32, #tpu.memory_space<vmem>>, vector<16xi32>,
      tpu.vector_store %arg6[%swap3A_52, %swap3A_53], %add3A_51 {strides = array<i32>} : memref<1x128xi32, #tpu.memory_space<vmem>>, vector<16xi32>,
      %get3A_55 = arith.constant 0 : i32
      %get3A_56 = arith.index_cast %get3A_55 : i32 to index
      %get3A_57 = arith.constant 16 : index
      %get3A_58 = tpu.vector_load %arg6[%get3A_56, %get3A_57] {strides = array<i32>} : memref<1x128xi32, #tpu.memory_space<vmem>>, vector<16xi32>,
      %add3A_59 = arith.addi %get3A_58, %add3A_24 : vector<16xi32>
      %swap3A_60 = arith.constant 0 : i32
      %swap3A_61 = arith.index_cast %swap3A_60 : i32 to index
      %swap3A_62 = arith.constant 16 : index
      %swap3A_63 = tpu.vector_load %arg6[%swap3A_61, %swap3A_62] {strides = array<i32>} : memref<1x128xi32, #tpu.memory_space<vmem>>, vector<16xi32>,
      tpu.vector_store %arg6[%swap3A_61, %swap3A_62], %add3A_59 {strides = array<i32>} : memref<1x128xi32, #tpu.memory_space<vmem>>, vector<16xi32>,
      %get3A_64 = arith.constant 0 : i32
      %get3A_65 = arith.index_cast %get3A_64 : i32 to index
      %get3A_66 = arith.constant 32 : index
      %get3A_67 = tpu.vector_load %arg6[%get3A_65, %get3A_66] {strides = array<i32>} : memref<1x128xi32, #tpu.memory_space<vmem>>, vector<16xi32>,
      %add3A_68 = arith.addi %get3A_67, %add3A_24 : vector<16xi32>
      %swap3A_69 = arith.constant 0 : i32
      %swap3A_70 = arith.index_cast %swap3A_69 : i32 to index
      %swap3A_71 = arith.constant 32 : index
      %swap3A_72 = tpu.vector_load %arg6[%swap3A_70, %swap3A_71] {strides = array<i32>} : memref<1x128xi32, #tpu.memory_space<vmem>>, vector<16xi32>,
      tpu.vector_store %arg6[%swap3A_70, %swap3A_71], %add3A_68 {strides = array<i32>} : memref<1x128xi32, #tpu.memory_space<vmem>>, vector<16xi32>,
      %get3A_73 = arith.constant 0 : i32
      %get3A_74 = arith.index_cast %get3A_73 : i32 to index
      %get3A_75 = arith.constant 48 : index
      %get3A_76 = tpu.vector_load %arg6[%get3A_74, %get3A_75] {strides = array<i32>} : memref<1x128xi32, #tpu.memory_space<vmem>>, vector<16xi32>,
      %add3A_77 = arith.addi %get3A_76, %add3A_24 : vector<16xi32>
      %swap3A_78 = arith.constant 0 : i32
      %swap3A_79 = arith.index_cast %swap3A_78 : i32 to index
      %swap3A_80 = arith.constant 48 : index
      %swap3A_81 = tpu.vector_load %arg6[%swap3A_79, %swap3A_80] {strides = array<i32>} : memref<1x128xi32, #tpu.memory_space<vmem>>, vector<16xi32>,
      tpu.vector_store %arg6[%swap3A_79, %swap3A_80], %add3A_77 {strides = array<i32>} : memref<1x128xi32, #tpu.memory_space<vmem>>, vector<16xi32>,
      %get3A_82 = arith.constant 0 : i32
      %get3A_83 = arith.index_cast %get3A_82 : i32 to index
      %get3A_84 = arith.constant 64 : index
      %get3A_85 = tpu.vector_load %arg6[%get3A_83, %get3A_84] {strides = array<i32>} : memref<1x128xi32, #tpu.memory_space<vmem>>, vector<16xi32>,
      %add3A_86 = arith.addi %get3A_85, %add3A_24 : vector<16xi32>
      %swap3A_87 = arith.constant 0 : i32
      %swap3A_88 = arith.index_cast %swap3A_87 : i32 to index
      %swap3A_89 = arith.constant 64 : index
      %swap3A_90 = tpu.vector_load %arg6[%swap3A_88, %swap3A_89] {strides = array<i32>} : memref<1x128xi32, #tpu.memory_space<vmem>>, vector<16xi32>,
      tpu.vector_store %arg6[%swap3A_88, %swap3A_89], %add3A_86 {strides = array<i32>} : memref<1x128xi32, #tpu.memory_space<vmem>>, vector<16xi32>,
      %get3A_91 = arith.constant 0 : i32
      %get3A_92 = arith.index_cast %get3A_91 : i32 to index
      %get3A_93 = arith.constant 80 : index
      %get3A_94 = tpu.vector_load %arg6[%get3A_92, %get3A_93] {strides = array<i32>} : memref<1x128xi32, #tpu.memory_space<vmem>>, vector<16xi32>,
      %add3A_95 = arith.addi %get3A_94, %add3A_24 : vector<16xi32>
      %swap3A_96 = arith.constant 0 : i32
      %swap3A_97 = arith.index_cast %swap3A_96 : i32 to index
      %swap3A_98 = arith.constant 80 : index
      %swap3A_99 = tpu.vector_load %arg6[%swap3A_97, %swap3A_98] {strides = array<i32>} : memref<1x128xi32, #tpu.memory_space<vmem>>, vector<16xi32>,
      tpu.vector_store %arg6[%swap3A_97, %swap3A_98], %add3A_95 {strides = array<i32>} : memref<1x128xi32, #tpu.memory_space<vmem>>, vector<16xi32>,
      %get3A_100 = arith.constant 0 : i32
      %get3A_101 = arith.index_cast %get3A_100 : i32 to index
      %get3A_102 = arith.constant 96 : index
      %get3A_103 = tpu.vector_load %arg6[%get3A_101, %get3A_102] {strides = array<i32>} : memref<1x128xi32, #tpu.memory_space<vmem>>, vector<16xi32>,
      %add3A_104 = arith.addi %get3A_103, %add3A_24 : vector<16xi32>
      %swap3A_105 = arith.constant 0 : i32
      %swap3A_106 = arith.index_cast %swap3A_105 : i32 to index
      %swap3A_107 = arith.constant 96 : index
      %swap3A_108 = tpu.vector_load %arg6[%swap3A_106, %swap3A_107] {strides = array<i32>} : memref<1x128xi32, #tpu.memory_space<vmem>>, vector<16xi32>,
      tpu.vector_store %arg6[%swap3A_106, %swap3A_107], %add3A_104 {strides = array<i32>} : memref<1x128xi32, #tpu.memory_space<vmem>>, vector<16xi32>,
      %get3A_109 = arith.constant 0 : i32
      %get3A_110 = arith.index_cast %get3A_109 : i32 to index
      %get3A_111 = arith.constant 112 : index
      %get3A_112 = tpu.vector_load %arg6[%get3A_110, %get3A_111] {strides = array<i32>} : memref<1x128xi32, #tpu.memory_space<vmem>>, vector<16xi32>,
      %add3A_113 = arith.addi %get3A_112, %add3A_24 : vector<16xi32>
      %swap3A_114 = arith.constant 0 : i32
      %swap3A_115 = arith.index_cast %swap3A_114 : i32 to index
      %swap3A_116 = arith.constant 112 : index
      %swap3A_117 = tpu.vector_load %arg6[%swap3A_115, %swap3A_116] {strides = array<i32>} : memref<1x128xi32, #tpu.memory_space<vmem>>, vector<16xi32>,
      tpu.vector_store %arg6[%swap3A_115, %swap3A_116], %add3A_113 {strides = array<i32>} : memref<1x128xi32, #tpu.memory_space<vmem>>, vector<16xi32>,
      %dma_start3A = arith.constant 0 : i32
      %dma_start3A_118 = arith.constant 0 : i32
      %dma_start3A_119 = tpu.memref_slice %arg6[%dma_start3A, %dma_start3A_118] : memref<1x128xi32, #tpu.memory_space<vmem>> -> memref<1x128xi32, #tpu.memory_space<vmem>>
      %dma_start3A_120 = tpu.memref_squeeze %dma_start3A_119 : memref<1x128xi32, #tpu.memory_space<vmem>> -> memref<128xi32, #tpu.memory_space<vmem>>
      %dma_start3A_121 = arith.constant 0 : i32
      %dma_start3A_122 = arith.constant 0 : i32
      %dma_start3A_123 = tpu.memref_slice %arg4[%dma_start3A_121, %dma_start3A_122] : memref<200000x16xf32, #tpu.memory_space<hbm>> -> memref<200000x16xf32, #tpu.memory_space<hbm>>
      tpu.enqueue_indirect_dma source(%dma_start3A_123 : memref<200000x16xf32, #tpu.memory_space<hbm>>) target(%arg8 : memref<128x16xf32, #tpu.memory_space<vmem>>) offsets(%dma_start3A_120 : memref<128xi32, #tpu.memory_space<vmem>>) semaphore(%arg11 : memref<!tpu.dma_semaphore, #tpu.memory_space<semaphore_mem>>)
      %dma_wait3A = arith.constant 0 : i32
      %dma_wait3A_124 = arith.constant 0 : i32
      %dma_wait3A_125 = tpu.memref_slice %arg6[%dma_wait3A, %dma_wait3A_124] : memref<1x128xi32, #tpu.memory_space<vmem>> -> memref<1x128xi32, #tpu.memory_space<vmem>>
      %dma_wait3A_126 = tpu.memref_squeeze %dma_wait3A_125 : memref<1x128xi32, #tpu.memory_space<vmem>> -> memref<128xi32, #tpu.memory_space<vmem>>
      %dma_wait3A_127 = arith.constant 0 : i32
      %dma_wait3A_128 = arith.constant 0 : i32
      %dma_wait3A_129 = tpu.memref_slice %arg4[%dma_wait3A_127, %dma_wait3A_128] : memref<200000x16xf32, #tpu.memory_space<hbm>> -> memref<200000x16xf32, #tpu.memory_space<hbm>>
      tpu.wait_indirect_dma semaphore(%arg11 : memref<!tpu.dma_semaphore, #tpu.memory_space<semaphore_mem>>) src(%dma_wait3A_129 : memref<200000x16xf32, #tpu.memory_space<hbm>>) dst(%arg8 : memref<128x16xf32, #tpu.memory_space<vmem>>)
      %run_scoped3A = arith.constant 0 : i32
      "tpu.region"() ({
        %run_scoped3A_131 = tpu.sem_alloc : memref<!tpu.dma_semaphore, #tpu.memory_space<semaphore_mem>>
        %dma_start3A_132 = arith.constant 0 : i32
        %dma_start3A_133 = tpu.memref_slice %arg7[%run_scoped3A, %dma_start3A_132] : memref<1x128xi32, #tpu.memory_space<vmem>> -> memref<1x128xi32, #tpu.memory_space<vmem>>
        %dma_start3A_134 = tpu.memref_squeeze %dma_start3A_133 : memref<1x128xi32, #tpu.memory_space<vmem>> -> memref<128xi32, #tpu.memory_space<vmem>>
        %dma_start3A_135 = arith.constant 0 : i32
        %dma_start3A_136 = arith.constant 0 : i32
        %dma_start3A_137 = tpu.memref_slice %arg10[%dma_start3A_135, %dma_start3A_136] : memref<100000x16xf32, #tpu.memory_space<vmem_shared>> -> memref<100000x16xf32, #tpu.memory_space<vmem_shared>>
        tpu.enqueue_indirect_dma source(%arg8 : memref<128x16xf32, #tpu.memory_space<vmem>>) target(%dma_start3A_137 : memref<100000x16xf32, #tpu.memory_space<vmem_shared>>) offsets(%dma_start3A_134 : memref<128xi32, #tpu.memory_space<vmem>>) semaphore(%run_scoped3A_131 : memref<!tpu.dma_semaphore, #tpu.memory_space<semaphore_mem>>) {add = true}
        %dma_wait3A_138 = arith.constant 0 : i32
        %dma_wait3A_139 = tpu.memref_slice %arg7[%run_scoped3A, %dma_wait3A_138] : memref<1x128xi32, #tpu.memory_space<vmem>> -> memref<1x128xi32, #tpu.memory_space<vmem>>
        %dma_wait3A_140 = tpu.memref_squeeze %dma_wait3A_139 : memref<1x128xi32, #tpu.memory_space<vmem>> -> memref<128xi32, #tpu.memory_space<vmem>>
        %dma_wait3A_141 = arith.constant 0 : i32
        %dma_wait3A_142 = arith.constant 0 : i32
        %dma_wait3A_143 = tpu.memref_slice %arg10[%dma_wait3A_141, %dma_wait3A_142] : memref<100000x16xf32, #tpu.memory_space<vmem_shared>> -> memref<100000x16xf32, #tpu.memory_space<vmem_shared>>
        tpu.wait_indirect_dma semaphore(%run_scoped3A_131 : memref<!tpu.dma_semaphore, #tpu.memory_space<semaphore_mem>>) src(%arg8 : memref<128x16xf32, #tpu.memory_space<vmem>>) dst(%dma_wait3A_143 : memref<100000x16xf32, #tpu.memory_space<vmem_shared>>)
        tpu.yield
      }) : () -> ()
      %while3A_130 = arith.constant 0 : i32
      scf.yield %while3A_130 : i32
    }
    %barrier3A_36 = arith.constant 0 : index
    tpu.barrier barrier_id(%barrier3A_36)
    %mul3A_37 = arith.constant 6250 : i32
    %mul3A_38 = arith.muli %arg1, %mul3A_37 : i32
    %mul3A_39 = arith.constant 100000 : i32
    %mul3A_40 = arith.muli %arg0, %mul3A_39 : i32
    %mul3A_41 = arith.constant 6250 : i32
    %mul3A_42 = arith.muli %arg1, %mul3A_41 : i32
    %add3A_43 = arith.addi %mul3A_40, %mul3A_42 : i32
    "tpu.region"() ({
      %run_scoped3A = tpu.sem_alloc : memref<!tpu.dma_semaphore, #tpu.memory_space<semaphore_mem>>
      %dma_start3A = arith.constant 0 : i32
      %dma_start3A_44 = tpu.memref_slice %arg5[%add3A_43, %dma_start3A] : memref<200000x16xf32, #tpu.memory_space<hbm>> -> memref<6250x16xf32, #tpu.memory_space<hbm>>
      %dma_start3A_45 = arith.constant 0 : i32
      %dma_start3A_46 = tpu.memref_slice %arg10[%mul3A_38, %dma_start3A_45] : memref<100000x16xf32, #tpu.memory_space<vmem_shared>> -> memref<6250x16xf32, #tpu.memory_space<vmem_shared>>
      tpu.enqueue_dma source(%dma_start3A_46 : memref<6250x16xf32, #tpu.memory_space<vmem_shared>>) target(%dma_start3A_44 : memref<6250x16xf32, #tpu.memory_space<hbm>>) target_semaphore(%run_scoped3A : memref<!tpu.dma_semaphore, #tpu.memory_space<semaphore_mem>>)
      %dma_wait3A = arith.constant 0 : i32
      %dma_wait3A_47 = tpu.memref_slice %arg5[%add3A_43, %dma_wait3A] : memref<200000x16xf32, #tpu.memory_space<hbm>> -> memref<6250x16xf32, #tpu.memory_space<hbm>>
      %dma_wait3A_48 = arith.constant 0 : i32
      %dma_wait3A_49 = tpu.memref_slice %arg10[%mul3A_38, %dma_wait3A_48] : memref<100000x16xf32, #tpu.memory_space<vmem_shared>> -> memref<6250x16xf32, #tpu.memory_space<vmem_shared>>
      tpu.wait_dma2 semaphore(%run_scoped3A : memref<!tpu.dma_semaphore, #tpu.memory_space<semaphore_mem>>) src(%dma_wait3A_49 : memref<6250x16xf32, #tpu.memory_space<vmem_shared>>) dst(%dma_wait3A_47 : memref<6250x16xf32, #tpu.memory_space<hbm>>)
      tpu.yield
    }) : () -> ()
    return
  }
}

#map = affine_map<(d0, d1) -> (0, 0)>
module attributes {stable_mosaic.version = 14 : i64} {
  func.func @agg1_kernel(%arg0: i32, %arg1: i32, %arg2: memref<12500x128xi32, #tpu.memory_space<hbm>>, %arg3: memref<12500x128xi32, #tpu.memory_space<hbm>>, %arg4: memref<100000x16xf32, #tpu.memory_space<hbm>>, %arg5: memref<200000x16xf32, #tpu.memory_space<hbm>>, %arg6: memref<1x128xi32, #tpu.memory_space<vmem>>, %arg7: memref<1x128xi32, #tpu.memory_space<vmem>>, %arg8: memref<128x16xf32, #tpu.memory_space<vmem>>, %arg9: memref<625x16xf32, #tpu.memory_space<vmem>>, %arg10: memref<100000x16xf32, #tpu.memory_space<vmem_shared>>, %arg11: memref<!tpu.dma_semaphore, #tpu.memory_space<semaphore_mem>>) attributes {dimension_semantics = [#tpu.dimension_semantics<core_parallel>, #tpu.dimension_semantics<subcore_parallel>], iteration_bounds = array<i64: 2, 16>, scalar_prefetch = 0 : i64, scratch_operands = 6 : i64, tpu.core_type = #tpu.core_type<sc_vector_subcore>, window_params = [{transform_indices = #map}, {transform_indices = #map}, {transform_indices = #map}, {transform_indices = #map}]} {
    %mul3A = arith.constant 2 : i32
    %mul3A_0 = arith.muli %arg1, %mul3A : i32
    %add3A = arith.addi %mul3A_0, %arg0 : i32
    %broadcast_in_dim3A = arith.constant 0.000000e+00 : f32
    %broadcast_in_dim3A_1 = vector.broadcast %broadcast_in_dim3A : f32 to vector<16xf32>
    %scan3A = arith.constant 0 : i32
    %scan3A_2 = arith.constant 0 : i32
    %scan3A_3 = arith.constant 625 : i32
    %scan3A_4 = arith.addi %scan3A_2, %scan3A_3 : i32
    %scan3A_5 = arith.constant 1 : i32
    %scan3A_6 = scf.for %scan3A_41 = %scan3A_2 to %scan3A_4 step %scan3A_5 iter_args(%scan3A_42 = %scan3A) -> (i32)  : i32 {
      %swap3A = arith.index_cast %scan3A_41 : i32 to index
      %swap3A_43 = arith.constant 0 : index
      %swap3A_44 = tpu.vector_load %arg9[%swap3A, %swap3A_43] {strides = array<i32>} : memref<625x16xf32, #tpu.memory_space<vmem>>, vector<16xf32>,
      tpu.vector_store %arg9[%swap3A, %swap3A_43], %broadcast_in_dim3A_1 {strides = array<i32>} : memref<625x16xf32, #tpu.memory_space<vmem>>, vector<16xf32>,
      %scan3A_45 = arith.constant 0 : i32
      scf.yield %scan3A_45 : i32
    }
    %scan3A_7 = arith.constant 625 : i32
    %scan3A_8 = arith.constant 0 : i32
    %scan3A_9 = arith.constant 0 : i32
    %scan3A_10 = arith.constant 10 : i32
    %scan3A_11 = arith.addi %scan3A_9, %scan3A_10 : i32
    %scan3A_12 = arith.constant 1 : i32
    %scan3A_13 = scf.for %scan3A_41 = %scan3A_9 to %scan3A_11 step %scan3A_12 iter_args(%scan3A_42 = %scan3A_8) -> (i32)  : i32 {
      %mul3A_43 = arith.constant 6250 : i32
      %mul3A_44 = arith.muli %arg1, %mul3A_43 : i32
      %mul3A_45 = arith.constant 625 : i32
      %mul3A_46 = arith.muli %scan3A_41, %mul3A_45 : i32
      %add3A_47 = arith.addi %mul3A_44, %mul3A_46 : i32
      "tpu.region"() ({
        %run_scoped3A = tpu.sem_alloc : memref<!tpu.dma_semaphore, #tpu.memory_space<semaphore_mem>>
        %dma_start3A = arith.constant 0 : i32
        %dma_start3A_49 = tpu.memref_slice %arg10[%add3A_47, %dma_start3A] : memref<100000x16xf32, #tpu.memory_space<vmem_shared>> -> memref<625x16xf32, #tpu.memory_space<vmem_shared>>
        %dma_start3A_50 = arith.constant 0 : i32
        %dma_start3A_51 = tpu.memref_slice %arg10[%add3A_47, %dma_start3A_50] : memref<100000x16xf32, #tpu.memory_space<vmem_shared>> -> memref<625x16xf32, #tpu.memory_space<vmem_shared>>
        tpu.enqueue_dma source(%arg9 : memref<625x16xf32, #tpu.memory_space<vmem>>) target(%dma_start3A_51 : memref<625x16xf32, #tpu.memory_space<vmem_shared>>) target_semaphore(%run_scoped3A : memref<!tpu.dma_semaphore, #tpu.memory_space<semaphore_mem>>)
        %dma_wait3A = arith.constant 0 : i32
        %dma_wait3A_52 = tpu.memref_slice %arg10[%add3A_47, %dma_wait3A] : memref<100000x16xf32, #tpu.memory_space<vmem_shared>> -> memref<625x16xf32, #tpu.memory_space<vmem_shared>>
        %dma_wait3A_53 = arith.constant 0 : i32
        %dma_wait3A_54 = tpu.memref_slice %arg10[%add3A_47, %dma_wait3A_53] : memref<100000x16xf32, #tpu.memory_space<vmem_shared>> -> memref<625x16xf32, #tpu.memory_space<vmem_shared>>
        tpu.wait_dma2 semaphore(%run_scoped3A : memref<!tpu.dma_semaphore, #tpu.memory_space<semaphore_mem>>) src(%arg9 : memref<625x16xf32, #tpu.memory_space<vmem>>) dst(%dma_wait3A_54 : memref<625x16xf32, #tpu.memory_space<vmem_shared>>)
        tpu.yield
      }) : () -> ()
      %scan3A_48 = arith.constant 0 : i32
      scf.yield %scan3A_48 : i32
    }
    %scan3A_14 = arith.constant 10 : i32
    %barrier3A = arith.constant 0 : index
    tpu.barrier barrier_id(%barrier3A)
    %lt3A = arith.constant 20 : i32
    %lt3A_15 = arith.cmpi slt, %add3A, %lt3A : i32
    %convert_element_type3A = arith.extui %lt3A_15 : i1 to i32
    %add3A_16 = arith.constant 390 : i32
    %add3A_17 = arith.addi %add3A_16, %convert_element_type3A : i32
    %mul3A_18 = arith.constant 390 : i32
    %mul3A_19 = arith.muli %add3A, %mul3A_18 : i32
    %min3A = arith.constant 20 : i32
    %min3A_20 = arith.minsi %add3A, %min3A : i32
    %add3A_21 = arith.addi %mul3A_19, %min3A_20 : i32
    %while3A = arith.constant 0 : i32
    %while3A_22 = arith.constant 0 : i32
    %while3A_23 = arith.subi %add3A_17, %while3A : i32
    %while3A_24 = arith.addi %while3A, %while3A_23 : i32
    %while3A_25 = arith.constant 1 : i32
    %while3A_26 = arith.divsi %while3A_23, %while3A_25 : i32
    %while3A_27 = arith.muli %while3A_26, %while3A_25 : i32
    %while3A_28 = arith.addi %while3A, %while3A_27 : i32
    %while3A_29 = arith.constant 1 : i32
    %while3A_30 = scf.for %while3A_41 = %while3A to %while3A_28 step %while3A_29 iter_args(%while3A_42 = %while3A_22) -> (i32)  : i32 {
      %add3A_43 = arith.addi %add3A_21, %while3A_41 : i32
      "tpu.region"() ({
        %run_scoped3A_58 = tpu.sem_alloc : memref<!tpu.dma_semaphore, #tpu.memory_space<semaphore_mem>>
        %dma_start3A_59 = arith.constant 0 : i32
        %dma_start3A_60 = tpu.memref_slice %arg2[%add3A_43, %dma_start3A_59] : memref<12500x128xi32, #tpu.memory_space<hbm>> -> memref<1x128xi32, #tpu.memory_space<hbm>>
        %dma_start3A_61 = arith.constant 0 : i32
        %dma_start3A_62 = tpu.memref_slice %arg2[%add3A_43, %dma_start3A_61] : memref<12500x128xi32, #tpu.memory_space<hbm>> -> memref<1x128xi32, #tpu.memory_space<hbm>>
        tpu.enqueue_dma source(%dma_start3A_62 : memref<1x128xi32, #tpu.memory_space<hbm>>) target(%arg6 : memref<1x128xi32, #tpu.memory_space<vmem>>) target_semaphore(%run_scoped3A_58 : memref<!tpu.dma_semaphore, #tpu.memory_space<semaphore_mem>>)
        %dma_wait3A_63 = arith.constant 0 : i32
        %dma_wait3A_64 = tpu.memref_slice %arg2[%add3A_43, %dma_wait3A_63] : memref<12500x128xi32, #tpu.memory_space<hbm>> -> memref<1x128xi32, #tpu.memory_space<hbm>>
        %dma_wait3A_65 = arith.constant 0 : i32
        %dma_wait3A_66 = tpu.memref_slice %arg2[%add3A_43, %dma_wait3A_65] : memref<12500x128xi32, #tpu.memory_space<hbm>> -> memref<1x128xi32, #tpu.memory_space<hbm>>
        tpu.wait_dma2 semaphore(%run_scoped3A_58 : memref<!tpu.dma_semaphore, #tpu.memory_space<semaphore_mem>>) src(%dma_wait3A_66 : memref<1x128xi32, #tpu.memory_space<hbm>>) dst(%arg6 : memref<1x128xi32, #tpu.memory_space<vmem>>)
        tpu.yield
      }) : () -> ()
      %add3A_44 = arith.addi %add3A_21, %while3A_41 : i32
      "tpu.region"() ({
        %run_scoped3A_58 = tpu.sem_alloc : memref<!tpu.dma_semaphore, #tpu.memory_space<semaphore_mem>>
        %dma_start3A_59 = arith.constant 0 : i32
        %dma_start3A_60 = tpu.memref_slice %arg3[%add3A_44, %dma_start3A_59] : memref<12500x128xi32, #tpu.memory_space<hbm>> -> memref<1x128xi32, #tpu.memory_space<hbm>>
        %dma_start3A_61 = arith.constant 0 : i32
        %dma_start3A_62 = tpu.memref_slice %arg3[%add3A_44, %dma_start3A_61] : memref<12500x128xi32, #tpu.memory_space<hbm>> -> memref<1x128xi32, #tpu.memory_space<hbm>>
        tpu.enqueue_dma source(%dma_start3A_62 : memref<1x128xi32, #tpu.memory_space<hbm>>) target(%arg7 : memref<1x128xi32, #tpu.memory_space<vmem>>) target_semaphore(%run_scoped3A_58 : memref<!tpu.dma_semaphore, #tpu.memory_space<semaphore_mem>>)
        %dma_wait3A_63 = arith.constant 0 : i32
        %dma_wait3A_64 = tpu.memref_slice %arg3[%add3A_44, %dma_wait3A_63] : memref<12500x128xi32, #tpu.memory_space<hbm>> -> memref<1x128xi32, #tpu.memory_space<hbm>>
        %dma_wait3A_65 = arith.constant 0 : i32
        %dma_wait3A_66 = tpu.memref_slice %arg3[%add3A_44, %dma_wait3A_65] : memref<12500x128xi32, #tpu.memory_space<hbm>> -> memref<1x128xi32, #tpu.memory_space<hbm>>
        tpu.wait_dma2 semaphore(%run_scoped3A_58 : memref<!tpu.dma_semaphore, #tpu.memory_space<semaphore_mem>>) src(%dma_wait3A_66 : memref<1x128xi32, #tpu.memory_space<hbm>>) dst(%arg7 : memref<1x128xi32, #tpu.memory_space<vmem>>)
        tpu.yield
      }) : () -> ()
      %dma_start3A = arith.constant 0 : i32
      %dma_start3A_45 = arith.constant 0 : i32
      %dma_start3A_46 = tpu.memref_slice %arg6[%dma_start3A, %dma_start3A_45] : memref<1x128xi32, #tpu.memory_space<vmem>> -> memref<1x128xi32, #tpu.memory_space<vmem>>
      %dma_start3A_47 = tpu.memref_squeeze %dma_start3A_46 : memref<1x128xi32, #tpu.memory_space<vmem>> -> memref<128xi32, #tpu.memory_space<vmem>>
      %dma_start3A_48 = arith.constant 0 : i32
      %dma_start3A_49 = arith.constant 0 : i32
      %dma_start3A_50 = tpu.memref_slice %arg4[%dma_start3A_48, %dma_start3A_49] : memref<100000x16xf32, #tpu.memory_space<hbm>> -> memref<100000x16xf32, #tpu.memory_space<hbm>>
      tpu.enqueue_indirect_dma source(%dma_start3A_50 : memref<100000x16xf32, #tpu.memory_space<hbm>>) target(%arg8 : memref<128x16xf32, #tpu.memory_space<vmem>>) offsets(%dma_start3A_47 : memref<128xi32, #tpu.memory_space<vmem>>) semaphore(%arg11 : memref<!tpu.dma_semaphore, #tpu.memory_space<semaphore_mem>>)
      %dma_wait3A = arith.constant 0 : i32
      %dma_wait3A_51 = arith.constant 0 : i32
      %dma_wait3A_52 = tpu.memref_slice %arg6[%dma_wait3A, %dma_wait3A_51] : memref<1x128xi32, #tpu.memory_space<vmem>> -> memref<1x128xi32, #tpu.memory_space<vmem>>
      %dma_wait3A_53 = tpu.memref_squeeze %dma_wait3A_52 : memref<1x128xi32, #tpu.memory_space<vmem>> -> memref<128xi32, #tpu.memory_space<vmem>>
      %dma_wait3A_54 = arith.constant 0 : i32
      %dma_wait3A_55 = arith.constant 0 : i32
      %dma_wait3A_56 = tpu.memref_slice %arg4[%dma_wait3A_54, %dma_wait3A_55] : memref<100000x16xf32, #tpu.memory_space<hbm>> -> memref<100000x16xf32, #tpu.memory_space<hbm>>
      tpu.wait_indirect_dma semaphore(%arg11 : memref<!tpu.dma_semaphore, #tpu.memory_space<semaphore_mem>>) src(%dma_wait3A_56 : memref<100000x16xf32, #tpu.memory_space<hbm>>) dst(%arg8 : memref<128x16xf32, #tpu.memory_space<vmem>>)
      %run_scoped3A = arith.constant 0 : i32
      "tpu.region"() ({
        %run_scoped3A_58 = tpu.sem_alloc : memref<!tpu.dma_semaphore, #tpu.memory_space<semaphore_mem>>
        %dma_start3A_59 = arith.constant 0 : i32
        %dma_start3A_60 = tpu.memref_slice %arg7[%run_scoped3A, %dma_start3A_59] : memref<1x128xi32, #tpu.memory_space<vmem>> -> memref<1x128xi32, #tpu.memory_space<vmem>>
        %dma_start3A_61 = tpu.memref_squeeze %dma_start3A_60 : memref<1x128xi32, #tpu.memory_space<vmem>> -> memref<128xi32, #tpu.memory_space<vmem>>
        %dma_start3A_62 = arith.constant 0 : i32
        %dma_start3A_63 = arith.constant 0 : i32
        %dma_start3A_64 = tpu.memref_slice %arg10[%dma_start3A_62, %dma_start3A_63] : memref<100000x16xf32, #tpu.memory_space<vmem_shared>> -> memref<100000x16xf32, #tpu.memory_space<vmem_shared>>
        tpu.enqueue_indirect_dma source(%arg8 : memref<128x16xf32, #tpu.memory_space<vmem>>) target(%dma_start3A_64 : memref<100000x16xf32, #tpu.memory_space<vmem_shared>>) offsets(%dma_start3A_61 : memref<128xi32, #tpu.memory_space<vmem>>) semaphore(%run_scoped3A_58 : memref<!tpu.dma_semaphore, #tpu.memory_space<semaphore_mem>>) {add = true}
        %dma_wait3A_65 = arith.constant 0 : i32
        %dma_wait3A_66 = tpu.memref_slice %arg7[%run_scoped3A, %dma_wait3A_65] : memref<1x128xi32, #tpu.memory_space<vmem>> -> memref<1x128xi32, #tpu.memory_space<vmem>>
        %dma_wait3A_67 = tpu.memref_squeeze %dma_wait3A_66 : memref<1x128xi32, #tpu.memory_space<vmem>> -> memref<128xi32, #tpu.memory_space<vmem>>
        %dma_wait3A_68 = arith.constant 0 : i32
        %dma_wait3A_69 = arith.constant 0 : i32
        %dma_wait3A_70 = tpu.memref_slice %arg10[%dma_wait3A_68, %dma_wait3A_69] : memref<100000x16xf32, #tpu.memory_space<vmem_shared>> -> memref<100000x16xf32, #tpu.memory_space<vmem_shared>>
        tpu.wait_indirect_dma semaphore(%run_scoped3A_58 : memref<!tpu.dma_semaphore, #tpu.memory_space<semaphore_mem>>) src(%arg8 : memref<128x16xf32, #tpu.memory_space<vmem>>) dst(%dma_wait3A_70 : memref<100000x16xf32, #tpu.memory_space<vmem_shared>>)
        tpu.yield
      }) : () -> ()
      %while3A_57 = arith.constant 0 : i32
      scf.yield %while3A_57 : i32
    }
    %while3A_31 = arith.constant 1 : i32
    %while3A_32 = scf.for %while3A_41 = %while3A_28 to %while3A_24 step %while3A_31 iter_args(%while3A_42 = %while3A_30) -> (i32)  : i32 {
      %add3A_43 = arith.addi %add3A_21, %while3A_41 : i32
      "tpu.region"() ({
        %run_scoped3A_58 = tpu.sem_alloc : memref<!tpu.dma_semaphore, #tpu.memory_space<semaphore_mem>>
        %dma_start3A_59 = arith.constant 0 : i32
        %dma_start3A_60 = tpu.memref_slice %arg2[%add3A_43, %dma_start3A_59] : memref<12500x128xi32, #tpu.memory_space<hbm>> -> memref<1x128xi32, #tpu.memory_space<hbm>>
        %dma_start3A_61 = arith.constant 0 : i32
        %dma_start3A_62 = tpu.memref_slice %arg2[%add3A_43, %dma_start3A_61] : memref<12500x128xi32, #tpu.memory_space<hbm>> -> memref<1x128xi32, #tpu.memory_space<hbm>>
        tpu.enqueue_dma source(%dma_start3A_62 : memref<1x128xi32, #tpu.memory_space<hbm>>) target(%arg6 : memref<1x128xi32, #tpu.memory_space<vmem>>) target_semaphore(%run_scoped3A_58 : memref<!tpu.dma_semaphore, #tpu.memory_space<semaphore_mem>>)
        %dma_wait3A_63 = arith.constant 0 : i32
        %dma_wait3A_64 = tpu.memref_slice %arg2[%add3A_43, %dma_wait3A_63] : memref<12500x128xi32, #tpu.memory_space<hbm>> -> memref<1x128xi32, #tpu.memory_space<hbm>>
        %dma_wait3A_65 = arith.constant 0 : i32
        %dma_wait3A_66 = tpu.memref_slice %arg2[%add3A_43, %dma_wait3A_65] : memref<12500x128xi32, #tpu.memory_space<hbm>> -> memref<1x128xi32, #tpu.memory_space<hbm>>
        tpu.wait_dma2 semaphore(%run_scoped3A_58 : memref<!tpu.dma_semaphore, #tpu.memory_space<semaphore_mem>>) src(%dma_wait3A_66 : memref<1x128xi32, #tpu.memory_space<hbm>>) dst(%arg6 : memref<1x128xi32, #tpu.memory_space<vmem>>)
        tpu.yield
      }) : () -> ()
      %add3A_44 = arith.addi %add3A_21, %while3A_41 : i32
      "tpu.region"() ({
        %run_scoped3A_58 = tpu.sem_alloc : memref<!tpu.dma_semaphore, #tpu.memory_space<semaphore_mem>>
        %dma_start3A_59 = arith.constant 0 : i32
        %dma_start3A_60 = tpu.memref_slice %arg3[%add3A_44, %dma_start3A_59] : memref<12500x128xi32, #tpu.memory_space<hbm>> -> memref<1x128xi32, #tpu.memory_space<hbm>>
        %dma_start3A_61 = arith.constant 0 : i32
        %dma_start3A_62 = tpu.memref_slice %arg3[%add3A_44, %dma_start3A_61] : memref<12500x128xi32, #tpu.memory_space<hbm>> -> memref<1x128xi32, #tpu.memory_space<hbm>>
        tpu.enqueue_dma source(%dma_start3A_62 : memref<1x128xi32, #tpu.memory_space<hbm>>) target(%arg7 : memref<1x128xi32, #tpu.memory_space<vmem>>) target_semaphore(%run_scoped3A_58 : memref<!tpu.dma_semaphore, #tpu.memory_space<semaphore_mem>>)
        %dma_wait3A_63 = arith.constant 0 : i32
        %dma_wait3A_64 = tpu.memref_slice %arg3[%add3A_44, %dma_wait3A_63] : memref<12500x128xi32, #tpu.memory_space<hbm>> -> memref<1x128xi32, #tpu.memory_space<hbm>>
        %dma_wait3A_65 = arith.constant 0 : i32
        %dma_wait3A_66 = tpu.memref_slice %arg3[%add3A_44, %dma_wait3A_65] : memref<12500x128xi32, #tpu.memory_space<hbm>> -> memref<1x128xi32, #tpu.memory_space<hbm>>
        tpu.wait_dma2 semaphore(%run_scoped3A_58 : memref<!tpu.dma_semaphore, #tpu.memory_space<semaphore_mem>>) src(%dma_wait3A_66 : memref<1x128xi32, #tpu.memory_space<hbm>>) dst(%arg7 : memref<1x128xi32, #tpu.memory_space<vmem>>)
        tpu.yield
      }) : () -> ()
      %dma_start3A = arith.constant 0 : i32
      %dma_start3A_45 = arith.constant 0 : i32
      %dma_start3A_46 = tpu.memref_slice %arg6[%dma_start3A, %dma_start3A_45] : memref<1x128xi32, #tpu.memory_space<vmem>> -> memref<1x128xi32, #tpu.memory_space<vmem>>
      %dma_start3A_47 = tpu.memref_squeeze %dma_start3A_46 : memref<1x128xi32, #tpu.memory_space<vmem>> -> memref<128xi32, #tpu.memory_space<vmem>>
      %dma_start3A_48 = arith.constant 0 : i32
      %dma_start3A_49 = arith.constant 0 : i32
      %dma_start3A_50 = tpu.memref_slice %arg4[%dma_start3A_48, %dma_start3A_49] : memref<100000x16xf32, #tpu.memory_space<hbm>> -> memref<100000x16xf32, #tpu.memory_space<hbm>>
      tpu.enqueue_indirect_dma source(%dma_start3A_50 : memref<100000x16xf32, #tpu.memory_space<hbm>>) target(%arg8 : memref<128x16xf32, #tpu.memory_space<vmem>>) offsets(%dma_start3A_47 : memref<128xi32, #tpu.memory_space<vmem>>) semaphore(%arg11 : memref<!tpu.dma_semaphore, #tpu.memory_space<semaphore_mem>>)
      %dma_wait3A = arith.constant 0 : i32
      %dma_wait3A_51 = arith.constant 0 : i32
      %dma_wait3A_52 = tpu.memref_slice %arg6[%dma_wait3A, %dma_wait3A_51] : memref<1x128xi32, #tpu.memory_space<vmem>> -> memref<1x128xi32, #tpu.memory_space<vmem>>
      %dma_wait3A_53 = tpu.memref_squeeze %dma_wait3A_52 : memref<1x128xi32, #tpu.memory_space<vmem>> -> memref<128xi32, #tpu.memory_space<vmem>>
      %dma_wait3A_54 = arith.constant 0 : i32
      %dma_wait3A_55 = arith.constant 0 : i32
      %dma_wait3A_56 = tpu.memref_slice %arg4[%dma_wait3A_54, %dma_wait3A_55] : memref<100000x16xf32, #tpu.memory_space<hbm>> -> memref<100000x16xf32, #tpu.memory_space<hbm>>
      tpu.wait_indirect_dma semaphore(%arg11 : memref<!tpu.dma_semaphore, #tpu.memory_space<semaphore_mem>>) src(%dma_wait3A_56 : memref<100000x16xf32, #tpu.memory_space<hbm>>) dst(%arg8 : memref<128x16xf32, #tpu.memory_space<vmem>>)
      %run_scoped3A = arith.constant 0 : i32
      "tpu.region"() ({
        %run_scoped3A_58 = tpu.sem_alloc : memref<!tpu.dma_semaphore, #tpu.memory_space<semaphore_mem>>
        %dma_start3A_59 = arith.constant 0 : i32
        %dma_start3A_60 = tpu.memref_slice %arg7[%run_scoped3A, %dma_start3A_59] : memref<1x128xi32, #tpu.memory_space<vmem>> -> memref<1x128xi32, #tpu.memory_space<vmem>>
        %dma_start3A_61 = tpu.memref_squeeze %dma_start3A_60 : memref<1x128xi32, #tpu.memory_space<vmem>> -> memref<128xi32, #tpu.memory_space<vmem>>
        %dma_start3A_62 = arith.constant 0 : i32
        %dma_start3A_63 = arith.constant 0 : i32
        %dma_start3A_64 = tpu.memref_slice %arg10[%dma_start3A_62, %dma_start3A_63] : memref<100000x16xf32, #tpu.memory_space<vmem_shared>> -> memref<100000x16xf32, #tpu.memory_space<vmem_shared>>
        tpu.enqueue_indirect_dma source(%arg8 : memref<128x16xf32, #tpu.memory_space<vmem>>) target(%dma_start3A_64 : memref<100000x16xf32, #tpu.memory_space<vmem_shared>>) offsets(%dma_start3A_61 : memref<128xi32, #tpu.memory_space<vmem>>) semaphore(%run_scoped3A_58 : memref<!tpu.dma_semaphore, #tpu.memory_space<semaphore_mem>>) {add = true}
        %dma_wait3A_65 = arith.constant 0 : i32
        %dma_wait3A_66 = tpu.memref_slice %arg7[%run_scoped3A, %dma_wait3A_65] : memref<1x128xi32, #tpu.memory_space<vmem>> -> memref<1x128xi32, #tpu.memory_space<vmem>>
        %dma_wait3A_67 = tpu.memref_squeeze %dma_wait3A_66 : memref<1x128xi32, #tpu.memory_space<vmem>> -> memref<128xi32, #tpu.memory_space<vmem>>
        %dma_wait3A_68 = arith.constant 0 : i32
        %dma_wait3A_69 = arith.constant 0 : i32
        %dma_wait3A_70 = tpu.memref_slice %arg10[%dma_wait3A_68, %dma_wait3A_69] : memref<100000x16xf32, #tpu.memory_space<vmem_shared>> -> memref<100000x16xf32, #tpu.memory_space<vmem_shared>>
        tpu.wait_indirect_dma semaphore(%run_scoped3A_58 : memref<!tpu.dma_semaphore, #tpu.memory_space<semaphore_mem>>) src(%arg8 : memref<128x16xf32, #tpu.memory_space<vmem>>) dst(%dma_wait3A_70 : memref<100000x16xf32, #tpu.memory_space<vmem_shared>>)
        tpu.yield
      }) : () -> ()
      %while3A_57 = arith.constant 0 : i32
      scf.yield %while3A_57 : i32
    }
    %barrier3A_33 = arith.constant 0 : index
    tpu.barrier barrier_id(%barrier3A_33)
    %mul3A_34 = arith.constant 6250 : i32
    %mul3A_35 = arith.muli %arg1, %mul3A_34 : i32
    %mul3A_36 = arith.constant 100000 : i32
    %mul3A_37 = arith.muli %arg0, %mul3A_36 : i32
    %mul3A_38 = arith.constant 6250 : i32
    %mul3A_39 = arith.muli %arg1, %mul3A_38 : i32
    %add3A_40 = arith.addi %mul3A_37, %mul3A_39 : i32
    "tpu.region"() ({
      %run_scoped3A = tpu.sem_alloc : memref<!tpu.dma_semaphore, #tpu.memory_space<semaphore_mem>>
      %dma_start3A = arith.constant 0 : i32
      %dma_start3A_41 = tpu.memref_slice %arg5[%add3A_40, %dma_start3A] : memref<200000x16xf32, #tpu.memory_space<hbm>> -> memref<6250x16xf32, #tpu.memory_space<hbm>>
      %dma_start3A_42 = arith.constant 0 : i32
      %dma_start3A_43 = tpu.memref_slice %arg10[%mul3A_35, %dma_start3A_42] : memref<100000x16xf32, #tpu.memory_space<vmem_shared>> -> memref<6250x16xf32, #tpu.memory_space<vmem_shared>>
      tpu.enqueue_dma source(%dma_start3A_43 : memref<6250x16xf32, #tpu.memory_space<vmem_shared>>) target(%dma_start3A_41 : memref<6250x16xf32, #tpu.memory_space<hbm>>) target_semaphore(%run_scoped3A : memref<!tpu.dma_semaphore, #tpu.memory_space<semaphore_mem>>)
      %dma_wait3A = arith.constant 0 : i32
      %dma_wait3A_44 = tpu.memref_slice %arg5[%add3A_40, %dma_wait3A] : memref<200000x16xf32, #tpu.memory_space<hbm>> -> memref<6250x16xf32, #tpu.memory_space<hbm>>
      %dma_wait3A_45 = arith.constant 0 : i32
      %dma_wait3A_46 = tpu.memref_slice %arg10[%mul3A_35, %dma_wait3A_45] : memref<100000x16xf32, #tpu.memory_space<vmem_shared>> -> memref<6250x16xf32, #tpu.memory_space<vmem_shared>>
      tpu.wait_dma2 semaphore(%run_scoped3A : memref<!tpu.dma_semaphore, #tpu.memory_space<semaphore_mem>>) src(%dma_wait3A_46 : memref<6250x16xf32, #tpu.memory_space<vmem_shared>>) dst(%dma_wait3A_44 : memref<6250x16xf32, #tpu.memory_space<hbm>>)
      tpu.yield
    }) : () -> ()
    return
  }
}

#map = affine_map<(d0, d1) -> (0, 0)>
module attributes {stable_mosaic.version = 14 : i64} {
  func.func @deg_kernel(%arg0: i32, %arg1: i32, %arg2: memref<12500x128xi32, #tpu.memory_space<hbm>>, %arg3: memref<200000x16xf32, #tpu.memory_space<hbm>>, %arg4: memref<1x128xi32, #tpu.memory_space<vmem>>, %arg5: memref<128x16xf32, #tpu.memory_space<vmem>>, %arg6: memref<625x16xf32, #tpu.memory_space<vmem>>, %arg7: memref<100000x16xf32, #tpu.memory_space<vmem_shared>>) attributes {dimension_semantics = [#tpu.dimension_semantics<core_parallel>, #tpu.dimension_semantics<subcore_parallel>], iteration_bounds = array<i64: 2, 16>, scalar_prefetch = 0 : i64, scratch_operands = 4 : i64, tpu.core_type = #tpu.core_type<sc_vector_subcore>, window_params = [{transform_indices = #map}, {transform_indices = #map}]} {
    %mul3A = arith.constant 2 : i32
    %mul3A_0 = arith.muli %arg1, %mul3A : i32
    %add3A = arith.addi %mul3A_0, %arg0 : i32
    %broadcast_in_dim3A = arith.constant 1.000000e+00 : f32
    %broadcast_in_dim3A_1 = vector.broadcast %broadcast_in_dim3A : f32 to vector<16xf32>
    %scan3A = arith.constant 0 : i32
    %scan3A_2 = arith.constant 0 : i32
    %scan3A_3 = arith.constant 128 : i32
    %scan3A_4 = arith.addi %scan3A_2, %scan3A_3 : i32
    %scan3A_5 = arith.constant 1 : i32
    %scan3A_6 = scf.for %scan3A_50 = %scan3A_2 to %scan3A_4 step %scan3A_5 iter_args(%scan3A_51 = %scan3A) -> (i32)  : i32 {
      %swap3A = arith.index_cast %scan3A_50 : i32 to index
      %swap3A_52 = arith.constant 0 : index
      %swap3A_53 = tpu.vector_load %arg5[%swap3A, %swap3A_52] {strides = array<i32>} : memref<128x16xf32, #tpu.memory_space<vmem>>, vector<16xf32>,
      tpu.vector_store %arg5[%swap3A, %swap3A_52], %broadcast_in_dim3A_1 {strides = array<i32>} : memref<128x16xf32, #tpu.memory_space<vmem>>, vector<16xf32>,
      %scan3A_54 = arith.constant 0 : i32
      scf.yield %scan3A_54 : i32
    }
    %scan3A_7 = arith.constant 128 : i32
    %broadcast_in_dim3A_8 = arith.constant 0.000000e+00 : f32
    %broadcast_in_dim3A_9 = vector.broadcast %broadcast_in_dim3A_8 : f32 to vector<16xf32>
    %scan3A_10 = arith.constant 0 : i32
    %scan3A_11 = arith.constant 0 : i32
    %scan3A_12 = arith.constant 625 : i32
    %scan3A_13 = arith.addi %scan3A_11, %scan3A_12 : i32
    %scan3A_14 = arith.constant 1 : i32
    %scan3A_15 = scf.for %scan3A_50 = %scan3A_11 to %scan3A_13 step %scan3A_14 iter_args(%scan3A_51 = %scan3A_10) -> (i32)  : i32 {
      %swap3A = arith.index_cast %scan3A_50 : i32 to index
      %swap3A_52 = arith.constant 0 : index
      %swap3A_53 = tpu.vector_load %arg6[%swap3A, %swap3A_52] {strides = array<i32>} : memref<625x16xf32, #tpu.memory_space<vmem>>, vector<16xf32>,
      tpu.vector_store %arg6[%swap3A, %swap3A_52], %broadcast_in_dim3A_9 {strides = array<i32>} : memref<625x16xf32, #tpu.memory_space<vmem>>, vector<16xf32>,
      %scan3A_54 = arith.constant 0 : i32
      scf.yield %scan3A_54 : i32
    }
    %scan3A_16 = arith.constant 625 : i32
    %scan3A_17 = arith.constant 0 : i32
    %scan3A_18 = arith.constant 0 : i32
    %scan3A_19 = arith.constant 10 : i32
    %scan3A_20 = arith.addi %scan3A_18, %scan3A_19 : i32
    %scan3A_21 = arith.constant 1 : i32
    %scan3A_22 = scf.for %scan3A_50 = %scan3A_18 to %scan3A_20 step %scan3A_21 iter_args(%scan3A_51 = %scan3A_17) -> (i32)  : i32 {
      %mul3A_52 = arith.constant 6250 : i32
      %mul3A_53 = arith.muli %arg1, %mul3A_52 : i32
      %mul3A_54 = arith.constant 625 : i32
      %mul3A_55 = arith.muli %scan3A_50, %mul3A_54 : i32
      %add3A_56 = arith.addi %mul3A_53, %mul3A_55 : i32
      "tpu.region"() ({
        %run_scoped3A = tpu.sem_alloc : memref<!tpu.dma_semaphore, #tpu.memory_space<semaphore_mem>>
        %dma_start3A = arith.constant 0 : i32
        %dma_start3A_58 = tpu.memref_slice %arg7[%add3A_56, %dma_start3A] : memref<100000x16xf32, #tpu.memory_space<vmem_shared>> -> memref<625x16xf32, #tpu.memory_space<vmem_shared>>
        %dma_start3A_59 = arith.constant 0 : i32
        %dma_start3A_60 = tpu.memref_slice %arg7[%add3A_56, %dma_start3A_59] : memref<100000x16xf32, #tpu.memory_space<vmem_shared>> -> memref<625x16xf32, #tpu.memory_space<vmem_shared>>
        tpu.enqueue_dma source(%arg6 : memref<625x16xf32, #tpu.memory_space<vmem>>) target(%dma_start3A_60 : memref<625x16xf32, #tpu.memory_space<vmem_shared>>) target_semaphore(%run_scoped3A : memref<!tpu.dma_semaphore, #tpu.memory_space<semaphore_mem>>)
        %dma_wait3A = arith.constant 0 : i32
        %dma_wait3A_61 = tpu.memref_slice %arg7[%add3A_56, %dma_wait3A] : memref<100000x16xf32, #tpu.memory_space<vmem_shared>> -> memref<625x16xf32, #tpu.memory_space<vmem_shared>>
        %dma_wait3A_62 = arith.constant 0 : i32
        %dma_wait3A_63 = tpu.memref_slice %arg7[%add3A_56, %dma_wait3A_62] : memref<100000x16xf32, #tpu.memory_space<vmem_shared>> -> memref<625x16xf32, #tpu.memory_space<vmem_shared>>
        tpu.wait_dma2 semaphore(%run_scoped3A : memref<!tpu.dma_semaphore, #tpu.memory_space<semaphore_mem>>) src(%arg6 : memref<625x16xf32, #tpu.memory_space<vmem>>) dst(%dma_wait3A_63 : memref<625x16xf32, #tpu.memory_space<vmem_shared>>)
        tpu.yield
      }) : () -> ()
      %scan3A_57 = arith.constant 0 : i32
      scf.yield %scan3A_57 : i32
    }
    %scan3A_23 = arith.constant 10 : i32
    %barrier3A = arith.constant 0 : index
    tpu.barrier barrier_id(%barrier3A)
    %lt3A = arith.constant 20 : i32
    %lt3A_24 = arith.cmpi slt, %add3A, %lt3A : i32
    %convert_element_type3A = arith.extui %lt3A_24 : i1 to i32
    %add3A_25 = arith.constant 390 : i32
    %add3A_26 = arith.addi %add3A_25, %convert_element_type3A : i32
    %mul3A_27 = arith.constant 390 : i32
    %mul3A_28 = arith.muli %add3A, %mul3A_27 : i32
    %min3A = arith.constant 20 : i32
    %min3A_29 = arith.minsi %add3A, %min3A : i32
    %add3A_30 = arith.addi %mul3A_28, %min3A_29 : i32
    %while3A = arith.constant 0 : i32
    %while3A_31 = arith.constant 0 : i32
    %while3A_32 = arith.subi %add3A_26, %while3A : i32
    %while3A_33 = arith.addi %while3A, %while3A_32 : i32
    %while3A_34 = arith.constant 1 : i32
    %while3A_35 = arith.divsi %while3A_32, %while3A_34 : i32
    %while3A_36 = arith.muli %while3A_35, %while3A_34 : i32
    %while3A_37 = arith.addi %while3A, %while3A_36 : i32
    %while3A_38 = arith.constant 1 : i32
    %while3A_39 = scf.for %while3A_50 = %while3A to %while3A_37 step %while3A_38 iter_args(%while3A_51 = %while3A_31) -> (i32)  : i32 {
      %add3A_52 = arith.addi %add3A_30, %while3A_50 : i32
      "tpu.region"() ({
        %run_scoped3A_54 = tpu.sem_alloc : memref<!tpu.dma_semaphore, #tpu.memory_space<semaphore_mem>>
        %dma_start3A = arith.constant 0 : i32
        %dma_start3A_55 = tpu.memref_slice %arg2[%add3A_52, %dma_start3A] : memref<12500x128xi32, #tpu.memory_space<hbm>> -> memref<1x128xi32, #tpu.memory_space<hbm>>
        %dma_start3A_56 = arith.constant 0 : i32
        %dma_start3A_57 = tpu.memref_slice %arg2[%add3A_52, %dma_start3A_56] : memref<12500x128xi32, #tpu.memory_space<hbm>> -> memref<1x128xi32, #tpu.memory_space<hbm>>
        tpu.enqueue_dma source(%dma_start3A_57 : memref<1x128xi32, #tpu.memory_space<hbm>>) target(%arg4 : memref<1x128xi32, #tpu.memory_space<vmem>>) target_semaphore(%run_scoped3A_54 : memref<!tpu.dma_semaphore, #tpu.memory_space<semaphore_mem>>)
        %dma_wait3A = arith.constant 0 : i32
        %dma_wait3A_58 = tpu.memref_slice %arg2[%add3A_52, %dma_wait3A] : memref<12500x128xi32, #tpu.memory_space<hbm>> -> memref<1x128xi32, #tpu.memory_space<hbm>>
        %dma_wait3A_59 = arith.constant 0 : i32
        %dma_wait3A_60 = tpu.memref_slice %arg2[%add3A_52, %dma_wait3A_59] : memref<12500x128xi32, #tpu.memory_space<hbm>> -> memref<1x128xi32, #tpu.memory_space<hbm>>
        tpu.wait_dma2 semaphore(%run_scoped3A_54 : memref<!tpu.dma_semaphore, #tpu.memory_space<semaphore_mem>>) src(%dma_wait3A_60 : memref<1x128xi32, #tpu.memory_space<hbm>>) dst(%arg4 : memref<1x128xi32, #tpu.memory_space<vmem>>)
        tpu.yield
      }) : () -> ()
      %run_scoped3A = arith.constant 0 : i32
      "tpu.region"() ({
        %run_scoped3A_54 = tpu.sem_alloc : memref<!tpu.dma_semaphore, #tpu.memory_space<semaphore_mem>>
        %dma_start3A = arith.constant 0 : i32
        %dma_start3A_55 = tpu.memref_slice %arg4[%run_scoped3A, %dma_start3A] : memref<1x128xi32, #tpu.memory_space<vmem>> -> memref<1x128xi32, #tpu.memory_space<vmem>>
        %dma_start3A_56 = tpu.memref_squeeze %dma_start3A_55 : memref<1x128xi32, #tpu.memory_space<vmem>> -> memref<128xi32, #tpu.memory_space<vmem>>
        %dma_start3A_57 = arith.constant 0 : i32
        %dma_start3A_58 = arith.constant 0 : i32
        %dma_start3A_59 = tpu.memref_slice %arg7[%dma_start3A_57, %dma_start3A_58] : memref<100000x16xf32, #tpu.memory_space<vmem_shared>> -> memref<100000x16xf32, #tpu.memory_space<vmem_shared>>
        tpu.enqueue_indirect_dma source(%arg5 : memref<128x16xf32, #tpu.memory_space<vmem>>) target(%dma_start3A_59 : memref<100000x16xf32, #tpu.memory_space<vmem_shared>>) offsets(%dma_start3A_56 : memref<128xi32, #tpu.memory_space<vmem>>) semaphore(%run_scoped3A_54 : memref<!tpu.dma_semaphore, #tpu.memory_space<semaphore_mem>>) {add = true}
        %dma_wait3A = arith.constant 0 : i32
        %dma_wait3A_60 = tpu.memref_slice %arg4[%run_scoped3A, %dma_wait3A] : memref<1x128xi32, #tpu.memory_space<vmem>> -> memref<1x128xi32, #tpu.memory_space<vmem>>
        %dma_wait3A_61 = tpu.memref_squeeze %dma_wait3A_60 : memref<1x128xi32, #tpu.memory_space<vmem>> -> memref<128xi32, #tpu.memory_space<vmem>>
        %dma_wait3A_62 = arith.constant 0 : i32
        %dma_wait3A_63 = arith.constant 0 : i32
        %dma_wait3A_64 = tpu.memref_slice %arg7[%dma_wait3A_62, %dma_wait3A_63] : memref<100000x16xf32, #tpu.memory_space<vmem_shared>> -> memref<100000x16xf32, #tpu.memory_space<vmem_shared>>
        tpu.wait_indirect_dma semaphore(%run_scoped3A_54 : memref<!tpu.dma_semaphore, #tpu.memory_space<semaphore_mem>>) src(%arg5 : memref<128x16xf32, #tpu.memory_space<vmem>>) dst(%dma_wait3A_64 : memref<100000x16xf32, #tpu.memory_space<vmem_shared>>)
        tpu.yield
      }) : () -> ()
      %while3A_53 = arith.constant 0 : i32
      scf.yield %while3A_53 : i32
    }
    %while3A_40 = arith.constant 1 : i32
    %while3A_41 = scf.for %while3A_50 = %while3A_37 to %while3A_33 step %while3A_40 iter_args(%while3A_51 = %while3A_39) -> (i32)  : i32 {
      %add3A_52 = arith.addi %add3A_30, %while3A_50 : i32
      "tpu.region"() ({
        %run_scoped3A_54 = tpu.sem_alloc : memref<!tpu.dma_semaphore, #tpu.memory_space<semaphore_mem>>
        %dma_start3A = arith.constant 0 : i32
        %dma_start3A_55 = tpu.memref_slice %arg2[%add3A_52, %dma_start3A] : memref<12500x128xi32, #tpu.memory_space<hbm>> -> memref<1x128xi32, #tpu.memory_space<hbm>>
        %dma_start3A_56 = arith.constant 0 : i32
        %dma_start3A_57 = tpu.memref_slice %arg2[%add3A_52, %dma_start3A_56] : memref<12500x128xi32, #tpu.memory_space<hbm>> -> memref<1x128xi32, #tpu.memory_space<hbm>>
        tpu.enqueue_dma source(%dma_start3A_57 : memref<1x128xi32, #tpu.memory_space<hbm>>) target(%arg4 : memref<1x128xi32, #tpu.memory_space<vmem>>) target_semaphore(%run_scoped3A_54 : memref<!tpu.dma_semaphore, #tpu.memory_space<semaphore_mem>>)
        %dma_wait3A = arith.constant 0 : i32
        %dma_wait3A_58 = tpu.memref_slice %arg2[%add3A_52, %dma_wait3A] : memref<12500x128xi32, #tpu.memory_space<hbm>> -> memref<1x128xi32, #tpu.memory_space<hbm>>
        %dma_wait3A_59 = arith.constant 0 : i32
        %dma_wait3A_60 = tpu.memref_slice %arg2[%add3A_52, %dma_wait3A_59] : memref<12500x128xi32, #tpu.memory_space<hbm>> -> memref<1x128xi32, #tpu.memory_space<hbm>>
        tpu.wait_dma2 semaphore(%run_scoped3A_54 : memref<!tpu.dma_semaphore, #tpu.memory_space<semaphore_mem>>) src(%dma_wait3A_60 : memref<1x128xi32, #tpu.memory_space<hbm>>) dst(%arg4 : memref<1x128xi32, #tpu.memory_space<vmem>>)
        tpu.yield
      }) : () -> ()
      %run_scoped3A = arith.constant 0 : i32
      "tpu.region"() ({
        %run_scoped3A_54 = tpu.sem_alloc : memref<!tpu.dma_semaphore, #tpu.memory_space<semaphore_mem>>
        %dma_start3A = arith.constant 0 : i32
        %dma_start3A_55 = tpu.memref_slice %arg4[%run_scoped3A, %dma_start3A] : memref<1x128xi32, #tpu.memory_space<vmem>> -> memref<1x128xi32, #tpu.memory_space<vmem>>
        %dma_start3A_56 = tpu.memref_squeeze %dma_start3A_55 : memref<1x128xi32, #tpu.memory_space<vmem>> -> memref<128xi32, #tpu.memory_space<vmem>>
        %dma_start3A_57 = arith.constant 0 : i32
        %dma_start3A_58 = arith.constant 0 : i32
        %dma_start3A_59 = tpu.memref_slice %arg7[%dma_start3A_57, %dma_start3A_58] : memref<100000x16xf32, #tpu.memory_space<vmem_shared>> -> memref<100000x16xf32, #tpu.memory_space<vmem_shared>>
        tpu.enqueue_indirect_dma source(%arg5 : memref<128x16xf32, #tpu.memory_space<vmem>>) target(%dma_start3A_59 : memref<100000x16xf32, #tpu.memory_space<vmem_shared>>) offsets(%dma_start3A_56 : memref<128xi32, #tpu.memory_space<vmem>>) semaphore(%run_scoped3A_54 : memref<!tpu.dma_semaphore, #tpu.memory_space<semaphore_mem>>) {add = true}
        %dma_wait3A = arith.constant 0 : i32
        %dma_wait3A_60 = tpu.memref_slice %arg4[%run_scoped3A, %dma_wait3A] : memref<1x128xi32, #tpu.memory_space<vmem>> -> memref<1x128xi32, #tpu.memory_space<vmem>>
        %dma_wait3A_61 = tpu.memref_squeeze %dma_wait3A_60 : memref<1x128xi32, #tpu.memory_space<vmem>> -> memref<128xi32, #tpu.memory_space<vmem>>
        %dma_wait3A_62 = arith.constant 0 : i32
        %dma_wait3A_63 = arith.constant 0 : i32
        %dma_wait3A_64 = tpu.memref_slice %arg7[%dma_wait3A_62, %dma_wait3A_63] : memref<100000x16xf32, #tpu.memory_space<vmem_shared>> -> memref<100000x16xf32, #tpu.memory_space<vmem_shared>>
        tpu.wait_indirect_dma semaphore(%run_scoped3A_54 : memref<!tpu.dma_semaphore, #tpu.memory_space<semaphore_mem>>) src(%arg5 : memref<128x16xf32, #tpu.memory_space<vmem>>) dst(%dma_wait3A_64 : memref<100000x16xf32, #tpu.memory_space<vmem_shared>>)
        tpu.yield
      }) : () -> ()
      %while3A_53 = arith.constant 0 : i32
      scf.yield %while3A_53 : i32
    }
    %barrier3A_42 = arith.constant 0 : index
    tpu.barrier barrier_id(%barrier3A_42)
    %mul3A_43 = arith.constant 6250 : i32
    %mul3A_44 = arith.muli %arg1, %mul3A_43 : i32
    %mul3A_45 = arith.constant 100000 : i32
    %mul3A_46 = arith.muli %arg0, %mul3A_45 : i32
    %mul3A_47 = arith.constant 6250 : i32
    %mul3A_48 = arith.muli %arg1, %mul3A_47 : i32
    %add3A_49 = arith.addi %mul3A_46, %mul3A_48 : i32
    "tpu.region"() ({
      %run_scoped3A = tpu.sem_alloc : memref<!tpu.dma_semaphore, #tpu.memory_space<semaphore_mem>>
      %dma_start3A = arith.constant 0 : i32
      %dma_start3A_50 = tpu.memref_slice %arg3[%add3A_49, %dma_start3A] : memref<200000x16xf32, #tpu.memory_space<hbm>> -> memref<6250x16xf32, #tpu.memory_space<hbm>>
      %dma_start3A_51 = arith.constant 0 : i32
      %dma_start3A_52 = tpu.memref_slice %arg7[%mul3A_44, %dma_start3A_51] : memref<100000x16xf32, #tpu.memory_space<vmem_shared>> -> memref<6250x16xf32, #tpu.memory_space<vmem_shared>>
      tpu.enqueue_dma source(%dma_start3A_52 : memref<6250x16xf32, #tpu.memory_space<vmem_shared>>) target(%dma_start3A_50 : memref<6250x16xf32, #tpu.memory_space<hbm>>) target_semaphore(%run_scoped3A : memref<!tpu.dma_semaphore, #tpu.memory_space<semaphore_mem>>)
      %dma_wait3A = arith.constant 0 : i32
      %dma_wait3A_53 = tpu.memref_slice %arg3[%add3A_49, %dma_wait3A] : memref<200000x16xf32, #tpu.memory_space<hbm>> -> memref<6250x16xf32, #tpu.memory_space<hbm>>
      %dma_wait3A_54 = arith.constant 0 : i32
      %dma_wait3A_55 = tpu.memref_slice %arg7[%mul3A_44, %dma_wait3A_54] : memref<100000x16xf32, #tpu.memory_space<vmem_shared>> -> memref<6250x16xf32, #tpu.memory_space<vmem_shared>>
      tpu.wait_dma2 semaphore(%run_scoped3A : memref<!tpu.dma_semaphore, #tpu.memory_space<semaphore_mem>>) src(%dma_wait3A_55 : memref<6250x16xf32, #tpu.memory_space<vmem_shared>>) dst(%dma_wait3A_53 : memref<6250x16xf32, #tpu.memory_space<hbm>>)
      tpu.yield
    }) : () -> ()
    return
  }
}

#map = affine_map<(d0, d1) -> (0, 0)>
#map1 = affine_map<(d0, d1) -> (0)>
module attributes {stable_mosaic.version = 14 : i64} {
  func.func @mlp_kernel(%arg0: i32, %arg1: i32, %arg2: memref<12500x128xi32, #tpu.memory_space<hbm>>, %arg3: memref<12500x128xi32, #tpu.memory_space<hbm>>, %arg4: memref<12500x128xf32, #tpu.memory_space<hbm>>, %arg5: memref<200000x16xf32, #tpu.memory_space<hbm>>, %arg6: memref<16x16xf32, #tpu.memory_space<hbm>>, %arg7: memref<16x16xf32, #tpu.memory_space<hbm>>, %arg8: memref<16xf32, #tpu.memory_space<hbm>>, %arg9: memref<12500x128xf32, #tpu.memory_space<hbm>>, %arg10: memref<1x128xi32, #tpu.memory_space<vmem>>, %arg11: memref<1x128xi32, #tpu.memory_space<vmem>>, %arg12: memref<1x128xf32, #tpu.memory_space<vmem>>, %arg13: memref<128x16xf32, #tpu.memory_space<vmem>>, %arg14: memref<128x16xf32, #tpu.memory_space<vmem>>, %arg15: memref<1x128xf32, #tpu.memory_space<vmem>>, %arg16: memref<16x16xf32, #tpu.memory_space<vmem>>, %arg17: memref<16x16xf32, #tpu.memory_space<vmem>>, %arg18: memref<16xf32, #tpu.memory_space<vmem>>, %arg19: memref<!tpu.dma_semaphore, #tpu.memory_space<semaphore_mem>>, %arg20: memref<!tpu.dma_semaphore, #tpu.memory_space<semaphore_mem>>) attributes {dimension_semantics = [#tpu.dimension_semantics<core_parallel>, #tpu.dimension_semantics<subcore_parallel>], iteration_bounds = array<i64: 2, 16>, scalar_prefetch = 0 : i64, scratch_operands = 11 : i64, tpu.core_type = #tpu.core_type<sc_vector_subcore>, window_params = [{transform_indices = #map}, {transform_indices = #map}, {transform_indices = #map}, {transform_indices = #map}, {transform_indices = #map}, {transform_indices = #map}, {transform_indices = #map1}, {transform_indices = #map}]} {
    %mul3A = arith.constant 2 : i32
    %mul3A_0 = arith.muli %arg1, %mul3A : i32
    %add3A = arith.addi %mul3A_0, %arg0 : i32
    "tpu.region"() ({
      %run_scoped3A = tpu.sem_alloc : memref<!tpu.dma_semaphore, #tpu.memory_space<semaphore_mem>>
      tpu.enqueue_dma source(%arg6 : memref<16x16xf32, #tpu.memory_space<hbm>>) target(%arg16 : memref<16x16xf32, #tpu.memory_space<vmem>>) target_semaphore(%run_scoped3A : memref<!tpu.dma_semaphore, #tpu.memory_space<semaphore_mem>>)
      tpu.wait_dma2 semaphore(%run_scoped3A : memref<!tpu.dma_semaphore, #tpu.memory_space<semaphore_mem>>) src(%arg6 : memref<16x16xf32, #tpu.memory_space<hbm>>) dst(%arg16 : memref<16x16xf32, #tpu.memory_space<vmem>>)
      tpu.yield
    }) : () -> ()
    "tpu.region"() ({
      %run_scoped3A = tpu.sem_alloc : memref<!tpu.dma_semaphore, #tpu.memory_space<semaphore_mem>>
      tpu.enqueue_dma source(%arg7 : memref<16x16xf32, #tpu.memory_space<hbm>>) target(%arg17 : memref<16x16xf32, #tpu.memory_space<vmem>>) target_semaphore(%run_scoped3A : memref<!tpu.dma_semaphore, #tpu.memory_space<semaphore_mem>>)
      tpu.wait_dma2 semaphore(%run_scoped3A : memref<!tpu.dma_semaphore, #tpu.memory_space<semaphore_mem>>) src(%arg7 : memref<16x16xf32, #tpu.memory_space<hbm>>) dst(%arg17 : memref<16x16xf32, #tpu.memory_space<vmem>>)
      tpu.yield
    }) : () -> ()
    "tpu.region"() ({
      %run_scoped3A = tpu.sem_alloc : memref<!tpu.dma_semaphore, #tpu.memory_space<semaphore_mem>>
      tpu.enqueue_dma source(%arg8 : memref<16xf32, #tpu.memory_space<hbm>>) target(%arg18 : memref<16xf32, #tpu.memory_space<vmem>>) target_semaphore(%run_scoped3A : memref<!tpu.dma_semaphore, #tpu.memory_space<semaphore_mem>>)
      tpu.wait_dma2 semaphore(%run_scoped3A : memref<!tpu.dma_semaphore, #tpu.memory_space<semaphore_mem>>) src(%arg8 : memref<16xf32, #tpu.memory_space<hbm>>) dst(%arg18 : memref<16xf32, #tpu.memory_space<vmem>>)
      tpu.yield
    }) : () -> ()
    %get3A = arith.constant 0 : i32
    %get3A_1 = arith.index_cast %get3A : i32 to index
    %get3A_2 = arith.constant 0 : index
    %get3A_3 = tpu.vector_load %arg16[%get3A_1, %get3A_2] {strides = array<i32>} : memref<16x16xf32, #tpu.memory_space<vmem>>, vector<16xf32>,
    %get3A_4 = arith.constant 1 : i32
    %get3A_5 = arith.index_cast %get3A_4 : i32 to index
    %get3A_6 = arith.constant 0 : index
    %get3A_7 = tpu.vector_load %arg16[%get3A_5, %get3A_6] {strides = array<i32>} : memref<16x16xf32, #tpu.memory_space<vmem>>, vector<16xf32>,
    %get3A_8 = arith.constant 2 : i32
    %get3A_9 = arith.index_cast %get3A_8 : i32 to index
    %get3A_10 = arith.constant 0 : index
    %get3A_11 = tpu.vector_load %arg16[%get3A_9, %get3A_10] {strides = array<i32>} : memref<16x16xf32, #tpu.memory_space<vmem>>, vector<16xf32>,
    %get3A_12 = arith.constant 3 : i32
    %get3A_13 = arith.index_cast %get3A_12 : i32 to index
    %get3A_14 = arith.constant 0 : index
    %get3A_15 = tpu.vector_load %arg16[%get3A_13, %get3A_14] {strides = array<i32>} : memref<16x16xf32, #tpu.memory_space<vmem>>, vector<16xf32>,
    %get3A_16 = arith.constant 4 : i32
    %get3A_17 = arith.index_cast %get3A_16 : i32 to index
    %get3A_18 = arith.constant 0 : index
    %get3A_19 = tpu.vector_load %arg16[%get3A_17, %get3A_18] {strides = array<i32>} : memref<16x16xf32, #tpu.memory_space<vmem>>, vector<16xf32>,
    %get3A_20 = arith.constant 5 : i32
    %get3A_21 = arith.index_cast %get3A_20 : i32 to index
    %get3A_22 = arith.constant 0 : index
    %get3A_23 = tpu.vector_load %arg16[%get3A_21, %get3A_22] {strides = array<i32>} : memref<16x16xf32, #tpu.memory_space<vmem>>, vector<16xf32>,
    %get3A_24 = arith.constant 6 : i32
    %get3A_25 = arith.index_cast %get3A_24 : i32 to index
    %get3A_26 = arith.constant 0 : index
    %get3A_27 = tpu.vector_load %arg16[%get3A_25, %get3A_26] {strides = array<i32>} : memref<16x16xf32, #tpu.memory_space<vmem>>, vector<16xf32>,
    %get3A_28 = arith.constant 7 : i32
    %get3A_29 = arith.index_cast %get3A_28 : i32 to index
    %get3A_30 = arith.constant 0 : index
    %get3A_31 = tpu.vector_load %arg16[%get3A_29, %get3A_30] {strides = array<i32>} : memref<16x16xf32, #tpu.memory_space<vmem>>, vector<16xf32>,
    %get3A_32 = arith.constant 8 : i32
    %get3A_33 = arith.index_cast %get3A_32 : i32 to index
    %get3A_34 = arith.constant 0 : index
    %get3A_35 = tpu.vector_load %arg16[%get3A_33, %get3A_34] {strides = array<i32>} : memref<16x16xf32, #tpu.memory_space<vmem>>, vector<16xf32>,
    %get3A_36 = arith.constant 9 : i32
    %get3A_37 = arith.index_cast %get3A_36 : i32 to index
    %get3A_38 = arith.constant 0 : index
    %get3A_39 = tpu.vector_load %arg16[%get3A_37, %get3A_38] {strides = array<i32>} : memref<16x16xf32, #tpu.memory_space<vmem>>, vector<16xf32>,
    %get3A_40 = arith.constant 10 : i32
    %get3A_41 = arith.index_cast %get3A_40 : i32 to index
    %get3A_42 = arith.constant 0 : index
    %get3A_43 = tpu.vector_load %arg16[%get3A_41, %get3A_42] {strides = array<i32>} : memref<16x16xf32, #tpu.memory_space<vmem>>, vector<16xf32>,
    %get3A_44 = arith.constant 11 : i32
    %get3A_45 = arith.index_cast %get3A_44 : i32 to index
    %get3A_46 = arith.constant 0 : index
    %get3A_47 = tpu.vector_load %arg16[%get3A_45, %get3A_46] {strides = array<i32>} : memref<16x16xf32, #tpu.memory_space<vmem>>, vector<16xf32>,
    %get3A_48 = arith.constant 12 : i32
    %get3A_49 = arith.index_cast %get3A_48 : i32 to index
    %get3A_50 = arith.constant 0 : index
    %get3A_51 = tpu.vector_load %arg16[%get3A_49, %get3A_50] {strides = array<i32>} : memref<16x16xf32, #tpu.memory_space<vmem>>, vector<16xf32>,
    %get3A_52 = arith.constant 13 : i32
    %get3A_53 = arith.index_cast %get3A_52 : i32 to index
    %get3A_54 = arith.constant 0 : index
    %get3A_55 = tpu.vector_load %arg16[%get3A_53, %get3A_54] {strides = array<i32>} : memref<16x16xf32, #tpu.memory_space<vmem>>, vector<16xf32>,
    %get3A_56 = arith.constant 14 : i32
    %get3A_57 = arith.index_cast %get3A_56 : i32 to index
    %get3A_58 = arith.constant 0 : index
    %get3A_59 = tpu.vector_load %arg16[%get3A_57, %get3A_58] {strides = array<i32>} : memref<16x16xf32, #tpu.memory_space<vmem>>, vector<16xf32>,
    %get3A_60 = arith.constant 15 : i32
    %get3A_61 = arith.index_cast %get3A_60 : i32 to index
    %get3A_62 = arith.constant 0 : index
    %get3A_63 = tpu.vector_load %arg16[%get3A_61, %get3A_62] {strides = array<i32>} : memref<16x16xf32, #tpu.memory_space<vmem>>, vector<16xf32>,
    %get3A_64 = arith.constant 0 : i32
    %get3A_65 = arith.index_cast %get3A_64 : i32 to index
    %get3A_66 = arith.constant 0 : index
    %get3A_67 = tpu.vector_load %arg17[%get3A_65, %get3A_66] {strides = array<i32>} : memref<16x16xf32, #tpu.memory_space<vmem>>, vector<16xf32>,
    %get3A_68 = arith.constant 1 : i32
    %get3A_69 = arith.index_cast %get3A_68 : i32 to index
    %get3A_70 = arith.constant 0 : index
    %get3A_71 = tpu.vector_load %arg17[%get3A_69, %get3A_70] {strides = array<i32>} : memref<16x16xf32, #tpu.memory_space<vmem>>, vector<16xf32>,
    %get3A_72 = arith.constant 2 : i32
    %get3A_73 = arith.index_cast %get3A_72 : i32 to index
    %get3A_74 = arith.constant 0 : index
    %get3A_75 = tpu.vector_load %arg17[%get3A_73, %get3A_74] {strides = array<i32>} : memref<16x16xf32, #tpu.memory_space<vmem>>, vector<16xf32>,
    %get3A_76 = arith.constant 3 : i32
    %get3A_77 = arith.index_cast %get3A_76 : i32 to index
    %get3A_78 = arith.constant 0 : index
    %get3A_79 = tpu.vector_load %arg17[%get3A_77, %get3A_78] {strides = array<i32>} : memref<16x16xf32, #tpu.memory_space<vmem>>, vector<16xf32>,
    %get3A_80 = arith.constant 4 : i32
    %get3A_81 = arith.index_cast %get3A_80 : i32 to index
    %get3A_82 = arith.constant 0 : index
    %get3A_83 = tpu.vector_load %arg17[%get3A_81, %get3A_82] {strides = array<i32>} : memref<16x16xf32, #tpu.memory_space<vmem>>, vector<16xf32>,
    %get3A_84 = arith.constant 5 : i32
    %get3A_85 = arith.index_cast %get3A_84 : i32 to index
    %get3A_86 = arith.constant 0 : index
    %get3A_87 = tpu.vector_load %arg17[%get3A_85, %get3A_86] {strides = array<i32>} : memref<16x16xf32, #tpu.memory_space<vmem>>, vector<16xf32>,
    %get3A_88 = arith.constant 6 : i32
    %get3A_89 = arith.index_cast %get3A_88 : i32 to index
    %get3A_90 = arith.constant 0 : index
    %get3A_91 = tpu.vector_load %arg17[%get3A_89, %get3A_90] {strides = array<i32>} : memref<16x16xf32, #tpu.memory_space<vmem>>, vector<16xf32>,
    %get3A_92 = arith.constant 7 : i32
    %get3A_93 = arith.index_cast %get3A_92 : i32 to index
    %get3A_94 = arith.constant 0 : index
    %get3A_95 = tpu.vector_load %arg17[%get3A_93, %get3A_94] {strides = array<i32>} : memref<16x16xf32, #tpu.memory_space<vmem>>, vector<16xf32>,
    %get3A_96 = arith.constant 8 : i32
    %get3A_97 = arith.index_cast %get3A_96 : i32 to index
    %get3A_98 = arith.constant 0 : index
    %get3A_99 = tpu.vector_load %arg17[%get3A_97, %get3A_98] {strides = array<i32>} : memref<16x16xf32, #tpu.memory_space<vmem>>, vector<16xf32>,
    %get3A_100 = arith.constant 9 : i32
    %get3A_101 = arith.index_cast %get3A_100 : i32 to index
    %get3A_102 = arith.constant 0 : index
    %get3A_103 = tpu.vector_load %arg17[%get3A_101, %get3A_102] {strides = array<i32>} : memref<16x16xf32, #tpu.memory_space<vmem>>, vector<16xf32>,
    %get3A_104 = arith.constant 10 : i32
    %get3A_105 = arith.index_cast %get3A_104 : i32 to index
    %get3A_106 = arith.constant 0 : index
    %get3A_107 = tpu.vector_load %arg17[%get3A_105, %get3A_106] {strides = array<i32>} : memref<16x16xf32, #tpu.memory_space<vmem>>, vector<16xf32>,
    %get3A_108 = arith.constant 11 : i32
    %get3A_109 = arith.index_cast %get3A_108 : i32 to index
    %get3A_110 = arith.constant 0 : index
    %get3A_111 = tpu.vector_load %arg17[%get3A_109, %get3A_110] {strides = array<i32>} : memref<16x16xf32, #tpu.memory_space<vmem>>, vector<16xf32>,
    %get3A_112 = arith.constant 12 : i32
    %get3A_113 = arith.index_cast %get3A_112 : i32 to index
    %get3A_114 = arith.constant 0 : index
    %get3A_115 = tpu.vector_load %arg17[%get3A_113, %get3A_114] {strides = array<i32>} : memref<16x16xf32, #tpu.memory_space<vmem>>, vector<16xf32>,
    %get3A_116 = arith.constant 13 : i32
    %get3A_117 = arith.index_cast %get3A_116 : i32 to index
    %get3A_118 = arith.constant 0 : index
    %get3A_119 = tpu.vector_load %arg17[%get3A_117, %get3A_118] {strides = array<i32>} : memref<16x16xf32, #tpu.memory_space<vmem>>, vector<16xf32>,
    %get3A_120 = arith.constant 14 : i32
    %get3A_121 = arith.index_cast %get3A_120 : i32 to index
    %get3A_122 = arith.constant 0 : index
    %get3A_123 = tpu.vector_load %arg17[%get3A_121, %get3A_122] {strides = array<i32>} : memref<16x16xf32, #tpu.memory_space<vmem>>, vector<16xf32>,
    %get3A_124 = arith.constant 15 : i32
    %get3A_125 = arith.index_cast %get3A_124 : i32 to index
    %get3A_126 = arith.constant 0 : index
    %get3A_127 = tpu.vector_load %arg17[%get3A_125, %get3A_126] {strides = array<i32>} : memref<16x16xf32, #tpu.memory_space<vmem>>, vector<16xf32>,
    %get3A_128 = arith.constant 0 : index
    %get3A_129 = tpu.vector_load %arg18[%get3A_128] {strides = array<i32>} : memref<16xf32, #tpu.memory_space<vmem>>, vector<16xf32>,
    %iota3A = tpu.iota {dimensions = array<i32: 0>} : vector<16xi32>
    %broadcast_in_dim3A = arith.constant 100000 : i32
    %broadcast_in_dim3A_130 = vector.broadcast %broadcast_in_dim3A : i32 to vector<16xi32>
    %broadcast_in_dim3A_131 = arith.constant 0 : i32
    %broadcast_in_dim3A_132 = vector.broadcast %broadcast_in_dim3A_131 : i32 to vector<16xi32>
    %broadcast_in_dim3A_133 = arith.constant 1 : i32
    %broadcast_in_dim3A_134 = vector.broadcast %broadcast_in_dim3A_133 : i32 to vector<16xi32>
    %broadcast_in_dim3A_135 = arith.constant 2 : i32
    %broadcast_in_dim3A_136 = vector.broadcast %broadcast_in_dim3A_135 : i32 to vector<16xi32>
    %broadcast_in_dim3A_137 = arith.constant 3 : i32
    %broadcast_in_dim3A_138 = vector.broadcast %broadcast_in_dim3A_137 : i32 to vector<16xi32>
    %broadcast_in_dim3A_139 = arith.constant 4 : i32
    %broadcast_in_dim3A_140 = vector.broadcast %broadcast_in_dim3A_139 : i32 to vector<16xi32>
    %broadcast_in_dim3A_141 = arith.constant 5 : i32
    %broadcast_in_dim3A_142 = vector.broadcast %broadcast_in_dim3A_141 : i32 to vector<16xi32>
    %broadcast_in_dim3A_143 = arith.constant 6 : i32
    %broadcast_in_dim3A_144 = vector.broadcast %broadcast_in_dim3A_143 : i32 to vector<16xi32>
    %broadcast_in_dim3A_145 = arith.constant 7 : i32
    %broadcast_in_dim3A_146 = vector.broadcast %broadcast_in_dim3A_145 : i32 to vector<16xi32>
    %broadcast_in_dim3A_147 = arith.constant 8 : i32
    %broadcast_in_dim3A_148 = vector.broadcast %broadcast_in_dim3A_147 : i32 to vector<16xi32>
    %broadcast_in_dim3A_149 = arith.constant 9 : i32
    %broadcast_in_dim3A_150 = vector.broadcast %broadcast_in_dim3A_149 : i32 to vector<16xi32>
    %broadcast_in_dim3A_151 = arith.constant 10 : i32
    %broadcast_in_dim3A_152 = vector.broadcast %broadcast_in_dim3A_151 : i32 to vector<16xi32>
    %broadcast_in_dim3A_153 = arith.constant 11 : i32
    %broadcast_in_dim3A_154 = vector.broadcast %broadcast_in_dim3A_153 : i32 to vector<16xi32>
    %broadcast_in_dim3A_155 = arith.constant 12 : i32
    %broadcast_in_dim3A_156 = vector.broadcast %broadcast_in_dim3A_155 : i32 to vector<16xi32>
    %broadcast_in_dim3A_157 = arith.constant 13 : i32
    %broadcast_in_dim3A_158 = vector.broadcast %broadcast_in_dim3A_157 : i32 to vector<16xi32>
    %broadcast_in_dim3A_159 = arith.constant 14 : i32
    %broadcast_in_dim3A_160 = vector.broadcast %broadcast_in_dim3A_159 : i32 to vector<16xi32>
    %broadcast_in_dim3A_161 = arith.constant 15 : i32
    %broadcast_in_dim3A_162 = vector.broadcast %broadcast_in_dim3A_161 : i32 to vector<16xi32>
    %lt3A = arith.constant 20 : i32
    %lt3A_163 = arith.cmpi slt, %add3A, %lt3A : i32
    %convert_element_type3A = arith.extui %lt3A_163 : i1 to i32
    %add3A_164 = arith.constant 390 : i32
    %add3A_165 = arith.addi %add3A_164, %convert_element_type3A : i32
    %mul3A_166 = arith.constant 390 : i32
    %mul3A_167 = arith.muli %add3A, %mul3A_166 : i32
    %min3A = arith.constant 20 : i32
    %min3A_168 = arith.minsi %add3A, %min3A : i32
    %add3A_169 = arith.addi %mul3A_167, %min3A_168 : i32
    %while3A = arith.constant 0 : i32
    %while3A_170 = arith.constant 0 : i32
    %while3A_171 = arith.subi %add3A_165, %while3A : i32
    %while3A_172 = arith.addi %while3A, %while3A_171 : i32
    %while3A_173 = arith.constant 1 : i32
    %while3A_174 = arith.divsi %while3A_171, %while3A_173 : i32
    %while3A_175 = arith.muli %while3A_174, %while3A_173 : i32
    %while3A_176 = arith.addi %while3A, %while3A_175 : i32
    %while3A_177 = arith.constant 1 : i32
    %while3A_178 = scf.for %while3A_181 = %while3A to %while3A_176 step %while3A_177 iter_args(%while3A_182 = %while3A_170) -> (i32)  : i32 {
      %add3A_183 = arith.addi %add3A_169, %while3A_181 : i32
      "tpu.region"() ({
        %run_scoped3A = tpu.sem_alloc : memref<!tpu.dma_semaphore, #tpu.memory_space<semaphore_mem>>
        %dma_start3A_291 = arith.constant 0 : i32
        %dma_start3A_292 = tpu.memref_slice %arg2[%add3A_183, %dma_start3A_291] : memref<12500x128xi32, #tpu.memory_space<hbm>> -> memref<1x128xi32, #tpu.memory_space<hbm>>
        %dma_start3A_293 = arith.constant 0 : i32
        %dma_start3A_294 = tpu.memref_slice %arg2[%add3A_183, %dma_start3A_293] : memref<12500x128xi32, #tpu.memory_space<hbm>> -> memref<1x128xi32, #tpu.memory_space<hbm>>
        tpu.enqueue_dma source(%dma_start3A_294 : memref<1x128xi32, #tpu.memory_space<hbm>>) target(%arg10 : memref<1x128xi32, #tpu.memory_space<vmem>>) target_semaphore(%run_scoped3A : memref<!tpu.dma_semaphore, #tpu.memory_space<semaphore_mem>>)
        %dma_wait3A_295 = arith.constant 0 : i32
        %dma_wait3A_296 = tpu.memref_slice %arg2[%add3A_183, %dma_wait3A_295] : memref<12500x128xi32, #tpu.memory_space<hbm>> -> memref<1x128xi32, #tpu.memory_space<hbm>>
        %dma_wait3A_297 = arith.constant 0 : i32
        %dma_wait3A_298 = tpu.memref_slice %arg2[%add3A_183, %dma_wait3A_297] : memref<12500x128xi32, #tpu.memory_space<hbm>> -> memref<1x128xi32, #tpu.memory_space<hbm>>
        tpu.wait_dma2 semaphore(%run_scoped3A : memref<!tpu.dma_semaphore, #tpu.memory_space<semaphore_mem>>) src(%dma_wait3A_298 : memref<1x128xi32, #tpu.memory_space<hbm>>) dst(%arg10 : memref<1x128xi32, #tpu.memory_space<vmem>>)
        tpu.yield
      }) : () -> ()
      %add3A_184 = arith.addi %add3A_169, %while3A_181 : i32
      "tpu.region"() ({
        %run_scoped3A = tpu.sem_alloc : memref<!tpu.dma_semaphore, #tpu.memory_space<semaphore_mem>>
        %dma_start3A_291 = arith.constant 0 : i32
        %dma_start3A_292 = tpu.memref_slice %arg3[%add3A_184, %dma_start3A_291] : memref<12500x128xi32, #tpu.memory_space<hbm>> -> memref<1x128xi32, #tpu.memory_space<hbm>>
        %dma_start3A_293 = arith.constant 0 : i32
        %dma_start3A_294 = tpu.memref_slice %arg3[%add3A_184, %dma_start3A_293] : memref<12500x128xi32, #tpu.memory_space<hbm>> -> memref<1x128xi32, #tpu.memory_space<hbm>>
        tpu.enqueue_dma source(%dma_start3A_294 : memref<1x128xi32, #tpu.memory_space<hbm>>) target(%arg11 : memref<1x128xi32, #tpu.memory_space<vmem>>) target_semaphore(%run_scoped3A : memref<!tpu.dma_semaphore, #tpu.memory_space<semaphore_mem>>)
        %dma_wait3A_295 = arith.constant 0 : i32
        %dma_wait3A_296 = tpu.memref_slice %arg3[%add3A_184, %dma_wait3A_295] : memref<12500x128xi32, #tpu.memory_space<hbm>> -> memref<1x128xi32, #tpu.memory_space<hbm>>
        %dma_wait3A_297 = arith.constant 0 : i32
        %dma_wait3A_298 = tpu.memref_slice %arg3[%add3A_184, %dma_wait3A_297] : memref<12500x128xi32, #tpu.memory_space<hbm>> -> memref<1x128xi32, #tpu.memory_space<hbm>>
        tpu.wait_dma2 semaphore(%run_scoped3A : memref<!tpu.dma_semaphore, #tpu.memory_space<semaphore_mem>>) src(%dma_wait3A_298 : memref<1x128xi32, #tpu.memory_space<hbm>>) dst(%arg11 : memref<1x128xi32, #tpu.memory_space<vmem>>)
        tpu.yield
      }) : () -> ()
      %add3A_185 = arith.addi %add3A_169, %while3A_181 : i32
      "tpu.region"() ({
        %run_scoped3A = tpu.sem_alloc : memref<!tpu.dma_semaphore, #tpu.memory_space<semaphore_mem>>
        %dma_start3A_291 = arith.constant 0 : i32
        %dma_start3A_292 = tpu.memref_slice %arg4[%add3A_185, %dma_start3A_291] : memref<12500x128xf32, #tpu.memory_space<hbm>> -> memref<1x128xf32, #tpu.memory_space<hbm>>
        %dma_start3A_293 = arith.constant 0 : i32
        %dma_start3A_294 = tpu.memref_slice %arg4[%add3A_185, %dma_start3A_293] : memref<12500x128xf32, #tpu.memory_space<hbm>> -> memref<1x128xf32, #tpu.memory_space<hbm>>
        tpu.enqueue_dma source(%dma_start3A_294 : memref<1x128xf32, #tpu.memory_space<hbm>>) target(%arg12 : memref<1x128xf32, #tpu.memory_space<vmem>>) target_semaphore(%run_scoped3A : memref<!tpu.dma_semaphore, #tpu.memory_space<semaphore_mem>>)
        %dma_wait3A_295 = arith.constant 0 : i32
        %dma_wait3A_296 = tpu.memref_slice %arg4[%add3A_185, %dma_wait3A_295] : memref<12500x128xf32, #tpu.memory_space<hbm>> -> memref<1x128xf32, #tpu.memory_space<hbm>>
        %dma_wait3A_297 = arith.constant 0 : i32
        %dma_wait3A_298 = tpu.memref_slice %arg4[%add3A_185, %dma_wait3A_297] : memref<12500x128xf32, #tpu.memory_space<hbm>> -> memref<1x128xf32, #tpu.memory_space<hbm>>
        tpu.wait_dma2 semaphore(%run_scoped3A : memref<!tpu.dma_semaphore, #tpu.memory_space<semaphore_mem>>) src(%dma_wait3A_298 : memref<1x128xf32, #tpu.memory_space<hbm>>) dst(%arg12 : memref<1x128xf32, #tpu.memory_space<vmem>>)
        tpu.yield
      }) : () -> ()
      %get3A_186 = arith.constant 0 : i32
      %get3A_187 = arith.index_cast %get3A_186 : i32 to index
      %get3A_188 = arith.constant 0 : index
      %get3A_189 = tpu.vector_load %arg11[%get3A_187, %get3A_188] {strides = array<i32>} : memref<1x128xi32, #tpu.memory_space<vmem>>, vector<16xi32>,
      %add3A_190 = arith.addi %get3A_189, %broadcast_in_dim3A_130 : vector<16xi32>
      %swap3A = arith.constant 0 : i32
      %swap3A_191 = arith.index_cast %swap3A : i32 to index
      %swap3A_192 = arith.constant 0 : index
      %swap3A_193 = tpu.vector_load %arg11[%swap3A_191, %swap3A_192] {strides = array<i32>} : memref<1x128xi32, #tpu.memory_space<vmem>>, vector<16xi32>,
      tpu.vector_store %arg11[%swap3A_191, %swap3A_192], %add3A_190 {strides = array<i32>} : memref<1x128xi32, #tpu.memory_space<vmem>>, vector<16xi32>,
      %get3A_194 = arith.constant 0 : i32
      %get3A_195 = arith.index_cast %get3A_194 : i32 to index
      %get3A_196 = arith.constant 16 : index
      %get3A_197 = tpu.vector_load %arg11[%get3A_195, %get3A_196] {strides = array<i32>} : memref<1x128xi32, #tpu.memory_space<vmem>>, vector<16xi32>,
      %add3A_198 = arith.addi %get3A_197, %broadcast_in_dim3A_130 : vector<16xi32>
      %swap3A_199 = arith.constant 0 : i32
      %swap3A_200 = arith.index_cast %swap3A_199 : i32 to index
      %swap3A_201 = arith.constant 16 : index
      %swap3A_202 = tpu.vector_load %arg11[%swap3A_200, %swap3A_201] {strides = array<i32>} : memref<1x128xi32, #tpu.memory_space<vmem>>, vector<16xi32>,
      tpu.vector_store %arg11[%swap3A_200, %swap3A_201], %add3A_198 {strides = array<i32>} : memref<1x128xi32, #tpu.memory_space<vmem>>, vector<16xi32>,
      %get3A_203 = arith.constant 0 : i32
      %get3A_204 = arith.index_cast %get3A_203 : i32 to index
      %get3A_205 = arith.constant 32 : index
      %get3A_206 = tpu.vector_load %arg11[%get3A_204, %get3A_205] {strides = array<i32>} : memref<1x128xi32, #tpu.memory_space<vmem>>, vector<16xi32>,
      %add3A_207 = arith.addi %get3A_206, %broadcast_in_dim3A_130 : vector<16xi32>
      %swap3A_208 = arith.constant 0 : i32
      %swap3A_209 = arith.index_cast %swap3A_208 : i32 to index
      %swap3A_210 = arith.constant 32 : index
      %swap3A_211 = tpu.vector_load %arg11[%swap3A_209, %swap3A_210] {strides = array<i32>} : memref<1x128xi32, #tpu.memory_space<vmem>>, vector<16xi32>,
      tpu.vector_store %arg11[%swap3A_209, %swap3A_210], %add3A_207 {strides = array<i32>} : memref<1x128xi32, #tpu.memory_space<vmem>>, vector<16xi32>,
      %get3A_212 = arith.constant 0 : i32
      %get3A_213 = arith.index_cast %get3A_212 : i32 to index
      %get3A_214 = arith.constant 48 : index
      %get3A_215 = tpu.vector_load %arg11[%get3A_213, %get3A_214] {strides = array<i32>} : memref<1x128xi32, #tpu.memory_space<vmem>>, vector<16xi32>,
      %add3A_216 = arith.addi %get3A_215, %broadcast_in_dim3A_130 : vector<16xi32>
      %swap3A_217 = arith.constant 0 : i32
      %swap3A_218 = arith.index_cast %swap3A_217 : i32 to index
      %swap3A_219 = arith.constant 48 : index
      %swap3A_220 = tpu.vector_load %arg11[%swap3A_218, %swap3A_219] {strides = array<i32>} : memref<1x128xi32, #tpu.memory_space<vmem>>, vector<16xi32>,
      tpu.vector_store %arg11[%swap3A_218, %swap3A_219], %add3A_216 {strides = array<i32>} : memref<1x128xi32, #tpu.memory_space<vmem>>, vector<16xi32>,
      %get3A_221 = arith.constant 0 : i32
      %get3A_222 = arith.index_cast %get3A_221 : i32 to index
      %get3A_223 = arith.constant 64 : index
      %get3A_224 = tpu.vector_load %arg11[%get3A_222, %get3A_223] {strides = array<i32>} : memref<1x128xi32, #tpu.memory_space<vmem>>, vector<16xi32>,
      %add3A_225 = arith.addi %get3A_224, %broadcast_in_dim3A_130 : vector<16xi32>
      %swap3A_226 = arith.constant 0 : i32
      %swap3A_227 = arith.index_cast %swap3A_226 : i32 to index
      %swap3A_228 = arith.constant 64 : index
      %swap3A_229 = tpu.vector_load %arg11[%swap3A_227, %swap3A_228] {strides = array<i32>} : memref<1x128xi32, #tpu.memory_space<vmem>>, vector<16xi32>,
      tpu.vector_store %arg11[%swap3A_227, %swap3A_228], %add3A_225 {strides = array<i32>} : memref<1x128xi32, #tpu.memory_space<vmem>>, vector<16xi32>,
      %get3A_230 = arith.constant 0 : i32
      %get3A_231 = arith.index_cast %get3A_230 : i32 to index
      %get3A_232 = arith.constant 80 : index
      %get3A_233 = tpu.vector_load %arg11[%get3A_231, %get3A_232] {strides = array<i32>} : memref<1x128xi32, #tpu.memory_space<vmem>>, vector<16xi32>,
      %add3A_234 = arith.addi %get3A_233, %broadcast_in_dim3A_130 : vector<16xi32>
      %swap3A_235 = arith.constant 0 : i32
      %swap3A_236 = arith.index_cast %swap3A_235 : i32 to index
      %swap3A_237 = arith.constant 80 : index
      %swap3A_238 = tpu.vector_load %arg11[%swap3A_236, %swap3A_237] {strides = array<i32>} : memref<1x128xi32, #tpu.memory_space<vmem>>, vector<16xi32>,
      tpu.vector_store %arg11[%swap3A_236, %swap3A_237], %add3A_234 {strides = array<i32>} : memref<1x128xi32, #tpu.memory_space<vmem>>, vector<16xi32>,
      %get3A_239 = arith.constant 0 : i32
      %get3A_240 = arith.index_cast %get3A_239 : i32 to index
      %get3A_241 = arith.constant 96 : index
      %get3A_242 = tpu.vector_load %arg11[%get3A_240, %get3A_241] {strides = array<i32>} : memref<1x128xi32, #tpu.memory_space<vmem>>, vector<16xi32>,
      %add3A_243 = arith.addi %get3A_242, %broadcast_in_dim3A_130 : vector<16xi32>
      %swap3A_244 = arith.constant 0 : i32
      %swap3A_245 = arith.index_cast %swap3A_244 : i32 to index
      %swap3A_246 = arith.constant 96 : index
      %swap3A_247 = tpu.vector_load %arg11[%swap3A_245, %swap3A_246] {strides = array<i32>} : memref<1x128xi32, #tpu.memory_space<vmem>>, vector<16xi32>,
      tpu.vector_store %arg11[%swap3A_245, %swap3A_246], %add3A_243 {strides = array<i32>} : memref<1x128xi32, #tpu.memory_space<vmem>>, vector<16xi32>,
      %get3A_248 = arith.constant 0 : i32
      %get3A_249 = arith.index_cast %get3A_248 : i32 to index
      %get3A_250 = arith.constant 112 : index
      %get3A_251 = tpu.vector_load %arg11[%get3A_249, %get3A_250] {strides = array<i32>} : memref<1x128xi32, #tpu.memory_space<vmem>>, vector<16xi32>,
      %add3A_252 = arith.addi %get3A_251, %broadcast_in_dim3A_130 : vector<16xi32>
      %swap3A_253 = arith.constant 0 : i32
      %swap3A_254 = arith.index_cast %swap3A_253 : i32 to index
      %swap3A_255 = arith.constant 112 : index
      %swap3A_256 = tpu.vector_load %arg11[%swap3A_254, %swap3A_255] {strides = array<i32>} : memref<1x128xi32, #tpu.memory_space<vmem>>, vector<16xi32>,
      tpu.vector_store %arg11[%swap3A_254, %swap3A_255], %add3A_252 {strides = array<i32>} : memref<1x128xi32, #tpu.memory_space<vmem>>, vector<16xi32>,
      %dma_start3A = arith.constant 0 : i32
      %dma_start3A_257 = arith.constant 0 : i32
      %dma_start3A_258 = tpu.memref_slice %arg10[%dma_start3A, %dma_start3A_257] : memref<1x128xi32, #tpu.memory_space<vmem>> -> memref<1x128xi32, #tpu.memory_space<vmem>>
      %dma_start3A_259 = tpu.memref_squeeze %dma_start3A_258 : memref<1x128xi32, #tpu.memory_space<vmem>> -> memref<128xi32, #tpu.memory_space<vmem>>
      %dma_start3A_260 = arith.constant 0 : i32
      %dma_start3A_261 = arith.constant 0 : i32
      %dma_start3A_262 = tpu.memref_slice %arg5[%dma_start3A_260, %dma_start3A_261] : memref<200000x16xf32, #tpu.memory_space<hbm>> -> memref<200000x16xf32, #tpu.memory_space<hbm>>
      tpu.enqueue_indirect_dma source(%dma_start3A_262 : memref<200000x16xf32, #tpu.memory_space<hbm>>) target(%arg13 : memref<128x16xf32, #tpu.memory_space<vmem>>) offsets(%dma_start3A_259 : memref<128xi32, #tpu.memory_space<vmem>>) semaphore(%arg19 : memref<!tpu.dma_semaphore, #tpu.memory_space<semaphore_mem>>)
      %dma_start3A_263 = arith.constant 0 : i32
      %dma_start3A_264 = arith.constant 0 : i32
      %dma_start3A_265 = tpu.memref_slice %arg11[%dma_start3A_263, %dma_start3A_264] : memref<1x128xi32, #tpu.memory_space<vmem>> -> memref<1x128xi32, #tpu.memory_space<vmem>>
      %dma_start3A_266 = tpu.memref_squeeze %dma_start3A_265 : memref<1x128xi32, #tpu.memory_space<vmem>> -> memref<128xi32, #tpu.memory_space<vmem>>
      %dma_start3A_267 = arith.constant 0 : i32
      %dma_start3A_268 = arith.constant 0 : i32
      %dma_start3A_269 = tpu.memref_slice %arg5[%dma_start3A_267, %dma_start3A_268] : memref<200000x16xf32, #tpu.memory_space<hbm>> -> memref<200000x16xf32, #tpu.memory_space<hbm>>
      tpu.enqueue_indirect_dma source(%dma_start3A_269 : memref<200000x16xf32, #tpu.memory_space<hbm>>) target(%arg14 : memref<128x16xf32, #tpu.memory_space<vmem>>) offsets(%dma_start3A_266 : memref<128xi32, #tpu.memory_space<vmem>>) semaphore(%arg20 : memref<!tpu.dma_semaphore, #tpu.memory_space<semaphore_mem>>)
      %dma_wait3A = arith.constant 0 : i32
      %dma_wait3A_270 = arith.constant 0 : i32
      %dma_wait3A_271 = tpu.memref_slice %arg10[%dma_wait3A, %dma_wait3A_270] : memref<1x128xi32, #tpu.memory_space<vmem>> -> memref<1x128xi32, #tpu.memory_space<vmem>>
      %dma_wait3A_272 = tpu.memref_squeeze %dma_wait3A_271 : memref<1x128xi32, #tpu.memory_space<vmem>> -> memref<128xi32, #tpu.memory_space<vmem>>
      %dma_wait3A_273 = arith.constant 0 : i32
      %dma_wait3A_274 = arith.constant 0 : i32
      %dma_wait3A_275 = tpu.memref_slice %arg5[%dma_wait3A_273, %dma_wait3A_274] : memref<200000x16xf32, #tpu.memory_space<hbm>> -> memref<200000x16xf32, #tpu.memory_space<hbm>>
      tpu.wait_indirect_dma semaphore(%arg19 : memref<!tpu.dma_semaphore, #tpu.memory_space<semaphore_mem>>) src(%dma_wait3A_275 : memref<200000x16xf32, #tpu.memory_space<hbm>>) dst(%arg13 : memref<128x16xf32, #tpu.memory_space<vmem>>)
      %dma_wait3A_276 = arith.constant 0 : i32
      %dma_wait3A_277 = arith.constant 0 : i32
      %dma_wait3A_278 = tpu.memref_slice %arg11[%dma_wait3A_276, %dma_wait3A_277] : memref<1x128xi32, #tpu.memory_space<vmem>> -> memref<1x128xi32, #tpu.memory_space<vmem>>
      %dma_wait3A_279 = tpu.memref_squeeze %dma_wait3A_278 : memref<1x128xi32, #tpu.memory_space<vmem>> -> memref<128xi32, #tpu.memory_space<vmem>>
      %dma_wait3A_280 = arith.constant 0 : i32
      %dma_wait3A_281 = arith.constant 0 : i32
      %dma_wait3A_282 = tpu.memref_slice %arg5[%dma_wait3A_280, %dma_wait3A_281] : memref<200000x16xf32, #tpu.memory_space<hbm>> -> memref<200000x16xf32, #tpu.memory_space<hbm>>
      tpu.wait_indirect_dma semaphore(%arg20 : memref<!tpu.dma_semaphore, #tpu.memory_space<semaphore_mem>>) src(%dma_wait3A_282 : memref<200000x16xf32, #tpu.memory_space<hbm>>) dst(%arg14 : memref<128x16xf32, #tpu.memory_space<vmem>>)
      %scan3A = arith.constant 0 : i32
      %scan3A_283 = arith.constant 0 : i32
      %scan3A_284 = arith.constant 8 : i32
      %scan3A_285 = arith.addi %scan3A_283, %scan3A_284 : i32
      %scan3A_286 = arith.constant 1 : i32
      %scan3A_287 = scf.for %scan3A_291 = %scan3A_283 to %scan3A_285 step %scan3A_286 iter_args(%scan3A_292 = %scan3A) -> (i32)  : i32 {
        %mul3A_293 = arith.constant 16 : i32
        %mul3A_294 = arith.muli %scan3A_291, %mul3A_293 : i32
        %get3A_295 = arith.constant 0 : i32
        %get3A_296 = arith.index_cast %get3A_295 : i32 to index
        %get3A_297 = arith.index_cast %mul3A_294 : i32 to index
        %get3A_298 = tpu.vector_load %arg12[%get3A_296, %get3A_297] {strides = array<i32>} : memref<1x128xf32, #tpu.memory_space<vmem>>, vector<16xf32>,
        %mul3A_299 = arith.constant 16 : i32
        %mul3A_300 = arith.muli %scan3A_291, %mul3A_299 : i32
        %broadcast_in_dim3A_301 = vector.broadcast %mul3A_300 : i32 to vector<16xi32>
        %add3A_302 = arith.addi %broadcast_in_dim3A_301, %iota3A : vector<16xi32>
        %gather3A = tpu.vector_load_idx %arg13[%add3A_302, %broadcast_in_dim3A_132] : memref<128x16xf32, #tpu.memory_space<vmem>>[vector<16xi32>, vector<16xi32>], vector<16xf32>,
        %gather3A_303 = tpu.vector_load_idx %arg14[%add3A_302, %broadcast_in_dim3A_132] : memref<128x16xf32, #tpu.memory_space<vmem>>[vector<16xi32>, vector<16xi32>], vector<16xf32>,
        %add3A_304 = arith.addf %gather3A, %gather3A_303 : vector<16xf32>
        %mul3A_305 = arith.mulf %get3A_298, %get3A_3 : vector<16xf32>
        %add3A_306 = arith.addf %add3A_304, %mul3A_305 : vector<16xf32>
        %max3A = arith.constant 0.000000e+00 : f32
        %max3A_307 = vector.broadcast %max3A : f32 to vector<16xf32>
        %max3A_308 = arith.maximumf %add3A_306, %max3A_307 : vector<16xf32>
        %mul3A_309 = arith.mulf %max3A_308, %get3A_67 : vector<16xf32>
        %add3A_310 = arith.addf %get3A_129, %mul3A_309 : vector<16xf32>
        %gather3A_311 = tpu.vector_load_idx %arg13[%add3A_302, %broadcast_in_dim3A_134] : memref<128x16xf32, #tpu.memory_space<vmem>>[vector<16xi32>, vector<16xi32>], vector<16xf32>,
        %gather3A_312 = tpu.vector_load_idx %arg14[%add3A_302, %broadcast_in_dim3A_134] : memref<128x16xf32, #tpu.memory_space<vmem>>[vector<16xi32>, vector<16xi32>], vector<16xf32>,
        %add3A_313 = arith.addf %gather3A_311, %gather3A_312 : vector<16xf32>
        %mul3A_314 = arith.mulf %get3A_298, %get3A_7 : vector<16xf32>
        %add3A_315 = arith.addf %add3A_313, %mul3A_314 : vector<16xf32>
        %max3A_316 = arith.constant 0.000000e+00 : f32
        %max3A_317 = vector.broadcast %max3A_316 : f32 to vector<16xf32>
        %max3A_318 = arith.maximumf %add3A_315, %max3A_317 : vector<16xf32>
        %mul3A_319 = arith.mulf %max3A_318, %get3A_71 : vector<16xf32>
        %add3A_320 = arith.addf %add3A_310, %mul3A_319 : vector<16xf32>
        %gather3A_321 = tpu.vector_load_idx %arg13[%add3A_302, %broadcast_in_dim3A_136] : memref<128x16xf32, #tpu.memory_space<vmem>>[vector<16xi32>, vector<16xi32>], vector<16xf32>,
        %gather3A_322 = tpu.vector_load_idx %arg14[%add3A_302, %broadcast_in_dim3A_136] : memref<128x16xf32, #tpu.memory_space<vmem>>[vector<16xi32>, vector<16xi32>], vector<16xf32>,
        %add3A_323 = arith.addf %gather3A_321, %gather3A_322 : vector<16xf32>
        %mul3A_324 = arith.mulf %get3A_298, %get3A_11 : vector<16xf32>
        %add3A_325 = arith.addf %add3A_323, %mul3A_324 : vector<16xf32>
        %max3A_326 = arith.constant 0.000000e+00 : f32
        %max3A_327 = vector.broadcast %max3A_326 : f32 to vector<16xf32>
        %max3A_328 = arith.maximumf %add3A_325, %max3A_327 : vector<16xf32>
        %mul3A_329 = arith.mulf %max3A_328, %get3A_75 : vector<16xf32>
        %add3A_330 = arith.addf %add3A_320, %mul3A_329 : vector<16xf32>
        %gather3A_331 = tpu.vector_load_idx %arg13[%add3A_302, %broadcast_in_dim3A_138] : memref<128x16xf32, #tpu.memory_space<vmem>>[vector<16xi32>, vector<16xi32>], vector<16xf32>,
        %gather3A_332 = tpu.vector_load_idx %arg14[%add3A_302, %broadcast_in_dim3A_138] : memref<128x16xf32, #tpu.memory_space<vmem>>[vector<16xi32>, vector<16xi32>], vector<16xf32>,
        %add3A_333 = arith.addf %gather3A_331, %gather3A_332 : vector<16xf32>
        %mul3A_334 = arith.mulf %get3A_298, %get3A_15 : vector<16xf32>
        %add3A_335 = arith.addf %add3A_333, %mul3A_334 : vector<16xf32>
        %max3A_336 = arith.constant 0.000000e+00 : f32
        %max3A_337 = vector.broadcast %max3A_336 : f32 to vector<16xf32>
        %max3A_338 = arith.maximumf %add3A_335, %max3A_337 : vector<16xf32>
        %mul3A_339 = arith.mulf %max3A_338, %get3A_79 : vector<16xf32>
        %add3A_340 = arith.addf %add3A_330, %mul3A_339 : vector<16xf32>
        %gather3A_341 = tpu.vector_load_idx %arg13[%add3A_302, %broadcast_in_dim3A_140] : memref<128x16xf32, #tpu.memory_space<vmem>>[vector<16xi32>, vector<16xi32>], vector<16xf32>,
        %gather3A_342 = tpu.vector_load_idx %arg14[%add3A_302, %broadcast_in_dim3A_140] : memref<128x16xf32, #tpu.memory_space<vmem>>[vector<16xi32>, vector<16xi32>], vector<16xf32>,
        %add3A_343 = arith.addf %gather3A_341, %gather3A_342 : vector<16xf32>
        %mul3A_344 = arith.mulf %get3A_298, %get3A_19 : vector<16xf32>
        %add3A_345 = arith.addf %add3A_343, %mul3A_344 : vector<16xf32>
        %max3A_346 = arith.constant 0.000000e+00 : f32
        %max3A_347 = vector.broadcast %max3A_346 : f32 to vector<16xf32>
        %max3A_348 = arith.maximumf %add3A_345, %max3A_347 : vector<16xf32>
        %mul3A_349 = arith.mulf %max3A_348, %get3A_83 : vector<16xf32>
        %add3A_350 = arith.addf %add3A_340, %mul3A_349 : vector<16xf32>
        %gather3A_351 = tpu.vector_load_idx %arg13[%add3A_302, %broadcast_in_dim3A_142] : memref<128x16xf32, #tpu.memory_space<vmem>>[vector<16xi32>, vector<16xi32>], vector<16xf32>,
        %gather3A_352 = tpu.vector_load_idx %arg14[%add3A_302, %broadcast_in_dim3A_142] : memref<128x16xf32, #tpu.memory_space<vmem>>[vector<16xi32>, vector<16xi32>], vector<16xf32>,
        %add3A_353 = arith.addf %gather3A_351, %gather3A_352 : vector<16xf32>
        %mul3A_354 = arith.mulf %get3A_298, %get3A_23 : vector<16xf32>
        %add3A_355 = arith.addf %add3A_353, %mul3A_354 : vector<16xf32>
        %max3A_356 = arith.constant 0.000000e+00 : f32
        %max3A_357 = vector.broadcast %max3A_356 : f32 to vector<16xf32>
        %max3A_358 = arith.maximumf %add3A_355, %max3A_357 : vector<16xf32>
        %mul3A_359 = arith.mulf %max3A_358, %get3A_87 : vector<16xf32>
        %add3A_360 = arith.addf %add3A_350, %mul3A_359 : vector<16xf32>
        %gather3A_361 = tpu.vector_load_idx %arg13[%add3A_302, %broadcast_in_dim3A_144] : memref<128x16xf32, #tpu.memory_space<vmem>>[vector<16xi32>, vector<16xi32>], vector<16xf32>,
        %gather3A_362 = tpu.vector_load_idx %arg14[%add3A_302, %broadcast_in_dim3A_144] : memref<128x16xf32, #tpu.memory_space<vmem>>[vector<16xi32>, vector<16xi32>], vector<16xf32>,
        %add3A_363 = arith.addf %gather3A_361, %gather3A_362 : vector<16xf32>
        %mul3A_364 = arith.mulf %get3A_298, %get3A_27 : vector<16xf32>
        %add3A_365 = arith.addf %add3A_363, %mul3A_364 : vector<16xf32>
        %max3A_366 = arith.constant 0.000000e+00 : f32
        %max3A_367 = vector.broadcast %max3A_366 : f32 to vector<16xf32>
        %max3A_368 = arith.maximumf %add3A_365, %max3A_367 : vector<16xf32>
        %mul3A_369 = arith.mulf %max3A_368, %get3A_91 : vector<16xf32>
        %add3A_370 = arith.addf %add3A_360, %mul3A_369 : vector<16xf32>
        %gather3A_371 = tpu.vector_load_idx %arg13[%add3A_302, %broadcast_in_dim3A_146] : memref<128x16xf32, #tpu.memory_space<vmem>>[vector<16xi32>, vector<16xi32>], vector<16xf32>,
        %gather3A_372 = tpu.vector_load_idx %arg14[%add3A_302, %broadcast_in_dim3A_146] : memref<128x16xf32, #tpu.memory_space<vmem>>[vector<16xi32>, vector<16xi32>], vector<16xf32>,
        %add3A_373 = arith.addf %gather3A_371, %gather3A_372 : vector<16xf32>
        %mul3A_374 = arith.mulf %get3A_298, %get3A_31 : vector<16xf32>
        %add3A_375 = arith.addf %add3A_373, %mul3A_374 : vector<16xf32>
        %max3A_376 = arith.constant 0.000000e+00 : f32
        %max3A_377 = vector.broadcast %max3A_376 : f32 to vector<16xf32>
        %max3A_378 = arith.maximumf %add3A_375, %max3A_377 : vector<16xf32>
        %mul3A_379 = arith.mulf %max3A_378, %get3A_95 : vector<16xf32>
        %add3A_380 = arith.addf %add3A_370, %mul3A_379 : vector<16xf32>
        %gather3A_381 = tpu.vector_load_idx %arg13[%add3A_302, %broadcast_in_dim3A_148] : memref<128x16xf32, #tpu.memory_space<vmem>>[vector<16xi32>, vector<16xi32>], vector<16xf32>,
        %gather3A_382 = tpu.vector_load_idx %arg14[%add3A_302, %broadcast_in_dim3A_148] : memref<128x16xf32, #tpu.memory_space<vmem>>[vector<16xi32>, vector<16xi32>], vector<16xf32>,
        %add3A_383 = arith.addf %gather3A_381, %gather3A_382 : vector<16xf32>
        %mul3A_384 = arith.mulf %get3A_298, %get3A_35 : vector<16xf32>
        %add3A_385 = arith.addf %add3A_383, %mul3A_384 : vector<16xf32>
        %max3A_386 = arith.constant 0.000000e+00 : f32
        %max3A_387 = vector.broadcast %max3A_386 : f32 to vector<16xf32>
        %max3A_388 = arith.maximumf %add3A_385, %max3A_387 : vector<16xf32>
        %mul3A_389 = arith.mulf %max3A_388, %get3A_99 : vector<16xf32>
        %add3A_390 = arith.addf %add3A_380, %mul3A_389 : vector<16xf32>
        %gather3A_391 = tpu.vector_load_idx %arg13[%add3A_302, %broadcast_in_dim3A_150] : memref<128x16xf32, #tpu.memory_space<vmem>>[vector<16xi32>, vector<16xi32>], vector<16xf32>,
        %gather3A_392 = tpu.vector_load_idx %arg14[%add3A_302, %broadcast_in_dim3A_150] : memref<128x16xf32, #tpu.memory_space<vmem>>[vector<16xi32>, vector<16xi32>], vector<16xf32>,
        %add3A_393 = arith.addf %gather3A_391, %gather3A_392 : vector<16xf32>
        %mul3A_394 = arith.mulf %get3A_298, %get3A_39 : vector<16xf32>
        %add3A_395 = arith.addf %add3A_393, %mul3A_394 : vector<16xf32>
        %max3A_396 = arith.constant 0.000000e+00 : f32
        %max3A_397 = vector.broadcast %max3A_396 : f32 to vector<16xf32>
        %max3A_398 = arith.maximumf %add3A_395, %max3A_397 : vector<16xf32>
        %mul3A_399 = arith.mulf %max3A_398, %get3A_103 : vector<16xf32>
        %add3A_400 = arith.addf %add3A_390, %mul3A_399 : vector<16xf32>
        %gather3A_401 = tpu.vector_load_idx %arg13[%add3A_302, %broadcast_in_dim3A_152] : memref<128x16xf32, #tpu.memory_space<vmem>>[vector<16xi32>, vector<16xi32>], vector<16xf32>,
        %gather3A_402 = tpu.vector_load_idx %arg14[%add3A_302, %broadcast_in_dim3A_152] : memref<128x16xf32, #tpu.memory_space<vmem>>[vector<16xi32>, vector<16xi32>], vector<16xf32>,
        %add3A_403 = arith.addf %gather3A_401, %gather3A_402 : vector<16xf32>
        %mul3A_404 = arith.mulf %get3A_298, %get3A_43 : vector<16xf32>
        %add3A_405 = arith.addf %add3A_403, %mul3A_404 : vector<16xf32>
        %max3A_406 = arith.constant 0.000000e+00 : f32
        %max3A_407 = vector.broadcast %max3A_406 : f32 to vector<16xf32>
        %max3A_408 = arith.maximumf %add3A_405, %max3A_407 : vector<16xf32>
        %mul3A_409 = arith.mulf %max3A_408, %get3A_107 : vector<16xf32>
        %add3A_410 = arith.addf %add3A_400, %mul3A_409 : vector<16xf32>
        %gather3A_411 = tpu.vector_load_idx %arg13[%add3A_302, %broadcast_in_dim3A_154] : memref<128x16xf32, #tpu.memory_space<vmem>>[vector<16xi32>, vector<16xi32>], vector<16xf32>,
        %gather3A_412 = tpu.vector_load_idx %arg14[%add3A_302, %broadcast_in_dim3A_154] : memref<128x16xf32, #tpu.memory_space<vmem>>[vector<16xi32>, vector<16xi32>], vector<16xf32>,
        %add3A_413 = arith.addf %gather3A_411, %gather3A_412 : vector<16xf32>
        %mul3A_414 = arith.mulf %get3A_298, %get3A_47 : vector<16xf32>
        %add3A_415 = arith.addf %add3A_413, %mul3A_414 : vector<16xf32>
        %max3A_416 = arith.constant 0.000000e+00 : f32
        %max3A_417 = vector.broadcast %max3A_416 : f32 to vector<16xf32>
        %max3A_418 = arith.maximumf %add3A_415, %max3A_417 : vector<16xf32>
        %mul3A_419 = arith.mulf %max3A_418, %get3A_111 : vector<16xf32>
        %add3A_420 = arith.addf %add3A_410, %mul3A_419 : vector<16xf32>
        %gather3A_421 = tpu.vector_load_idx %arg13[%add3A_302, %broadcast_in_dim3A_156] : memref<128x16xf32, #tpu.memory_space<vmem>>[vector<16xi32>, vector<16xi32>], vector<16xf32>,
        %gather3A_422 = tpu.vector_load_idx %arg14[%add3A_302, %broadcast_in_dim3A_156] : memref<128x16xf32, #tpu.memory_space<vmem>>[vector<16xi32>, vector<16xi32>], vector<16xf32>,
        %add3A_423 = arith.addf %gather3A_421, %gather3A_422 : vector<16xf32>
        %mul3A_424 = arith.mulf %get3A_298, %get3A_51 : vector<16xf32>
        %add3A_425 = arith.addf %add3A_423, %mul3A_424 : vector<16xf32>
        %max3A_426 = arith.constant 0.000000e+00 : f32
        %max3A_427 = vector.broadcast %max3A_426 : f32 to vector<16xf32>
        %max3A_428 = arith.maximumf %add3A_425, %max3A_427 : vector<16xf32>
        %mul3A_429 = arith.mulf %max3A_428, %get3A_115 : vector<16xf32>
        %add3A_430 = arith.addf %add3A_420, %mul3A_429 : vector<16xf32>
        %gather3A_431 = tpu.vector_load_idx %arg13[%add3A_302, %broadcast_in_dim3A_158] : memref<128x16xf32, #tpu.memory_space<vmem>>[vector<16xi32>, vector<16xi32>], vector<16xf32>,
        %gather3A_432 = tpu.vector_load_idx %arg14[%add3A_302, %broadcast_in_dim3A_158] : memref<128x16xf32, #tpu.memory_space<vmem>>[vector<16xi32>, vector<16xi32>], vector<16xf32>,
        %add3A_433 = arith.addf %gather3A_431, %gather3A_432 : vector<16xf32>
        %mul3A_434 = arith.mulf %get3A_298, %get3A_55 : vector<16xf32>
        %add3A_435 = arith.addf %add3A_433, %mul3A_434 : vector<16xf32>
        %max3A_436 = arith.constant 0.000000e+00 : f32
        %max3A_437 = vector.broadcast %max3A_436 : f32 to vector<16xf32>
        %max3A_438 = arith.maximumf %add3A_435, %max3A_437 : vector<16xf32>
        %mul3A_439 = arith.mulf %max3A_438, %get3A_119 : vector<16xf32>
        %add3A_440 = arith.addf %add3A_430, %mul3A_439 : vector<16xf32>
        %gather3A_441 = tpu.vector_load_idx %arg13[%add3A_302, %broadcast_in_dim3A_160] : memref<128x16xf32, #tpu.memory_space<vmem>>[vector<16xi32>, vector<16xi32>], vector<16xf32>,
        %gather3A_442 = tpu.vector_load_idx %arg14[%add3A_302, %broadcast_in_dim3A_160] : memref<128x16xf32, #tpu.memory_space<vmem>>[vector<16xi32>, vector<16xi32>], vector<16xf32>,
        %add3A_443 = arith.addf %gather3A_441, %gather3A_442 : vector<16xf32>
        %mul3A_444 = arith.mulf %get3A_298, %get3A_59 : vector<16xf32>
        %add3A_445 = arith.addf %add3A_443, %mul3A_444 : vector<16xf32>
        %max3A_446 = arith.constant 0.000000e+00 : f32
        %max3A_447 = vector.broadcast %max3A_446 : f32 to vector<16xf32>
        %max3A_448 = arith.maximumf %add3A_445, %max3A_447 : vector<16xf32>
        %mul3A_449 = arith.mulf %max3A_448, %get3A_123 : vector<16xf32>
        %add3A_450 = arith.addf %add3A_440, %mul3A_449 : vector<16xf32>
        %gather3A_451 = tpu.vector_load_idx %arg13[%add3A_302, %broadcast_in_dim3A_162] : memref<128x16xf32, #tpu.memory_space<vmem>>[vector<16xi32>, vector<16xi32>], vector<16xf32>,
        %gather3A_452 = tpu.vector_load_idx %arg14[%add3A_302, %broadcast_in_dim3A_162] : memref<128x16xf32, #tpu.memory_space<vmem>>[vector<16xi32>, vector<16xi32>], vector<16xf32>,
        %add3A_453 = arith.addf %gather3A_451, %gather3A_452 : vector<16xf32>
        %mul3A_454 = arith.mulf %get3A_298, %get3A_63 : vector<16xf32>
        %add3A_455 = arith.addf %add3A_453, %mul3A_454 : vector<16xf32>
        %max3A_456 = arith.constant 0.000000e+00 : f32
        %max3A_457 = vector.broadcast %max3A_456 : f32 to vector<16xf32>
        %max3A_458 = arith.maximumf %add3A_455, %max3A_457 : vector<16xf32>
        %mul3A_459 = arith.mulf %max3A_458, %get3A_127 : vector<16xf32>
        %add3A_460 = arith.addf %add3A_450, %mul3A_459 : vector<16xf32>
        %neg3A = arith.constant 0.000000e+00 : f32
        %neg3A_461 = vector.broadcast %neg3A : f32 to vector<16xf32>
        %neg3A_462 = arith.subf %neg3A_461, %add3A_460 : vector<16xf32>
        %exp3A = math.exp %neg3A_462 : vector<16xf32>
        %add3A_463 = arith.constant 1.000000e+00 : f32
        %add3A_464 = vector.broadcast %add3A_463 : f32 to vector<16xf32>
        %add3A_465 = arith.addf %add3A_464, %exp3A : vector<16xf32>
        %div3A = arith.constant 1.000000e+00 : f32
        %div3A_466 = vector.broadcast %div3A : f32 to vector<16xf32>
        %div3A_467 = arith.divf %div3A_466, %add3A_465 : vector<16xf32>
        %mul3A_468 = arith.constant 16 : i32
        %mul3A_469 = arith.muli %scan3A_291, %mul3A_468 : i32
        %swap3A_470 = arith.constant 0 : i32
        %swap3A_471 = arith.index_cast %swap3A_470 : i32 to index
        %swap3A_472 = arith.index_cast %mul3A_469 : i32 to index
        %swap3A_473 = tpu.vector_load %arg15[%swap3A_471, %swap3A_472] {strides = array<i32>} : memref<1x128xf32, #tpu.memory_space<vmem>>, vector<16xf32>,
        tpu.vector_store %arg15[%swap3A_471, %swap3A_472], %div3A_467 {strides = array<i32>} : memref<1x128xf32, #tpu.memory_space<vmem>>, vector<16xf32>,
        %scan3A_474 = arith.constant 0 : i32
        scf.yield %scan3A_474 : i32
      }
      %scan3A_288 = arith.constant 8 : i32
      %add3A_289 = arith.addi %add3A_169, %while3A_181 : i32
      "tpu.region"() ({
        %run_scoped3A = tpu.sem_alloc : memref<!tpu.dma_semaphore, #tpu.memory_space<semaphore_mem>>
        %dma_start3A_291 = arith.constant 0 : i32
        %dma_start3A_292 = tpu.memref_slice %arg9[%add3A_289, %dma_start3A_291] : memref<12500x128xf32, #tpu.memory_space<hbm>> -> memref<1x128xf32, #tpu.memory_space<hbm>>
        %dma_start3A_293 = arith.constant 0 : i32
        %dma_start3A_294 = tpu.memref_slice %arg9[%add3A_289, %dma_start3A_293] : memref<12500x128xf32, #tpu.memory_space<hbm>> -> memref<1x128xf32, #tpu.memory_space<hbm>>
        tpu.enqueue_dma source(%arg15 : memref<1x128xf32, #tpu.memory_space<vmem>>) target(%dma_start3A_294 : memref<1x128xf32, #tpu.memory_space<hbm>>) target_semaphore(%run_scoped3A : memref<!tpu.dma_semaphore, #tpu.memory_space<semaphore_mem>>)
        %dma_wait3A_295 = arith.constant 0 : i32
        %dma_wait3A_296 = tpu.memref_slice %arg9[%add3A_289, %dma_wait3A_295] : memref<12500x128xf32, #tpu.memory_space<hbm>> -> memref<1x128xf32, #tpu.memory_space<hbm>>
        %dma_wait3A_297 = arith.constant 0 : i32
        %dma_wait3A_298 = tpu.memref_slice %arg9[%add3A_289, %dma_wait3A_297] : memref<12500x128xf32, #tpu.memory_space<hbm>> -> memref<1x128xf32, #tpu.memory_space<hbm>>
        tpu.wait_dma2 semaphore(%run_scoped3A : memref<!tpu.dma_semaphore, #tpu.memory_space<semaphore_mem>>) src(%arg15 : memref<1x128xf32, #tpu.memory_space<vmem>>) dst(%dma_wait3A_298 : memref<1x128xf32, #tpu.memory_space<hbm>>)
        tpu.yield
      }) : () -> ()
      %while3A_290 = arith.constant 0 : i32
      scf.yield %while3A_290 : i32
    }
    %while3A_179 = arith.constant 1 : i32
    %while3A_180 = scf.for %while3A_181 = %while3A_176 to %while3A_172 step %while3A_179 iter_args(%while3A_182 = %while3A_178) -> (i32)  : i32 {
      %add3A_183 = arith.addi %add3A_169, %while3A_181 : i32
      "tpu.region"() ({
        %run_scoped3A = tpu.sem_alloc : memref<!tpu.dma_semaphore, #tpu.memory_space<semaphore_mem>>
        %dma_start3A_291 = arith.constant 0 : i32
        %dma_start3A_292 = tpu.memref_slice %arg2[%add3A_183, %dma_start3A_291] : memref<12500x128xi32, #tpu.memory_space<hbm>> -> memref<1x128xi32, #tpu.memory_space<hbm>>
        %dma_start3A_293 = arith.constant 0 : i32
        %dma_start3A_294 = tpu.memref_slice %arg2[%add3A_183, %dma_start3A_293] : memref<12500x128xi32, #tpu.memory_space<hbm>> -> memref<1x128xi32, #tpu.memory_space<hbm>>
        tpu.enqueue_dma source(%dma_start3A_294 : memref<1x128xi32, #tpu.memory_space<hbm>>) target(%arg10 : memref<1x128xi32, #tpu.memory_space<vmem>>) target_semaphore(%run_scoped3A : memref<!tpu.dma_semaphore, #tpu.memory_space<semaphore_mem>>)
        %dma_wait3A_295 = arith.constant 0 : i32
        %dma_wait3A_296 = tpu.memref_slice %arg2[%add3A_183, %dma_wait3A_295] : memref<12500x128xi32, #tpu.memory_space<hbm>> -> memref<1x128xi32, #tpu.memory_space<hbm>>
        %dma_wait3A_297 = arith.constant 0 : i32
        %dma_wait3A_298 = tpu.memref_slice %arg2[%add3A_183, %dma_wait3A_297] : memref<12500x128xi32, #tpu.memory_space<hbm>> -> memref<1x128xi32, #tpu.memory_space<hbm>>
        tpu.wait_dma2 semaphore(%run_scoped3A : memref<!tpu.dma_semaphore, #tpu.memory_space<semaphore_mem>>) src(%dma_wait3A_298 : memref<1x128xi32, #tpu.memory_space<hbm>>) dst(%arg10 : memref<1x128xi32, #tpu.memory_space<vmem>>)
        tpu.yield
      }) : () -> ()
      %add3A_184 = arith.addi %add3A_169, %while3A_181 : i32
      "tpu.region"() ({
        %run_scoped3A = tpu.sem_alloc : memref<!tpu.dma_semaphore, #tpu.memory_space<semaphore_mem>>
        %dma_start3A_291 = arith.constant 0 : i32
        %dma_start3A_292 = tpu.memref_slice %arg3[%add3A_184, %dma_start3A_291] : memref<12500x128xi32, #tpu.memory_space<hbm>> -> memref<1x128xi32, #tpu.memory_space<hbm>>
        %dma_start3A_293 = arith.constant 0 : i32
        %dma_start3A_294 = tpu.memref_slice %arg3[%add3A_184, %dma_start3A_293] : memref<12500x128xi32, #tpu.memory_space<hbm>> -> memref<1x128xi32, #tpu.memory_space<hbm>>
        tpu.enqueue_dma source(%dma_start3A_294 : memref<1x128xi32, #tpu.memory_space<hbm>>) target(%arg11 : memref<1x128xi32, #tpu.memory_space<vmem>>) target_semaphore(%run_scoped3A : memref<!tpu.dma_semaphore, #tpu.memory_space<semaphore_mem>>)
        %dma_wait3A_295 = arith.constant 0 : i32
        %dma_wait3A_296 = tpu.memref_slice %arg3[%add3A_184, %dma_wait3A_295] : memref<12500x128xi32, #tpu.memory_space<hbm>> -> memref<1x128xi32, #tpu.memory_space<hbm>>
        %dma_wait3A_297 = arith.constant 0 : i32
        %dma_wait3A_298 = tpu.memref_slice %arg3[%add3A_184, %dma_wait3A_297] : memref<12500x128xi32, #tpu.memory_space<hbm>> -> memref<1x128xi32, #tpu.memory_space<hbm>>
        tpu.wait_dma2 semaphore(%run_scoped3A : memref<!tpu.dma_semaphore, #tpu.memory_space<semaphore_mem>>) src(%dma_wait3A_298 : memref<1x128xi32, #tpu.memory_space<hbm>>) dst(%arg11 : memref<1x128xi32, #tpu.memory_space<vmem>>)
        tpu.yield
      }) : () -> ()
      %add3A_185 = arith.addi %add3A_169, %while3A_181 : i32
      "tpu.region"() ({
        %run_scoped3A = tpu.sem_alloc : memref<!tpu.dma_semaphore, #tpu.memory_space<semaphore_mem>>
        %dma_start3A_291 = arith.constant 0 : i32
        %dma_start3A_292 = tpu.memref_slice %arg4[%add3A_185, %dma_start3A_291] : memref<12500x128xf32, #tpu.memory_space<hbm>> -> memref<1x128xf32, #tpu.memory_space<hbm>>
        %dma_start3A_293 = arith.constant 0 : i32
        %dma_start3A_294 = tpu.memref_slice %arg4[%add3A_185, %dma_start3A_293] : memref<12500x128xf32, #tpu.memory_space<hbm>> -> memref<1x128xf32, #tpu.memory_space<hbm>>
        tpu.enqueue_dma source(%dma_start3A_294 : memref<1x128xf32, #tpu.memory_space<hbm>>) target(%arg12 : memref<1x128xf32, #tpu.memory_space<vmem>>) target_semaphore(%run_scoped3A : memref<!tpu.dma_semaphore, #tpu.memory_space<semaphore_mem>>)
        %dma_wait3A_295 = arith.constant 0 : i32
        %dma_wait3A_296 = tpu.memref_slice %arg4[%add3A_185, %dma_wait3A_295] : memref<12500x128xf32, #tpu.memory_space<hbm>> -> memref<1x128xf32, #tpu.memory_space<hbm>>
        %dma_wait3A_297 = arith.constant 0 : i32
        %dma_wait3A_298 = tpu.memref_slice %arg4[%add3A_185, %dma_wait3A_297] : memref<12500x128xf32, #tpu.memory_space<hbm>> -> memref<1x128xf32, #tpu.memory_space<hbm>>
        tpu.wait_dma2 semaphore(%run_scoped3A : memref<!tpu.dma_semaphore, #tpu.memory_space<semaphore_mem>>) src(%dma_wait3A_298 : memref<1x128xf32, #tpu.memory_space<hbm>>) dst(%arg12 : memref<1x128xf32, #tpu.memory_space<vmem>>)
        tpu.yield
      }) : () -> ()
      %get3A_186 = arith.constant 0 : i32
      %get3A_187 = arith.index_cast %get3A_186 : i32 to index
      %get3A_188 = arith.constant 0 : index
      %get3A_189 = tpu.vector_load %arg11[%get3A_187, %get3A_188] {strides = array<i32>} : memref<1x128xi32, #tpu.memory_space<vmem>>, vector<16xi32>,
      %add3A_190 = arith.addi %get3A_189, %broadcast_in_dim3A_130 : vector<16xi32>
      %swap3A = arith.constant 0 : i32
      %swap3A_191 = arith.index_cast %swap3A : i32 to index
      %swap3A_192 = arith.constant 0 : index
      %swap3A_193 = tpu.vector_load %arg11[%swap3A_191, %swap3A_192] {strides = array<i32>} : memref<1x128xi32, #tpu.memory_space<vmem>>, vector<16xi32>,
      tpu.vector_store %arg11[%swap3A_191, %swap3A_192], %add3A_190 {strides = array<i32>} : memref<1x128xi32, #tpu.memory_space<vmem>>, vector<16xi32>,
      %get3A_194 = arith.constant 0 : i32
      %get3A_195 = arith.index_cast %get3A_194 : i32 to index
      %get3A_196 = arith.constant 16 : index
      %get3A_197 = tpu.vector_load %arg11[%get3A_195, %get3A_196] {strides = array<i32>} : memref<1x128xi32, #tpu.memory_space<vmem>>, vector<16xi32>,
      %add3A_198 = arith.addi %get3A_197, %broadcast_in_dim3A_130 : vector<16xi32>
      %swap3A_199 = arith.constant 0 : i32
      %swap3A_200 = arith.index_cast %swap3A_199 : i32 to index
      %swap3A_201 = arith.constant 16 : index
      %swap3A_202 = tpu.vector_load %arg11[%swap3A_200, %swap3A_201] {strides = array<i32>} : memref<1x128xi32, #tpu.memory_space<vmem>>, vector<16xi32>,
      tpu.vector_store %arg11[%swap3A_200, %swap3A_201], %add3A_198 {strides = array<i32>} : memref<1x128xi32, #tpu.memory_space<vmem>>, vector<16xi32>,
      %get3A_203 = arith.constant 0 : i32
      %get3A_204 = arith.index_cast %get3A_203 : i32 to index
      %get3A_205 = arith.constant 32 : index
      %get3A_206 = tpu.vector_load %arg11[%get3A_204, %get3A_205] {strides = array<i32>} : memref<1x128xi32, #tpu.memory_space<vmem>>, vector<16xi32>,
      %add3A_207 = arith.addi %get3A_206, %broadcast_in_dim3A_130 : vector<16xi32>
      %swap3A_208 = arith.constant 0 : i32
      %swap3A_209 = arith.index_cast %swap3A_208 : i32 to index
      %swap3A_210 = arith.constant 32 : index
      %swap3A_211 = tpu.vector_load %arg11[%swap3A_209, %swap3A_210] {strides = array<i32>} : memref<1x128xi32, #tpu.memory_space<vmem>>, vector<16xi32>,
      tpu.vector_store %arg11[%swap3A_209, %swap3A_210], %add3A_207 {strides = array<i32>} : memref<1x128xi32, #tpu.memory_space<vmem>>, vector<16xi32>,
      %get3A_212 = arith.constant 0 : i32
      %get3A_213 = arith.index_cast %get3A_212 : i32 to index
      %get3A_214 = arith.constant 48 : index
      %get3A_215 = tpu.vector_load %arg11[%get3A_213, %get3A_214] {strides = array<i32>} : memref<1x128xi32, #tpu.memory_space<vmem>>, vector<16xi32>,
      %add3A_216 = arith.addi %get3A_215, %broadcast_in_dim3A_130 : vector<16xi32>
      %swap3A_217 = arith.constant 0 : i32
      %swap3A_218 = arith.index_cast %swap3A_217 : i32 to index
      %swap3A_219 = arith.constant 48 : index
      %swap3A_220 = tpu.vector_load %arg11[%swap3A_218, %swap3A_219] {strides = array<i32>} : memref<1x128xi32, #tpu.memory_space<vmem>>, vector<16xi32>,
      tpu.vector_store %arg11[%swap3A_218, %swap3A_219], %add3A_216 {strides = array<i32>} : memref<1x128xi32, #tpu.memory_space<vmem>>, vector<16xi32>,
      %get3A_221 = arith.constant 0 : i32
      %get3A_222 = arith.index_cast %get3A_221 : i32 to index
      %get3A_223 = arith.constant 64 : index
      %get3A_224 = tpu.vector_load %arg11[%get3A_222, %get3A_223] {strides = array<i32>} : memref<1x128xi32, #tpu.memory_space<vmem>>, vector<16xi32>,
      %add3A_225 = arith.addi %get3A_224, %broadcast_in_dim3A_130 : vector<16xi32>
      %swap3A_226 = arith.constant 0 : i32
      %swap3A_227 = arith.index_cast %swap3A_226 : i32 to index
      %swap3A_228 = arith.constant 64 : index
      %swap3A_229 = tpu.vector_load %arg11[%swap3A_227, %swap3A_228] {strides = array<i32>} : memref<1x128xi32, #tpu.memory_space<vmem>>, vector<16xi32>,
      tpu.vector_store %arg11[%swap3A_227, %swap3A_228], %add3A_225 {strides = array<i32>} : memref<1x128xi32, #tpu.memory_space<vmem>>, vector<16xi32>,
      %get3A_230 = arith.constant 0 : i32
      %get3A_231 = arith.index_cast %get3A_230 : i32 to index
      %get3A_232 = arith.constant 80 : index
      %get3A_233 = tpu.vector_load %arg11[%get3A_231, %get3A_232] {strides = array<i32>} : memref<1x128xi32, #tpu.memory_space<vmem>>, vector<16xi32>,
      %add3A_234 = arith.addi %get3A_233, %broadcast_in_dim3A_130 : vector<16xi32>
      %swap3A_235 = arith.constant 0 : i32
      %swap3A_236 = arith.index_cast %swap3A_235 : i32 to index
      %swap3A_237 = arith.constant 80 : index
      %swap3A_238 = tpu.vector_load %arg11[%swap3A_236, %swap3A_237] {strides = array<i32>} : memref<1x128xi32, #tpu.memory_space<vmem>>, vector<16xi32>,
      tpu.vector_store %arg11[%swap3A_236, %swap3A_237], %add3A_234 {strides = array<i32>} : memref<1x128xi32, #tpu.memory_space<vmem>>, vector<16xi32>,
      %get3A_239 = arith.constant 0 : i32
      %get3A_240 = arith.index_cast %get3A_239 : i32 to index
      %get3A_241 = arith.constant 96 : index
      %get3A_242 = tpu.vector_load %arg11[%get3A_240, %get3A_241] {strides = array<i32>} : memref<1x128xi32, #tpu.memory_space<vmem>>, vector<16xi32>,
      %add3A_243 = arith.addi %get3A_242, %broadcast_in_dim3A_130 : vector<16xi32>
      %swap3A_244 = arith.constant 0 : i32
      %swap3A_245 = arith.index_cast %swap3A_244 : i32 to index
      %swap3A_246 = arith.constant 96 : index
      %swap3A_247 = tpu.vector_load %arg11[%swap3A_245, %swap3A_246] {strides = array<i32>} : memref<1x128xi32, #tpu.memory_space<vmem>>, vector<16xi32>,
      tpu.vector_store %arg11[%swap3A_245, %swap3A_246], %add3A_243 {strides = array<i32>} : memref<1x128xi32, #tpu.memory_space<vmem>>, vector<16xi32>,
      %get3A_248 = arith.constant 0 : i32
      %get3A_249 = arith.index_cast %get3A_248 : i32 to index
      %get3A_250 = arith.constant 112 : index
      %get3A_251 = tpu.vector_load %arg11[%get3A_249, %get3A_250] {strides = array<i32>} : memref<1x128xi32, #tpu.memory_space<vmem>>, vector<16xi32>,
      %add3A_252 = arith.addi %get3A_251, %broadcast_in_dim3A_130 : vector<16xi32>
      %swap3A_253 = arith.constant 0 : i32
      %swap3A_254 = arith.index_cast %swap3A_253 : i32 to index
      %swap3A_255 = arith.constant 112 : index
      %swap3A_256 = tpu.vector_load %arg11[%swap3A_254, %swap3A_255] {strides = array<i32>} : memref<1x128xi32, #tpu.memory_space<vmem>>, vector<16xi32>,
      tpu.vector_store %arg11[%swap3A_254, %swap3A_255], %add3A_252 {strides = array<i32>} : memref<1x128xi32, #tpu.memory_space<vmem>>, vector<16xi32>,
      %dma_start3A = arith.constant 0 : i32
      %dma_start3A_257 = arith.constant 0 : i32
      %dma_start3A_258 = tpu.memref_slice %arg10[%dma_start3A, %dma_start3A_257] : memref<1x128xi32, #tpu.memory_space<vmem>> -> memref<1x128xi32, #tpu.memory_space<vmem>>
      %dma_start3A_259 = tpu.memref_squeeze %dma_start3A_258 : memref<1x128xi32, #tpu.memory_space<vmem>> -> memref<128xi32, #tpu.memory_space<vmem>>
      %dma_start3A_260 = arith.constant 0 : i32
      %dma_start3A_261 = arith.constant 0 : i32
      %dma_start3A_262 = tpu.memref_slice %arg5[%dma_start3A_260, %dma_start3A_261] : memref<200000x16xf32, #tpu.memory_space<hbm>> -> memref<200000x16xf32, #tpu.memory_space<hbm>>
      tpu.enqueue_indirect_dma source(%dma_start3A_262 : memref<200000x16xf32, #tpu.memory_space<hbm>>) target(%arg13 : memref<128x16xf32, #tpu.memory_space<vmem>>) offsets(%dma_start3A_259 : memref<128xi32, #tpu.memory_space<vmem>>) semaphore(%arg19 : memref<!tpu.dma_semaphore, #tpu.memory_space<semaphore_mem>>)
      %dma_start3A_263 = arith.constant 0 : i32
      %dma_start3A_264 = arith.constant 0 : i32
      %dma_start3A_265 = tpu.memref_slice %arg11[%dma_start3A_263, %dma_start3A_264] : memref<1x128xi32, #tpu.memory_space<vmem>> -> memref<1x128xi32, #tpu.memory_space<vmem>>
      %dma_start3A_266 = tpu.memref_squeeze %dma_start3A_265 : memref<1x128xi32, #tpu.memory_space<vmem>> -> memref<128xi32, #tpu.memory_space<vmem>>
      %dma_start3A_267 = arith.constant 0 : i32
      %dma_start3A_268 = arith.constant 0 : i32
      %dma_start3A_269 = tpu.memref_slice %arg5[%dma_start3A_267, %dma_start3A_268] : memref<200000x16xf32, #tpu.memory_space<hbm>> -> memref<200000x16xf32, #tpu.memory_space<hbm>>
      tpu.enqueue_indirect_dma source(%dma_start3A_269 : memref<200000x16xf32, #tpu.memory_space<hbm>>) target(%arg14 : memref<128x16xf32, #tpu.memory_space<vmem>>) offsets(%dma_start3A_266 : memref<128xi32, #tpu.memory_space<vmem>>) semaphore(%arg20 : memref<!tpu.dma_semaphore, #tpu.memory_space<semaphore_mem>>)
      %dma_wait3A = arith.constant 0 : i32
      %dma_wait3A_270 = arith.constant 0 : i32
      %dma_wait3A_271 = tpu.memref_slice %arg10[%dma_wait3A, %dma_wait3A_270] : memref<1x128xi32, #tpu.memory_space<vmem>> -> memref<1x128xi32, #tpu.memory_space<vmem>>
      %dma_wait3A_272 = tpu.memref_squeeze %dma_wait3A_271 : memref<1x128xi32, #tpu.memory_space<vmem>> -> memref<128xi32, #tpu.memory_space<vmem>>
      %dma_wait3A_273 = arith.constant 0 : i32
      %dma_wait3A_274 = arith.constant 0 : i32
      %dma_wait3A_275 = tpu.memref_slice %arg5[%dma_wait3A_273, %dma_wait3A_274] : memref<200000x16xf32, #tpu.memory_space<hbm>> -> memref<200000x16xf32, #tpu.memory_space<hbm>>
      tpu.wait_indirect_dma semaphore(%arg19 : memref<!tpu.dma_semaphore, #tpu.memory_space<semaphore_mem>>) src(%dma_wait3A_275 : memref<200000x16xf32, #tpu.memory_space<hbm>>) dst(%arg13 : memref<128x16xf32, #tpu.memory_space<vmem>>)
      %dma_wait3A_276 = arith.constant 0 : i32
      %dma_wait3A_277 = arith.constant 0 : i32
      %dma_wait3A_278 = tpu.memref_slice %arg11[%dma_wait3A_276, %dma_wait3A_277] : memref<1x128xi32, #tpu.memory_space<vmem>> -> memref<1x128xi32, #tpu.memory_space<vmem>>
      %dma_wait3A_279 = tpu.memref_squeeze %dma_wait3A_278 : memref<1x128xi32, #tpu.memory_space<vmem>> -> memref<128xi32, #tpu.memory_space<vmem>>
      %dma_wait3A_280 = arith.constant 0 : i32
      %dma_wait3A_281 = arith.constant 0 : i32
      %dma_wait3A_282 = tpu.memref_slice %arg5[%dma_wait3A_280, %dma_wait3A_281] : memref<200000x16xf32, #tpu.memory_space<hbm>> -> memref<200000x16xf32, #tpu.memory_space<hbm>>
      tpu.wait_indirect_dma semaphore(%arg20 : memref<!tpu.dma_semaphore, #tpu.memory_space<semaphore_mem>>) src(%dma_wait3A_282 : memref<200000x16xf32, #tpu.memory_space<hbm>>) dst(%arg14 : memref<128x16xf32, #tpu.memory_space<vmem>>)
      %scan3A = arith.constant 0 : i32
      %scan3A_283 = arith.constant 0 : i32
      %scan3A_284 = arith.constant 8 : i32
      %scan3A_285 = arith.addi %scan3A_283, %scan3A_284 : i32
      %scan3A_286 = arith.constant 1 : i32
      %scan3A_287 = scf.for %scan3A_291 = %scan3A_283 to %scan3A_285 step %scan3A_286 iter_args(%scan3A_292 = %scan3A) -> (i32)  : i32 {
        %mul3A_293 = arith.constant 16 : i32
        %mul3A_294 = arith.muli %scan3A_291, %mul3A_293 : i32
        %get3A_295 = arith.constant 0 : i32
        %get3A_296 = arith.index_cast %get3A_295 : i32 to index
        %get3A_297 = arith.index_cast %mul3A_294 : i32 to index
        %get3A_298 = tpu.vector_load %arg12[%get3A_296, %get3A_297] {strides = array<i32>} : memref<1x128xf32, #tpu.memory_space<vmem>>, vector<16xf32>,
        %mul3A_299 = arith.constant 16 : i32
        %mul3A_300 = arith.muli %scan3A_291, %mul3A_299 : i32
        %broadcast_in_dim3A_301 = vector.broadcast %mul3A_300 : i32 to vector<16xi32>
        %add3A_302 = arith.addi %broadcast_in_dim3A_301, %iota3A : vector<16xi32>
        %gather3A = tpu.vector_load_idx %arg13[%add3A_302, %broadcast_in_dim3A_132] : memref<128x16xf32, #tpu.memory_space<vmem>>[vector<16xi32>, vector<16xi32>], vector<16xf32>,
        %gather3A_303 = tpu.vector_load_idx %arg14[%add3A_302, %broadcast_in_dim3A_132] : memref<128x16xf32, #tpu.memory_space<vmem>>[vector<16xi32>, vector<16xi32>], vector<16xf32>,
        %add3A_304 = arith.addf %gather3A, %gather3A_303 : vector<16xf32>
        %mul3A_305 = arith.mulf %get3A_298, %get3A_3 : vector<16xf32>
        %add3A_306 = arith.addf %add3A_304, %mul3A_305 : vector<16xf32>
        %max3A = arith.constant 0.000000e+00 : f32
        %max3A_307 = vector.broadcast %max3A : f32 to vector<16xf32>
        %max3A_308 = arith.maximumf %add3A_306, %max3A_307 : vector<16xf32>
        %mul3A_309 = arith.mulf %max3A_308, %get3A_67 : vector<16xf32>
        %add3A_310 = arith.addf %get3A_129, %mul3A_309 : vector<16xf32>
        %gather3A_311 = tpu.vector_load_idx %arg13[%add3A_302, %broadcast_in_dim3A_134] : memref<128x16xf32, #tpu.memory_space<vmem>>[vector<16xi32>, vector<16xi32>], vector<16xf32>,
        %gather3A_312 = tpu.vector_load_idx %arg14[%add3A_302, %broadcast_in_dim3A_134] : memref<128x16xf32, #tpu.memory_space<vmem>>[vector<16xi32>, vector<16xi32>], vector<16xf32>,
        %add3A_313 = arith.addf %gather3A_311, %gather3A_312 : vector<16xf32>
        %mul3A_314 = arith.mulf %get3A_298, %get3A_7 : vector<16xf32>
        %add3A_315 = arith.addf %add3A_313, %mul3A_314 : vector<16xf32>
        %max3A_316 = arith.constant 0.000000e+00 : f32
        %max3A_317 = vector.broadcast %max3A_316 : f32 to vector<16xf32>
        %max3A_318 = arith.maximumf %add3A_315, %max3A_317 : vector<16xf32>
        %mul3A_319 = arith.mulf %max3A_318, %get3A_71 : vector<16xf32>
        %add3A_320 = arith.addf %add3A_310, %mul3A_319 : vector<16xf32>
        %gather3A_321 = tpu.vector_load_idx %arg13[%add3A_302, %broadcast_in_dim3A_136] : memref<128x16xf32, #tpu.memory_space<vmem>>[vector<16xi32>, vector<16xi32>], vector<16xf32>,
        %gather3A_322 = tpu.vector_load_idx %arg14[%add3A_302, %broadcast_in_dim3A_136] : memref<128x16xf32, #tpu.memory_space<vmem>>[vector<16xi32>, vector<16xi32>], vector<16xf32>,
        %add3A_323 = arith.addf %gather3A_321, %gather3A_322 : vector<16xf32>
        %mul3A_324 = arith.mulf %get3A_298, %get3A_11 : vector<16xf32>
        %add3A_325 = arith.addf %add3A_323, %mul3A_324 : vector<16xf32>
        %max3A_326 = arith.constant 0.000000e+00 : f32
        %max3A_327 = vector.broadcast %max3A_326 : f32 to vector<16xf32>
        %max3A_328 = arith.maximumf %add3A_325, %max3A_327 : vector<16xf32>
        %mul3A_329 = arith.mulf %max3A_328, %get3A_75 : vector<16xf32>
        %add3A_330 = arith.addf %add3A_320, %mul3A_329 : vector<16xf32>
        %gather3A_331 = tpu.vector_load_idx %arg13[%add3A_302, %broadcast_in_dim3A_138] : memref<128x16xf32, #tpu.memory_space<vmem>>[vector<16xi32>, vector<16xi32>], vector<16xf32>,
        %gather3A_332 = tpu.vector_load_idx %arg14[%add3A_302, %broadcast_in_dim3A_138] : memref<128x16xf32, #tpu.memory_space<vmem>>[vector<16xi32>, vector<16xi32>], vector<16xf32>,
        %add3A_333 = arith.addf %gather3A_331, %gather3A_332 : vector<16xf32>
        %mul3A_334 = arith.mulf %get3A_298, %get3A_15 : vector<16xf32>
        %add3A_335 = arith.addf %add3A_333, %mul3A_334 : vector<16xf32>
        %max3A_336 = arith.constant 0.000000e+00 : f32
        %max3A_337 = vector.broadcast %max3A_336 : f32 to vector<16xf32>
        %max3A_338 = arith.maximumf %add3A_335, %max3A_337 : vector<16xf32>
        %mul3A_339 = arith.mulf %max3A_338, %get3A_79 : vector<16xf32>
        %add3A_340 = arith.addf %add3A_330, %mul3A_339 : vector<16xf32>
        %gather3A_341 = tpu.vector_load_idx %arg13[%add3A_302, %broadcast_in_dim3A_140] : memref<128x16xf32, #tpu.memory_space<vmem>>[vector<16xi32>, vector<16xi32>], vector<16xf32>,
        %gather3A_342 = tpu.vector_load_idx %arg14[%add3A_302, %broadcast_in_dim3A_140] : memref<128x16xf32, #tpu.memory_space<vmem>>[vector<16xi32>, vector<16xi32>], vector<16xf32>,
        %add3A_343 = arith.addf %gather3A_341, %gather3A_342 : vector<16xf32>
        %mul3A_344 = arith.mulf %get3A_298, %get3A_19 : vector<16xf32>
        %add3A_345 = arith.addf %add3A_343, %mul3A_344 : vector<16xf32>
        %max3A_346 = arith.constant 0.000000e+00 : f32
        %max3A_347 = vector.broadcast %max3A_346 : f32 to vector<16xf32>
        %max3A_348 = arith.maximumf %add3A_345, %max3A_347 : vector<16xf32>
        %mul3A_349 = arith.mulf %max3A_348, %get3A_83 : vector<16xf32>
        %add3A_350 = arith.addf %add3A_340, %mul3A_349 : vector<16xf32>
        %gather3A_351 = tpu.vector_load_idx %arg13[%add3A_302, %broadcast_in_dim3A_142] : memref<128x16xf32, #tpu.memory_space<vmem>>[vector<16xi32>, vector<16xi32>], vector<16xf32>,
        %gather3A_352 = tpu.vector_load_idx %arg14[%add3A_302, %broadcast_in_dim3A_142] : memref<128x16xf32, #tpu.memory_space<vmem>>[vector<16xi32>, vector<16xi32>], vector<16xf32>,
        %add3A_353 = arith.addf %gather3A_351, %gather3A_352 : vector<16xf32>
        %mul3A_354 = arith.mulf %get3A_298, %get3A_23 : vector<16xf32>
        %add3A_355 = arith.addf %add3A_353, %mul3A_354 : vector<16xf32>
        %max3A_356 = arith.constant 0.000000e+00 : f32
        %max3A_357 = vector.broadcast %max3A_356 : f32 to vector<16xf32>
        %max3A_358 = arith.maximumf %add3A_355, %max3A_357 : vector<16xf32>
        %mul3A_359 = arith.mulf %max3A_358, %get3A_87 : vector<16xf32>
        %add3A_360 = arith.addf %add3A_350, %mul3A_359 : vector<16xf32>
        %gather3A_361 = tpu.vector_load_idx %arg13[%add3A_302, %broadcast_in_dim3A_144] : memref<128x16xf32, #tpu.memory_space<vmem>>[vector<16xi32>, vector<16xi32>], vector<16xf32>,
        %gather3A_362 = tpu.vector_load_idx %arg14[%add3A_302, %broadcast_in_dim3A_144] : memref<128x16xf32, #tpu.memory_space<vmem>>[vector<16xi32>, vector<16xi32>], vector<16xf32>,
        %add3A_363 = arith.addf %gather3A_361, %gather3A_362 : vector<16xf32>
        %mul3A_364 = arith.mulf %get3A_298, %get3A_27 : vector<16xf32>
        %add3A_365 = arith.addf %add3A_363, %mul3A_364 : vector<16xf32>
        %max3A_366 = arith.constant 0.000000e+00 : f32
        %max3A_367 = vector.broadcast %max3A_366 : f32 to vector<16xf32>
        %max3A_368 = arith.maximumf %add3A_365, %max3A_367 : vector<16xf32>
        %mul3A_369 = arith.mulf %max3A_368, %get3A_91 : vector<16xf32>
        %add3A_370 = arith.addf %add3A_360, %mul3A_369 : vector<16xf32>
        %gather3A_371 = tpu.vector_load_idx %arg13[%add3A_302, %broadcast_in_dim3A_146] : memref<128x16xf32, #tpu.memory_space<vmem>>[vector<16xi32>, vector<16xi32>], vector<16xf32>,
        %gather3A_372 = tpu.vector_load_idx %arg14[%add3A_302, %broadcast_in_dim3A_146] : memref<128x16xf32, #tpu.memory_space<vmem>>[vector<16xi32>, vector<16xi32>], vector<16xf32>,
        %add3A_373 = arith.addf %gather3A_371, %gather3A_372 : vector<16xf32>
        %mul3A_374 = arith.mulf %get3A_298, %get3A_31 : vector<16xf32>
        %add3A_375 = arith.addf %add3A_373, %mul3A_374 : vector<16xf32>
        %max3A_376 = arith.constant 0.000000e+00 : f32
        %max3A_377 = vector.broadcast %max3A_376 : f32 to vector<16xf32>
        %max3A_378 = arith.maximumf %add3A_375, %max3A_377 : vector<16xf32>
        %mul3A_379 = arith.mulf %max3A_378, %get3A_95 : vector<16xf32>
        %add3A_380 = arith.addf %add3A_370, %mul3A_379 : vector<16xf32>
        %gather3A_381 = tpu.vector_load_idx %arg13[%add3A_302, %broadcast_in_dim3A_148] : memref<128x16xf32, #tpu.memory_space<vmem>>[vector<16xi32>, vector<16xi32>], vector<16xf32>,
        %gather3A_382 = tpu.vector_load_idx %arg14[%add3A_302, %broadcast_in_dim3A_148] : memref<128x16xf32, #tpu.memory_space<vmem>>[vector<16xi32>, vector<16xi32>], vector<16xf32>,
        %add3A_383 = arith.addf %gather3A_381, %gather3A_382 : vector<16xf32>
        %mul3A_384 = arith.mulf %get3A_298, %get3A_35 : vector<16xf32>
        %add3A_385 = arith.addf %add3A_383, %mul3A_384 : vector<16xf32>
        %max3A_386 = arith.constant 0.000000e+00 : f32
        %max3A_387 = vector.broadcast %max3A_386 : f32 to vector<16xf32>
        %max3A_388 = arith.maximumf %add3A_385, %max3A_387 : vector<16xf32>
        %mul3A_389 = arith.mulf %max3A_388, %get3A_99 : vector<16xf32>
        %add3A_390 = arith.addf %add3A_380, %mul3A_389 : vector<16xf32>
        %gather3A_391 = tpu.vector_load_idx %arg13[%add3A_302, %broadcast_in_dim3A_150] : memref<128x16xf32, #tpu.memory_space<vmem>>[vector<16xi32>, vector<16xi32>], vector<16xf32>,
        %gather3A_392 = tpu.vector_load_idx %arg14[%add3A_302, %broadcast_in_dim3A_150] : memref<128x16xf32, #tpu.memory_space<vmem>>[vector<16xi32>, vector<16xi32>], vector<16xf32>,
        %add3A_393 = arith.addf %gather3A_391, %gather3A_392 : vector<16xf32>
        %mul3A_394 = arith.mulf %get3A_298, %get3A_39 : vector<16xf32>
        %add3A_395 = arith.addf %add3A_393, %mul3A_394 : vector<16xf32>
        %max3A_396 = arith.constant 0.000000e+00 : f32
        %max3A_397 = vector.broadcast %max3A_396 : f32 to vector<16xf32>
        %max3A_398 = arith.maximumf %add3A_395, %max3A_397 : vector<16xf32>
        %mul3A_399 = arith.mulf %max3A_398, %get3A_103 : vector<16xf32>
        %add3A_400 = arith.addf %add3A_390, %mul3A_399 : vector<16xf32>
        %gather3A_401 = tpu.vector_load_idx %arg13[%add3A_302, %broadcast_in_dim3A_152] : memref<128x16xf32, #tpu.memory_space<vmem>>[vector<16xi32>, vector<16xi32>], vector<16xf32>,
        %gather3A_402 = tpu.vector_load_idx %arg14[%add3A_302, %broadcast_in_dim3A_152] : memref<128x16xf32, #tpu.memory_space<vmem>>[vector<16xi32>, vector<16xi32>], vector<16xf32>,
        %add3A_403 = arith.addf %gather3A_401, %gather3A_402 : vector<16xf32>
        %mul3A_404 = arith.mulf %get3A_298, %get3A_43 : vector<16xf32>
        %add3A_405 = arith.addf %add3A_403, %mul3A_404 : vector<16xf32>
        %max3A_406 = arith.constant 0.000000e+00 : f32
        %max3A_407 = vector.broadcast %max3A_406 : f32 to vector<16xf32>
        %max3A_408 = arith.maximumf %add3A_405, %max3A_407 : vector<16xf32>
        %mul3A_409 = arith.mulf %max3A_408, %get3A_107 : vector<16xf32>
        %add3A_410 = arith.addf %add3A_400, %mul3A_409 : vector<16xf32>
        %gather3A_411 = tpu.vector_load_idx %arg13[%add3A_302, %broadcast_in_dim3A_154] : memref<128x16xf32, #tpu.memory_space<vmem>>[vector<16xi32>, vector<16xi32>], vector<16xf32>,
        %gather3A_412 = tpu.vector_load_idx %arg14[%add3A_302, %broadcast_in_dim3A_154] : memref<128x16xf32, #tpu.memory_space<vmem>>[vector<16xi32>, vector<16xi32>], vector<16xf32>,
        %add3A_413 = arith.addf %gather3A_411, %gather3A_412 : vector<16xf32>
        %mul3A_414 = arith.mulf %get3A_298, %get3A_47 : vector<16xf32>
        %add3A_415 = arith.addf %add3A_413, %mul3A_414 : vector<16xf32>
        %max3A_416 = arith.constant 0.000000e+00 : f32
        %max3A_417 = vector.broadcast %max3A_416 : f32 to vector<16xf32>
        %max3A_418 = arith.maximumf %add3A_415, %max3A_417 : vector<16xf32>
        %mul3A_419 = arith.mulf %max3A_418, %get3A_111 : vector<16xf32>
        %add3A_420 = arith.addf %add3A_410, %mul3A_419 : vector<16xf32>
        %gather3A_421 = tpu.vector_load_idx %arg13[%add3A_302, %broadcast_in_dim3A_156] : memref<128x16xf32, #tpu.memory_space<vmem>>[vector<16xi32>, vector<16xi32>], vector<16xf32>,
        %gather3A_422 = tpu.vector_load_idx %arg14[%add3A_302, %broadcast_in_dim3A_156] : memref<128x16xf32, #tpu.memory_space<vmem>>[vector<16xi32>, vector<16xi32>], vector<16xf32>,
        %add3A_423 = arith.addf %gather3A_421, %gather3A_422 : vector<16xf32>
        %mul3A_424 = arith.mulf %get3A_298, %get3A_51 : vector<16xf32>
        %add3A_425 = arith.addf %add3A_423, %mul3A_424 : vector<16xf32>
        %max3A_426 = arith.constant 0.000000e+00 : f32
        %max3A_427 = vector.broadcast %max3A_426 : f32 to vector<16xf32>
        %max3A_428 = arith.maximumf %add3A_425, %max3A_427 : vector<16xf32>
        %mul3A_429 = arith.mulf %max3A_428, %get3A_115 : vector<16xf32>
        %add3A_430 = arith.addf %add3A_420, %mul3A_429 : vector<16xf32>
        %gather3A_431 = tpu.vector_load_idx %arg13[%add3A_302, %broadcast_in_dim3A_158] : memref<128x16xf32, #tpu.memory_space<vmem>>[vector<16xi32>, vector<16xi32>], vector<16xf32>,
        %gather3A_432 = tpu.vector_load_idx %arg14[%add3A_302, %broadcast_in_dim3A_158] : memref<128x16xf32, #tpu.memory_space<vmem>>[vector<16xi32>, vector<16xi32>], vector<16xf32>,
        %add3A_433 = arith.addf %gather3A_431, %gather3A_432 : vector<16xf32>
        %mul3A_434 = arith.mulf %get3A_298, %get3A_55 : vector<16xf32>
        %add3A_435 = arith.addf %add3A_433, %mul3A_434 : vector<16xf32>
        %max3A_436 = arith.constant 0.000000e+00 : f32
        %max3A_437 = vector.broadcast %max3A_436 : f32 to vector<16xf32>
        %max3A_438 = arith.maximumf %add3A_435, %max3A_437 : vector<16xf32>
        %mul3A_439 = arith.mulf %max3A_438, %get3A_119 : vector<16xf32>
        %add3A_440 = arith.addf %add3A_430, %mul3A_439 : vector<16xf32>
        %gather3A_441 = tpu.vector_load_idx %arg13[%add3A_302, %broadcast_in_dim3A_160] : memref<128x16xf32, #tpu.memory_space<vmem>>[vector<16xi32>, vector<16xi32>], vector<16xf32>,
        %gather3A_442 = tpu.vector_load_idx %arg14[%add3A_302, %broadcast_in_dim3A_160] : memref<128x16xf32, #tpu.memory_space<vmem>>[vector<16xi32>, vector<16xi32>], vector<16xf32>,
        %add3A_443 = arith.addf %gather3A_441, %gather3A_442 : vector<16xf32>
        %mul3A_444 = arith.mulf %get3A_298, %get3A_59 : vector<16xf32>
        %add3A_445 = arith.addf %add3A_443, %mul3A_444 : vector<16xf32>
        %max3A_446 = arith.constant 0.000000e+00 : f32
        %max3A_447 = vector.broadcast %max3A_446 : f32 to vector<16xf32>
        %max3A_448 = arith.maximumf %add3A_445, %max3A_447 : vector<16xf32>
        %mul3A_449 = arith.mulf %max3A_448, %get3A_123 : vector<16xf32>
        %add3A_450 = arith.addf %add3A_440, %mul3A_449 : vector<16xf32>
        %gather3A_451 = tpu.vector_load_idx %arg13[%add3A_302, %broadcast_in_dim3A_162] : memref<128x16xf32, #tpu.memory_space<vmem>>[vector<16xi32>, vector<16xi32>], vector<16xf32>,
        %gather3A_452 = tpu.vector_load_idx %arg14[%add3A_302, %broadcast_in_dim3A_162] : memref<128x16xf32, #tpu.memory_space<vmem>>[vector<16xi32>, vector<16xi32>], vector<16xf32>,
        %add3A_453 = arith.addf %gather3A_451, %gather3A_452 : vector<16xf32>
        %mul3A_454 = arith.mulf %get3A_298, %get3A_63 : vector<16xf32>
        %add3A_455 = arith.addf %add3A_453, %mul3A_454 : vector<16xf32>
        %max3A_456 = arith.constant 0.000000e+00 : f32
        %max3A_457 = vector.broadcast %max3A_456 : f32 to vector<16xf32>
        %max3A_458 = arith.maximumf %add3A_455, %max3A_457 : vector<16xf32>
        %mul3A_459 = arith.mulf %max3A_458, %get3A_127 : vector<16xf32>
        %add3A_460 = arith.addf %add3A_450, %mul3A_459 : vector<16xf32>
        %neg3A = arith.constant 0.000000e+00 : f32
        %neg3A_461 = vector.broadcast %neg3A : f32 to vector<16xf32>
        %neg3A_462 = arith.subf %neg3A_461, %add3A_460 : vector<16xf32>
        %exp3A = math.exp %neg3A_462 : vector<16xf32>
        %add3A_463 = arith.constant 1.000000e+00 : f32
        %add3A_464 = vector.broadcast %add3A_463 : f32 to vector<16xf32>
        %add3A_465 = arith.addf %add3A_464, %exp3A : vector<16xf32>
        %div3A = arith.constant 1.000000e+00 : f32
        %div3A_466 = vector.broadcast %div3A : f32 to vector<16xf32>
        %div3A_467 = arith.divf %div3A_466, %add3A_465 : vector<16xf32>
        %mul3A_468 = arith.constant 16 : i32
        %mul3A_469 = arith.muli %scan3A_291, %mul3A_468 : i32
        %swap3A_470 = arith.constant 0 : i32
        %swap3A_471 = arith.index_cast %swap3A_470 : i32 to index
        %swap3A_472 = arith.index_cast %mul3A_469 : i32 to index
        %swap3A_473 = tpu.vector_load %arg15[%swap3A_471, %swap3A_472] {strides = array<i32>} : memref<1x128xf32, #tpu.memory_space<vmem>>, vector<16xf32>,
        tpu.vector_store %arg15[%swap3A_471, %swap3A_472], %div3A_467 {strides = array<i32>} : memref<1x128xf32, #tpu.memory_space<vmem>>, vector<16xf32>,
        %scan3A_474 = arith.constant 0 : i32
        scf.yield %scan3A_474 : i32
      }
      %scan3A_288 = arith.constant 8 : i32
      %add3A_289 = arith.addi %add3A_169, %while3A_181 : i32
      "tpu.region"() ({
        %run_scoped3A = tpu.sem_alloc : memref<!tpu.dma_semaphore, #tpu.memory_space<semaphore_mem>>
        %dma_start3A_291 = arith.constant 0 : i32
        %dma_start3A_292 = tpu.memref_slice %arg9[%add3A_289, %dma_start3A_291] : memref<12500x128xf32, #tpu.memory_space<hbm>> -> memref<1x128xf32, #tpu.memory_space<hbm>>
        %dma_start3A_293 = arith.constant 0 : i32
        %dma_start3A_294 = tpu.memref_slice %arg9[%add3A_289, %dma_start3A_293] : memref<12500x128xf32, #tpu.memory_space<hbm>> -> memref<1x128xf32, #tpu.memory_space<hbm>>
        tpu.enqueue_dma source(%arg15 : memref<1x128xf32, #tpu.memory_space<vmem>>) target(%dma_start3A_294 : memref<1x128xf32, #tpu.memory_space<hbm>>) target_semaphore(%run_scoped3A : memref<!tpu.dma_semaphore, #tpu.memory_space<semaphore_mem>>)
        %dma_wait3A_295 = arith.constant 0 : i32
        %dma_wait3A_296 = tpu.memref_slice %arg9[%add3A_289, %dma_wait3A_295] : memref<12500x128xf32, #tpu.memory_space<hbm>> -> memref<1x128xf32, #tpu.memory_space<hbm>>
        %dma_wait3A_297 = arith.constant 0 : i32
        %dma_wait3A_298 = tpu.memref_slice %arg9[%add3A_289, %dma_wait3A_297] : memref<12500x128xf32, #tpu.memory_space<hbm>> -> memref<1x128xf32, #tpu.memory_space<hbm>>
        tpu.wait_dma2 semaphore(%run_scoped3A : memref<!tpu.dma_semaphore, #tpu.memory_space<semaphore_mem>>) src(%arg15 : memref<1x128xf32, #tpu.memory_space<vmem>>) dst(%dma_wait3A_298 : memref<1x128xf32, #tpu.memory_space<hbm>>)
        tpu.yield
      }) : () -> ()
      %while3A_290 = arith.constant 0 : i32
      scf.yield %while3A_290 : i32
    }
    return
  }
}

module attributes {stable_mosaic.version = 14 : i64} {
  func.func @_tc_dis_kernel(%arg0: i32, %arg1: memref<2000x16xf32, #tpu.memory_space<vmem>>, %arg2: memref<2000x16xf32, #tpu.memory_space<vmem>>, %arg3: memref<2000x2xf32, #tpu.memory_space<vmem>>, %arg4: memref<2000x16xf32, #tpu.memory_space<vmem>>, %arg5: memref<2000x16xf32, #tpu.memory_space<vmem>>) attributes {dimension_semantics = [#tpu.dimension_semantics<arbitrary>], iteration_bounds = array<i64: 50>, scalar_prefetch = 0 : i64, scratch_operands = 0 : i64, tpu.core_type = #tpu.core_type<tc>, window_params = [{transform_indices = @transform_0, window_bounds = array<i64: 2000, 16>}, {transform_indices = @transform_1, window_bounds = array<i64: 2000, 16>}, {transform_indices = @transform_2, window_bounds = array<i64: 2000, 2>}, {transform_indices = @transform_3, window_bounds = array<i64: 2000, 16>}, {transform_indices = @transform_4, window_bounds = array<i64: 2000, 16>}]} {
    %get3A = arith.constant 0 : index
    %get3A_0 = arith.constant 0 : index
    %get3A_1 = vector.load %arg1[%get3A, %get3A_0] : memref<2000x16xf32, #tpu.memory_space<vmem>>, vector<2000x16xf32>
    %get3A_2 = arith.constant 0 : index
    %get3A_3 = arith.constant 0 : index
    %get3A_4 = vector.load %arg2[%get3A_2, %get3A_3] : memref<2000x16xf32, #tpu.memory_space<vmem>>, vector<2000x16xf32>
    %add3A = arith.addf %get3A_1, %get3A_4 : vector<2000x16xf32>
    %add3A_5 = arith.constant 1.000000e+00 : f32
    %add3A_6 = vector.broadcast %add3A_5 : f32 to vector<2000x16xf32>
    %add3A_7 = arith.addf %add3A, %add3A_6 : vector<2000x16xf32>
    %rsqrt3A = math.rsqrt %add3A_7 : vector<2000x16xf32>
    %swap3A = arith.constant 0 : index
    %swap3A_8 = arith.constant 0 : index
    %swap3A_9 = vector.load %arg4[%swap3A, %swap3A_8] : memref<2000x16xf32, #tpu.memory_space<vmem>>, vector<2000x16xf32>
    tpu.vector_store %arg4[%swap3A, %swap3A_8], %rsqrt3A {strides = array<i32>} : memref<2000x16xf32, #tpu.memory_space<vmem>>, vector<2000x16xf32>,
    %get3A_10 = arith.constant 0 : index
    %get3A_11 = arith.constant 0 : index
    %get3A_12 = vector.load %arg3[%get3A_10, %get3A_11] : memref<2000x2xf32, #tpu.memory_space<vmem>>, vector<2000x2xf32>
    %broadcast_in_dim3A = arith.constant 0.000000e+00 : f32
    %broadcast_in_dim3A_13 = vector.broadcast %broadcast_in_dim3A : f32 to vector<2000x14xf32>
    %concatenate3A = tpu.concatenate %get3A_12, %broadcast_in_dim3A_13 in 1 : vector<2000x2xf32>, vector<2000x14xf32> -> vector<2000x16xf32>
    %mul3A = arith.mulf %rsqrt3A, %concatenate3A : vector<2000x16xf32>
    %swap3A_14 = arith.constant 0 : index
    %swap3A_15 = arith.constant 0 : index
    %swap3A_16 = vector.load %arg5[%swap3A_14, %swap3A_15] : memref<2000x16xf32, #tpu.memory_space<vmem>>, vector<2000x16xf32>
    tpu.vector_store %arg5[%swap3A_14, %swap3A_15], %mul3A {strides = array<i32>} : memref<2000x16xf32, #tpu.memory_space<vmem>>, vector<2000x16xf32>,
    return
  }
  func.func @transform_0(%arg0: i32) -> (i32, i32) {
    %c0_i32 = arith.constant 0 : i32
    %c0_i32_0 = arith.constant 0 : i32
    return %arg0, %c0_i32 : i32, i32
  }
  func.func @transform_1(%arg0: i32) -> (i32, i32) {
    %add3A = arith.constant 50 : i32
    %add3A_0 = arith.addi %arg0, %add3A : i32
    %c0_i32 = arith.constant 0 : i32
    %c0_i32_1 = arith.constant 0 : i32
    return %add3A_0, %c0_i32 : i32, i32
  }
  func.func @transform_2(%arg0: i32) -> (i32, i32) {
    %c0_i32 = arith.constant 0 : i32
    %c0_i32_0 = arith.constant 0 : i32
    return %arg0, %c0_i32 : i32, i32
  }
  func.func @transform_3(%arg0: i32) -> (i32, i32) {
    %c0_i32 = arith.constant 0 : i32
    %c0_i32_0 = arith.constant 0 : i32
    return %arg0, %c0_i32 : i32, i32
  }
  func.func @transform_4(%arg0: i32) -> (i32, i32) {
    %c0_i32 = arith.constant 0 : i32
    %c0_i32_0 = arith.constant 0 : i32
    return %arg0, %c0_i32 : i32, i32
  }
}

module attributes {stable_mosaic.version = 14 : i64} {
  func.func @_tc_layer1_kernel(%arg0: i32, %arg1: memref<2000x16xf32, #tpu.memory_space<vmem>>, %arg2: memref<2000x16xf32, #tpu.memory_space<vmem>>, %arg3: memref<2000x16xf32, #tpu.memory_space<vmem>>, %arg4: memref<2000x2xf32, #tpu.memory_space<vmem>>, %arg5: memref<2x64xf32, #tpu.memory_space<vmem>>, %arg6: memref<1x64xf32, #tpu.memory_space<vmem>>, %arg7: memref<64x32xf32, #tpu.memory_space<vmem>>, %arg8: memref<2000x32xf32, #tpu.memory_space<vmem>>, %arg9: memref<2x2000x16xf32, #tpu.memory_space<vmem>>) attributes {dimension_semantics = [#tpu.dimension_semantics<arbitrary>], iteration_bounds = array<i64: 50>, scalar_prefetch = 0 : i64, scratch_operands = 0 : i64, tpu.core_type = #tpu.core_type<tc>, window_params = [{transform_indices = @transform_0, window_bounds = array<i64: 2000, 16>}, {transform_indices = @transform_1, window_bounds = array<i64: 2000, 16>}, {transform_indices = @transform_2, window_bounds = array<i64: 2000, 16>}, {transform_indices = @transform_3, window_bounds = array<i64: 2000, 2>}, {pipeline_mode = #tpu.pipeline_mode<synchronous>, transform_indices = @transform_4, window_bounds = array<i64: 2, 64>}, {pipeline_mode = #tpu.pipeline_mode<synchronous>, transform_indices = @transform_5, window_bounds = array<i64: 1, 64>}, {pipeline_mode = #tpu.pipeline_mode<synchronous>, transform_indices = @transform_6, window_bounds = array<i64: 64, 32>}, {transform_indices = @transform_7, window_bounds = array<i64: 2000, 32>}, {transform_indices = @transform_8, window_bounds = array<i64: 2, 2000, 16>}]} {
    %get3A = arith.constant 0 : index
    %get3A_0 = arith.constant 0 : index
    %get3A_1 = vector.load %arg3[%get3A, %get3A_0] : memref<2000x16xf32, #tpu.memory_space<vmem>>, vector<2000x2xf32>
    %get3A_2 = arith.constant 0 : index
    %get3A_3 = arith.constant 0 : index
    %get3A_4 = vector.load %arg1[%get3A_2, %get3A_3] : memref<2000x16xf32, #tpu.memory_space<vmem>>, vector<2000x2xf32>
    %get3A_5 = arith.constant 0 : index
    %get3A_6 = arith.constant 0 : index
    %get3A_7 = vector.load %arg2[%get3A_5, %get3A_6] : memref<2000x16xf32, #tpu.memory_space<vmem>>, vector<2000x2xf32>
    %add3A = arith.addf %get3A_4, %get3A_7 : vector<2000x2xf32>
    %mul3A = arith.mulf %get3A_1, %add3A : vector<2000x2xf32>
    %mul3A_8 = arith.mulf %get3A_1, %get3A_1 : vector<2000x2xf32>
    %get3A_9 = arith.constant 0 : index
    %get3A_10 = arith.constant 0 : index
    %get3A_11 = vector.load %arg4[%get3A_9, %get3A_10] : memref<2000x2xf32, #tpu.memory_space<vmem>>, vector<2000x2xf32>
    %mul3A_12 = arith.mulf %mul3A_8, %get3A_11 : vector<2000x2xf32>
    %add3A_13 = arith.addf %mul3A, %mul3A_12 : vector<2000x2xf32>
    %slice3A = vector.extract_strided_slice %add3A_13 {offsets = [0, 0], sizes = [2000, 1], strides = [1, 1]} : vector<2000x2xf32> to vector<2000x1xf32>
    %get3A_14 = arith.constant 0 : index
    %get3A_15 = arith.constant 0 : index
    %get3A_16 = vector.load %arg5[%get3A_14, %get3A_15] : memref<2x64xf32, #tpu.memory_space<vmem>>, vector<1x64xf32>
    %mul3A_17 = vector.broadcast %slice3A : vector<2000x1xf32> to vector<2000x64xf32>
    %mul3A_18 = vector.broadcast %get3A_16 : vector<1x64xf32> to vector<2000x64xf32>
    %mul3A_19 = arith.mulf %mul3A_17, %mul3A_18 : vector<2000x64xf32>
    %slice3A_20 = vector.extract_strided_slice %add3A_13 {offsets = [0, 1], sizes = [2000, 1], strides = [1, 1]} : vector<2000x2xf32> to vector<2000x1xf32>
    %get3A_21 = arith.constant 1 : index
    %get3A_22 = arith.constant 0 : index
    %get3A_23 = vector.load %arg5[%get3A_21, %get3A_22] : memref<2x64xf32, #tpu.memory_space<vmem>>, vector<1x64xf32>
    %mul3A_24 = vector.broadcast %slice3A_20 : vector<2000x1xf32> to vector<2000x64xf32>
    %mul3A_25 = vector.broadcast %get3A_23 : vector<1x64xf32> to vector<2000x64xf32>
    %mul3A_26 = arith.mulf %mul3A_24, %mul3A_25 : vector<2000x64xf32>
    %add3A_27 = arith.addf %mul3A_19, %mul3A_26 : vector<2000x64xf32>
    %get3A_28 = arith.constant 0 : index
    %get3A_29 = arith.constant 0 : index
    %get3A_30 = vector.load %arg6[%get3A_28, %get3A_29] : memref<1x64xf32, #tpu.memory_space<vmem>>, vector<1x64xf32>
    %add3A_31 = vector.broadcast %get3A_30 : vector<1x64xf32> to vector<2000x64xf32>
    %add3A_32 = arith.addf %add3A_27, %add3A_31 : vector<2000x64xf32>
    %max3A = arith.constant 0.000000e+00 : f32
    %max3A_33 = vector.broadcast %max3A : f32 to vector<2000x64xf32>
    %max3A_34 = arith.maximumf %add3A_32, %max3A_33 : vector<2000x64xf32>
    %get3A_35 = arith.constant 0 : index
    %get3A_36 = arith.constant 0 : index
    %get3A_37 = vector.load %arg7[%get3A_35, %get3A_36] : memref<64x32xf32, #tpu.memory_space<vmem>>, vector<64x32xf32>
    %dot_general3A = arith.constant dense<0.000000e+00> : vector<2000x32xf32>
    %dot_general3A_38 = tpu.matmul %max3A_34, %get3A_37, %dot_general3A {dimension_numbers = #tpu.dot_dimension_numbers<[1], [0], [0], [1], [0, 0, 1, 1], [], []>, transpose_lhs_hint = false} : vector<2000x64xf32>, vector<64x32xf32>, vector<2000x32xf32> -> vector<2000x32xf32>
    %swap3A = arith.constant 0 : index
    %swap3A_39 = arith.constant 0 : index
    %swap3A_40 = vector.load %arg8[%swap3A, %swap3A_39] : memref<2000x32xf32, #tpu.memory_space<vmem>>, vector<2000x32xf32>
    tpu.vector_store %arg8[%swap3A, %swap3A_39], %dot_general3A_38 {strides = array<i32>} : memref<2000x32xf32, #tpu.memory_space<vmem>>, vector<2000x32xf32>,
    %get3A_41 = arith.constant 0 : index
    %get3A_42 = arith.constant 0 : index
    %get3A_43 = vector.load %arg3[%get3A_41, %get3A_42] : memref<2000x16xf32, #tpu.memory_space<vmem>>, vector<2000x16xf32>
    %slice3A_44 = vector.extract_strided_slice %dot_general3A_38 {offsets = [0, 0], sizes = [2000, 16], strides = [1, 1]} : vector<2000x32xf32> to vector<2000x16xf32>
    %mul3A_45 = arith.mulf %get3A_43, %slice3A_44 : vector<2000x16xf32>
    %slice3A_46 = vector.extract_strided_slice %dot_general3A_38 {offsets = [0, 16], sizes = [2000, 16], strides = [1, 1]} : vector<2000x32xf32> to vector<2000x16xf32>
    %mul3A_47 = arith.mulf %get3A_43, %slice3A_46 : vector<2000x16xf32>
    %stack3A = vector.shape_cast %mul3A_45 : vector<2000x16xf32> to vector<1x2000x16xf32>
    %stack3A_48 = vector.shape_cast %mul3A_47 : vector<2000x16xf32> to vector<1x2000x16xf32>
    %stack3A_49 = tpu.concatenate %stack3A, %stack3A_48 in 0 : vector<1x2000x16xf32>, vector<1x2000x16xf32> -> vector<2x2000x16xf32>
    %swap3A_50 = arith.constant 0 : index
    %swap3A_51 = arith.constant 0 : index
    %swap3A_52 = arith.constant 0 : index
    %swap3A_53 = vector.load %arg9[%swap3A_50, %swap3A_51, %swap3A_52] : memref<2x2000x16xf32, #tpu.memory_space<vmem>>, vector<2x2000x16xf32>
    tpu.vector_store %arg9[%swap3A_50, %swap3A_51, %swap3A_52], %stack3A_49 {strides = array<i32>} : memref<2x2000x16xf32, #tpu.memory_space<vmem>>, vector<2x2000x16xf32>,
    return
  }
  func.func @transform_0(%arg0: i32) -> (i32, i32) {
    %c0_i32 = arith.constant 0 : i32
    %c0_i32_0 = arith.constant 0 : i32
    return %arg0, %c0_i32 : i32, i32
  }
  func.func @transform_1(%arg0: i32) -> (i32, i32) {
    %add3A = arith.constant 50 : i32
    %add3A_0 = arith.addi %arg0, %add3A : i32
    %c0_i32 = arith.constant 0 : i32
    %c0_i32_1 = arith.constant 0 : i32
    return %add3A_0, %c0_i32 : i32, i32
  }
  func.func @transform_2(%arg0: i32) -> (i32, i32) {
    %c0_i32 = arith.constant 0 : i32
    %c0_i32_0 = arith.constant 0 : i32
    return %arg0, %c0_i32 : i32, i32
  }
  func.func @transform_3(%arg0: i32) -> (i32, i32) {
    %c0_i32 = arith.constant 0 : i32
    %c0_i32_0 = arith.constant 0 : i32
    return %arg0, %c0_i32 : i32, i32
  }
  func.func @transform_4(%arg0: i32) -> (i32, i32) {
    %c0_i32 = arith.constant 0 : i32
    %c0_i32_0 = arith.constant 0 : i32
    %c0_i32_1 = arith.constant 0 : i32
    return %c0_i32, %c0_i32_0 : i32, i32
  }
  func.func @transform_5(%arg0: i32) -> (i32, i32) {
    %c0_i32 = arith.constant 0 : i32
    %c0_i32_0 = arith.constant 0 : i32
    %c0_i32_1 = arith.constant 0 : i32
    return %c0_i32, %c0_i32_0 : i32, i32
  }
  func.func @transform_6(%arg0: i32) -> (i32, i32) {
    %c0_i32 = arith.constant 0 : i32
    %c0_i32_0 = arith.constant 0 : i32
    %c0_i32_1 = arith.constant 0 : i32
    return %c0_i32, %c0_i32_0 : i32, i32
  }
  func.func @transform_7(%arg0: i32) -> (i32, i32) {
    %c0_i32 = arith.constant 0 : i32
    %c0_i32_0 = arith.constant 0 : i32
    return %arg0, %c0_i32 : i32, i32
  }
  func.func @transform_8(%arg0: i32) -> (i32, i32, i32) {
    %c0_i32 = arith.constant 0 : i32
    %c0_i32_0 = arith.constant 0 : i32
    %c0_i32_1 = arith.constant 0 : i32
    return %c0_i32, %arg0, %c0_i32_0 : i32, i32, i32
  }
}

module attributes {stable_mosaic.version = 14 : i64} {
  func.func @_tc_layer2_kernel(%arg0: i32, %arg1: memref<2000x16xf32, #tpu.memory_space<vmem>>, %arg2: memref<2000x16xf32, #tpu.memory_space<vmem>>, %arg3: memref<2000x16xf32, #tpu.memory_space<vmem>>, %arg4: memref<2000x32xf32, #tpu.memory_space<vmem>>, %arg5: memref<1x32xf32, #tpu.memory_space<vmem>>, %arg6: memref<32x16xf32, #tpu.memory_space<vmem>>, %arg7: memref<32x16xf32, #tpu.memory_space<vmem>>, %arg8: memref<1x16xf32, #tpu.memory_space<vmem>>, %arg9: memref<2x2000x16xf32, #tpu.memory_space<vmem>>) attributes {dimension_semantics = [#tpu.dimension_semantics<arbitrary>], iteration_bounds = array<i64: 50>, scalar_prefetch = 0 : i64, scratch_operands = 0 : i64, tpu.core_type = #tpu.core_type<tc>, window_params = [{transform_indices = @transform_0, window_bounds = array<i64: 2000, 16>}, {transform_indices = @transform_1, window_bounds = array<i64: 2000, 16>}, {transform_indices = @transform_2, window_bounds = array<i64: 2000, 16>}, {transform_indices = @transform_3, window_bounds = array<i64: 2000, 32>}, {pipeline_mode = #tpu.pipeline_mode<synchronous>, transform_indices = @transform_4, window_bounds = array<i64: 1, 32>}, {pipeline_mode = #tpu.pipeline_mode<synchronous>, transform_indices = @transform_5, window_bounds = array<i64: 32, 16>}, {pipeline_mode = #tpu.pipeline_mode<synchronous>, transform_indices = @transform_6, window_bounds = array<i64: 32, 16>}, {pipeline_mode = #tpu.pipeline_mode<synchronous>, transform_indices = @transform_7, window_bounds = array<i64: 1, 16>}, {transform_indices = @transform_8, window_bounds = array<i64: 2, 2000, 16>}]} {
    %get3A = arith.constant 0 : index
    %get3A_0 = arith.constant 0 : index
    %get3A_1 = vector.load %arg3[%get3A, %get3A_0] : memref<2000x16xf32, #tpu.memory_space<vmem>>, vector<2000x16xf32>
    %get3A_2 = arith.constant 0 : index
    %get3A_3 = arith.constant 0 : index
    %get3A_4 = vector.load %arg1[%get3A_2, %get3A_3] : memref<2000x16xf32, #tpu.memory_space<vmem>>, vector<2000x16xf32>
    %mul3A = arith.mulf %get3A_1, %get3A_4 : vector<2000x16xf32>
    %get3A_5 = arith.constant 0 : index
    %get3A_6 = arith.constant 0 : index
    %get3A_7 = vector.load %arg2[%get3A_5, %get3A_6] : memref<2000x16xf32, #tpu.memory_space<vmem>>, vector<2000x16xf32>
    %mul3A_8 = arith.mulf %get3A_1, %get3A_7 : vector<2000x16xf32>
    %concatenate3A = tpu.concatenate %mul3A, %mul3A_8 in 1 : vector<2000x16xf32>, vector<2000x16xf32> -> vector<2000x32xf32>
    %mul3A_9 = arith.mulf %get3A_1, %get3A_1 : vector<2000x16xf32>
    %mul3A_10 = arith.mulf %get3A_1, %get3A_1 : vector<2000x16xf32>
    %concatenate3A_11 = tpu.concatenate %mul3A_9, %mul3A_10 in 1 : vector<2000x16xf32>, vector<2000x16xf32> -> vector<2000x32xf32>
    %get3A_12 = arith.constant 0 : index
    %get3A_13 = arith.constant 0 : index
    %get3A_14 = vector.load %arg4[%get3A_12, %get3A_13] : memref<2000x32xf32, #tpu.memory_space<vmem>>, vector<2000x32xf32>
    %mul3A_15 = arith.mulf %concatenate3A_11, %get3A_14 : vector<2000x32xf32>
    %add3A = arith.addf %concatenate3A, %mul3A_15 : vector<2000x32xf32>
    %get3A_16 = arith.constant 0 : index
    %get3A_17 = arith.constant 0 : index
    %get3A_18 = vector.load %arg5[%get3A_16, %get3A_17] : memref<1x32xf32, #tpu.memory_space<vmem>>, vector<1x32xf32>
    %add3A_19 = vector.broadcast %get3A_18 : vector<1x32xf32> to vector<2000x32xf32>
    %add3A_20 = arith.addf %add3A, %add3A_19 : vector<2000x32xf32>
    %max3A = arith.constant 0.000000e+00 : f32
    %max3A_21 = vector.broadcast %max3A : f32 to vector<2000x32xf32>
    %max3A_22 = arith.maximumf %add3A_20, %max3A_21 : vector<2000x32xf32>
    %get3A_23 = arith.constant 0 : index
    %get3A_24 = arith.constant 0 : index
    %get3A_25 = vector.load %arg6[%get3A_23, %get3A_24] : memref<32x16xf32, #tpu.memory_space<vmem>>, vector<32x16xf32>
    %dot_general3A = arith.constant dense<0.000000e+00> : vector<2000x16xf32>
    %dot_general3A_26 = tpu.matmul %max3A_22, %get3A_25, %dot_general3A {dimension_numbers = #tpu.dot_dimension_numbers<[1], [0], [0], [1], [0, 0, 1, 1], [], []>, transpose_lhs_hint = false} : vector<2000x32xf32>, vector<32x16xf32>, vector<2000x16xf32> -> vector<2000x16xf32>
    %get3A_27 = arith.constant 0 : index
    %get3A_28 = arith.constant 0 : index
    %get3A_29 = vector.load %arg8[%get3A_27, %get3A_28] : memref<1x16xf32, #tpu.memory_space<vmem>>, vector<1x16xf32>
    %add3A_30 = vector.broadcast %get3A_29 : vector<1x16xf32> to vector<2000x16xf32>
    %add3A_31 = arith.addf %dot_general3A_26, %add3A_30 : vector<2000x16xf32>
    %get3A_32 = arith.constant 0 : index
    %get3A_33 = arith.constant 0 : index
    %get3A_34 = vector.load %arg7[%get3A_32, %get3A_33] : memref<32x16xf32, #tpu.memory_space<vmem>>, vector<32x16xf32>
    %dot_general3A_35 = arith.constant dense<0.000000e+00> : vector<2000x16xf32>
    %dot_general3A_36 = tpu.matmul %max3A_22, %get3A_34, %dot_general3A_35 {dimension_numbers = #tpu.dot_dimension_numbers<[1], [0], [0], [1], [0, 0, 1, 1], [], []>, transpose_lhs_hint = false} : vector<2000x32xf32>, vector<32x16xf32>, vector<2000x16xf32> -> vector<2000x16xf32>
    %stack3A = vector.shape_cast %add3A_31 : vector<2000x16xf32> to vector<1x2000x16xf32>
    %stack3A_37 = vector.shape_cast %dot_general3A_36 : vector<2000x16xf32> to vector<1x2000x16xf32>
    %stack3A_38 = tpu.concatenate %stack3A, %stack3A_37 in 0 : vector<1x2000x16xf32>, vector<1x2000x16xf32> -> vector<2x2000x16xf32>
    %swap3A = arith.constant 0 : index
    %swap3A_39 = arith.constant 0 : index
    %swap3A_40 = arith.constant 0 : index
    %swap3A_41 = vector.load %arg9[%swap3A, %swap3A_39, %swap3A_40] : memref<2x2000x16xf32, #tpu.memory_space<vmem>>, vector<2x2000x16xf32>
    tpu.vector_store %arg9[%swap3A, %swap3A_39, %swap3A_40], %stack3A_38 {strides = array<i32>} : memref<2x2000x16xf32, #tpu.memory_space<vmem>>, vector<2x2000x16xf32>,
    return
  }
  func.func @transform_0(%arg0: i32) -> (i32, i32) {
    %c0_i32 = arith.constant 0 : i32
    %c0_i32_0 = arith.constant 0 : i32
    return %arg0, %c0_i32 : i32, i32
  }
  func.func @transform_1(%arg0: i32) -> (i32, i32) {
    %add3A = arith.constant 50 : i32
    %add3A_0 = arith.addi %arg0, %add3A : i32
    %c0_i32 = arith.constant 0 : i32
    %c0_i32_1 = arith.constant 0 : i32
    return %add3A_0, %c0_i32 : i32, i32
  }
  func.func @transform_2(%arg0: i32) -> (i32, i32) {
    %c0_i32 = arith.constant 0 : i32
    %c0_i32_0 = arith.constant 0 : i32
    return %arg0, %c0_i32 : i32, i32
  }
  func.func @transform_3(%arg0: i32) -> (i32, i32) {
    %c0_i32 = arith.constant 0 : i32
    %c0_i32_0 = arith.constant 0 : i32
    return %arg0, %c0_i32 : i32, i32
  }
  func.func @transform_4(%arg0: i32) -> (i32, i32) {
    %c0_i32 = arith.constant 0 : i32
    %c0_i32_0 = arith.constant 0 : i32
    %c0_i32_1 = arith.constant 0 : i32
    return %c0_i32, %c0_i32_0 : i32, i32
  }
  func.func @transform_5(%arg0: i32) -> (i32, i32) {
    %c0_i32 = arith.constant 0 : i32
    %c0_i32_0 = arith.constant 0 : i32
    %c0_i32_1 = arith.constant 0 : i32
    return %c0_i32, %c0_i32_0 : i32, i32
  }
  func.func @transform_6(%arg0: i32) -> (i32, i32) {
    %c0_i32 = arith.constant 0 : i32
    %c0_i32_0 = arith.constant 0 : i32
    %c0_i32_1 = arith.constant 0 : i32
    return %c0_i32, %c0_i32_0 : i32, i32
  }
  func.func @transform_7(%arg0: i32) -> (i32, i32) {
    %c0_i32 = arith.constant 0 : i32
    %c0_i32_0 = arith.constant 0 : i32
    %c0_i32_1 = arith.constant 0 : i32
    return %c0_i32, %c0_i32_0 : i32, i32
  }
  func.func @transform_8(%arg0: i32) -> (i32, i32, i32) {
    %c0_i32 = arith.constant 0 : i32
    %c0_i32_0 = arith.constant 0 : i32
    %c0_i32_1 = arith.constant 0 : i32
    return %c0_i32, %arg0, %c0_i32_0 : i32, i32, i32
  }
}

</mosaic_0001>

<sc_bundles>
// kernel: kernel.12.cloned.1.call-start
scs
__scs_entry_jumppad:
0x0: {  	(pc) =	sbr.rel $0x88, $3  }
0x1: {  	(tag) =	ssettag $0x0;
	lr =	simm.s32 $0x1  }
0x2: {  	[smem:$0x3F96] =	sst lr;
	_ =	strace $0xD0000000  }
0x3: {  	_ = 	snop  }
0x4: {  	_ = 	snop  }
0x5: {  	_ = 	snop  }
0x6: {  	_ = 	snop  }
0x7: {  	_ = 	snop  }
__scs_overlays_trampoline_lowered:
0x8: {  	[smem:$0x3FA5] =	sst s0  }
0x9: {  	[smem:$0x3FA6] =	sst s1  }
0xa: {  	[smem:$0x3FA7] =	sst s2  }
0xb: {  	[smem:$0x3FA8] =	sst s3  }
0xc: {  	[smem:$0x3FA9] =	sst s4  }
0xd: {  	[smem:$0x3FAA] =	sst s5  }
0xe: {  	[smem:$0x3FAB] =	sst s6  }
0xf: {  	[smem:$0x3FAC] =	sst s7  }
0x10: {  	[smem:$0x3FAD] =	sst s8  }
0x11: {  	[smem:$0x3FAE] =	sst s9;
	s0 =	simm.s32 @!p0 $0x0  }
0x12: {  	s1 =	sld [smem:$0x3F94];
	s0 =	simm.s32 @p0 $0x1  }
0x13: {  	[smem:$0x3FAF] =	sst s0;
	s0 =	simm.s32 @!p1 $0x0  }
0x14: {  	s2 =	sld [smem:$0x3F93];
	s0 =	simm.s32 @p1 $0x1  }
0x15: {  	[smem:$0x3FB0] =	sst s0;
	s0 =	simm.s32 @!p2 $0x0  }
0x16: {  	s3 =	sld [smem:$0x3FDB];
	s0 =	simm.s32 @p2 $0x1  }
0x17: {  	s4 =	simm.s32 $0x1BF5;
	[smem:$0x3FB2] =	sst s0  }
0x18: {  	s0 =	sld [smem:$0x3F95];
	_ =	swait.ge [sflag:s4], $0x0  }
0x19: {  	s7 =	sld [smem:$0x3F96]  }
0x1a: {  	s8 =	sadd.s32 $0xFFFFE003, lr  }
0x1b: {  	s9 =	sadd.s32 $0xFFFFFEF7, lr;
	s5 =	simm.s32 $0xFFFFFFFF;
	p2 =	slt.u32 s8, $0xFFFFF086  }
0x1c: {  	p1 =	slt.u32 s9, $0xF7A;
	s5 =	simm.s32 @!p2 $0x0  }
0x1d: {  	s5 =	simm.s32 @p1 $0x1;
	p0 =	seq.s32 s7, s2  }
0x1e: {  	s7 =	smul.u32 @!p0 $0xF7A, s2;
	p2 =	seq.s32 @!p0 s5, $0x0  }
0x1f: {  	s9 =	smul.u32 $0xF7A, s1;
	s8 =	simm.s32 @!p0 $0x1BF5;
	p2 =	por !p2, p0  }
0x20: {  	[sflag:s8] =	ssyncset.s32 @!p0 $0xFFFFF086;
	s6 =	sadd.s32 @!p0 s3, s7;
	s7 =	simm.s32 @!p0 $0x108  }
0x21: {  	s3 =	sadd.s32 s3, s9;
	s6 =	sadd.s32 @!p0 $0x88, s6;
	s7 =	simm.s32 @p2 $0x1082  }
0x22: {  	[simem:s7], [sflag:s8] =	dma.local @!p0 [hbm:s6], $0xF7A  }
0x23: {  	s9 =	sor.u32 $0xD0000000, s2;
	s6 =	simm.s32 $0x108;
	_ =	swait.ge @!p0 [sflag:s8], $0x0  }
0x24: {  	s3 =	sadd.s32 $0x88, s3;
	s6 =	simm.s32 @!p1 $0x1082;
	[sflag:s4] =	ssyncset.s32 $0xFFFFF086  }
0x25: {  	[simem:s6], [sflag:s4] =	dma.local [hbm:s3], $0xF7A  }
0x26: {  	[smem:$0x3F96] =	sst s1;
	(tag) =	ssettag s2;
	_ =	strace s9  }
0x27: {  	s1 =	sld [smem:$0x3FA6]  }
0x28: {  	s2 =	sld [smem:$0x3FA7]  }
0x29: {  	s4 =	sld [smem:$0x3FA9]  }
0x2a: {  	p0 =	seq.s32 s5, $0x0;
	s5 =	sld [smem:$0x3FAA]  }
0x2b: {  	s6 =	sld [smem:$0x3FAB]  }
0x2c: {  	s7 =	sld [smem:$0x3FAC]  }
0x2d: {  	s3 =	simm.s32 $0x108;
	s8 =	sld [smem:$0x3FAD]  }
0x2e: {  	s3 =	simm.s32 @!p0 $0x1082;
	s9 =	sld [smem:$0x3FAE]  }
0x2f: {  	lr =	sadd.s32 s0, s3;
	s0 =	sld [smem:$0x3FA5]  }
0x30: {  	s3 =	sld [smem:$0x3FA8]  }
0x31: {  	[smem:$0x3FB1] =	sst s10  }
0x32: {  	s10 =	sld [smem:$0x3FAF];
	_ =	sdelay $0x3  }
0x33: {  	p0 =	seq.s32 s10, $0x1;
	s10 =	sld [smem:$0x3FB1];
	_ =	sdelay $0x3  }
0x34: {  	[smem:$0x3FB1] =	sst s10  }
0x35: {  	s10 =	sld [smem:$0x3FB0];
	_ =	sdelay $0x3  }
0x36: {  	p1 =	seq.s32 s10, $0x1;
	s10 =	sld [smem:$0x3FB1];
	_ =	sdelay $0x3  }
0x37: {  	[smem:$0x3FB1] =	sst s10  }
0x38: {  	s10 =	sld [smem:$0x3FB2]  }
0x39: {  	_ = 	snop;
	(pc) =	sbr.ind lr, $3  }
0x3a: {  	_ = 	snop  }
0x3b: {  	_ = 	snop  }
0x3c: {  	p2 =	seq.s32 s10, $0x1;
	s10 =	sld [smem:$0x3FB1]  }
0x3d: {  	_ =	shalt  }
0x3e: {  	_ =	shalt  }
0x3f: {  	_ =	shalt  }
0x40: {  	_ =	shalt  }
0x41: {  	_ =	shalt  }
0x42: {  	_ =	shalt  }
0x43: {  	_ =	shalt  }
0x44: {  	_ =	shalt  }
0x45: {  	_ =	shalt  }
0x46: {  	_ =	shalt  }
0x47: {  	_ =	shalt  }
0x48: {  	_ =	shalt  }
0x49: {  	_ =	shalt  }
0x4a: {  	_ =	shalt  }
0x4b: {  	_ =	shalt  }
0x4c: {  	_ =	shalt  }
0x4d: {  	_ =	shalt  }
0x4e: {  	_ =	shalt  }
0x4f: {  	_ =	shalt  }
0x50: {  	_ =	shalt  }
0x51: {  	_ =	shalt  }
0x52: {  	_ =	shalt  }
0x53: {  	_ =	shalt  }
0x54: {  	_ =	shalt  }
0x55: {  	_ =	shalt  }
0x56: {  	_ =	shalt  }
0x57: {  	_ =	shalt  }
0x58: {  	_ =	shalt  }
0x59: {  	_ =	shalt  }
0x5a: {  	_ =	shalt  }
0x5b: {  	_ =	shalt  }
0x5c: {  	_ =	shalt  }
0x5d: {  	_ =	shalt  }
0x5e: {  	_ =	shalt  }
0x5f: {  	_ =	shalt  }
0x60: {  	_ =	shalt  }
0x61: {  	_ =	shalt  }
0x62: {  	_ =	shalt  }
0x63: {  	_ =	shalt  }
0x64: {  	_ =	shalt  }
0x65: {  	_ =	shalt  }
0x66: {  	_ =	shalt  }
0x67: {  	_ =	shalt  }
0x68: {  	_ =	shalt  }
0x69: {  	_ =	shalt  }
0x6a: {  	_ =	shalt  }
0x6b: {  	_ =	shalt  }
0x6c: {  	_ =	shalt  }
0x6d: {  	_ =	shalt  }
0x6e: {  	_ =	shalt  }
0x6f: {  	_ =	shalt  }
0x70: {  	_ =	shalt  }
0x71: {  	_ =	shalt  }
0x72: {  	_ =	shalt  }
0x73: {  	_ =	shalt  }
0x74: {  	_ =	shalt  }
0x75: {  	_ =	shalt  }
0x76: {  	_ =	shalt  }
0x77: {  	_ =	shalt  }
0x78: {  	_ =	shalt  }
0x79: {  	_ =	shalt  }
0x7a: {  	_ =	shalt  }
0x7b: {  	_ =	shalt  }
0x7c: {  	_ =	shalt  }
0x7d: {  	_ =	shalt  }
0x7e: {  	_ =	shalt  }
0x7f: {  	_ =	shalt  }
0x80: {  	_ =	shalt  }
0x81: {  	_ =	shalt  }
0x82: {  	_ =	shalt  }
0x83: {  	_ =	shalt  }
0x84: {  	_ =	shalt  }
0x85: {  	_ =	shalt  }
0x86: {  	_ =	shalt  }
0x87: {  	_ =	shalt  }
.Lfunc_end0:
.L_simem_size_0:
called_computation.1_lowered:
.L_overlay_start_0:
0x88: {  	s2 =	sld [smem:$0x3FD9]  }
0x89: {  	s3 =	sld [smem:$0x3FFE];
	_ =	sdelay $0x1  }
0x8a: {  	s1 =	srdreg.scid  }
0x8b: {  	s0 =	sand.u32 $0x1, s1  }
0x8c: {  	s16 =	sshll.u32 s0, $0xA;
	s2 =	sadd.s32 s3, s2  }
0x8d: {  	s2 =	sadd.s32 s2, s16  }
0x8e: {  	[smem:$0x3FBD] =	sst s2  }
0x8f: {  	_ = 	snop  }
0x90: {  	(tm) =	ssettm $0x1  }
0x91: {  	s17 =	sld [smem:$0x3FFB];
	_ =	sdelay $0x3  }
0x92: {  	_ =	strace s17  }
0x93: {  	s2 =	sld [smem:$0x3FFC];
	_ =	sdelay $0x3  }
0x94: {  	_ =	strace s2  }
0x95: {  	s2 =	sld [smem:$0x3FFD];
	_ =	sdelay $0x3  }
0x96: {  	_ =	strace s2  }
0x97: {  	_ =	strace $0x8FFFFFFF  }
0x98: {  	s18 =	sld [smem:$0x3FDB];
	_ =	sdelay $0x1  }
0x99: {  	s19 =	simm.s32 $_scs_section_size  }
0x9a: {  	s4 =	simm.s32 $_size__tile_overlayer_lowered;
	s5 =	simm.s32 $_tile_overlayer_lowered  }
0x9b: {  	s22 =	simm.s32 $0x1BFF;
	s21 =	sshll.u32 s5, $0x1;
	s2 =	sadd.s32 s19, s18  }
0x9c: {  	s6 =	simm.s32 $0x0;
	s20 =	sshll.u32 s4, $0x1;
	s4 =	sadd.s32 s21, s2  }
0x9d: {  	[timem:s6], [sflag:s22] =	dma.local [hbm:s4], s20  }
0x9e: {  	_ =	swait.ge [sflag:s22], s20  }
0x9f: {  	s3 =	ssub.s32 $0x0, s20;
	[sflag:s22] =	ssyncset.done $0x0  }
0xa0: {  	[sflag:s22] =	ssyncadd.s32 s3;
	_ =	sdelay $0x1  }
0xa1: {  	s23 =	simm.s32 $0x1B8B  }
0xa2: {  	_ =	swait.ge [sflag:s23], $0x1  }
0xa3: {  	[sflag:s23] =	ssyncset.done $0x0  }
0xa4: {  	s25 =	simm.s32 $0x1B8E;
	s24 =	sld [smem:$0x3FFE];
	[sflag:s23] =	ssyncadd.s32 $0xFFFFFFFF  }
0xa5: {  	s26 =	simm.s32 $execute0_lowered;
	[smem:$0x3FD2] =	sst s25  }
0xa6: {  	s4 =	sshll.u32 s26, $0x1;
	_ =	strace $0x80000049;
	[dreg:$0x1] =	wrdreg $0xFFFFFFFF  }
0xa7: {  	s28 =	simm.s32 $_size_execute0_lowered;
	s2 =	sadd.s32 s2, s4;
	[dreg:$0x0] =	wrdreg $0x0  }
0xa8: {  	s4 =	sshll.u32 s28, $0x1;
	[dreg:$0x2] =	wrdreg s2  }
0xa9: {  	[dreg:$0x3] =	wrdreg s4  }
0xaa: {  	[dreg:$0x4] =	wrdreg $0xC0  }
0xab: {  	_ =	task [dreg:s6], $0x5FFFF  }
0xac: {  	[dreg:$0x1] =	wrdreg $0xFFFFFFFF  }
0xad: {  	[dreg:$0x0] =	wrdreg $0x60  }
0xae: {  	[dreg:$0x2] =	wrdreg s24  }
0xaf: {  	[dreg:$0x3] =	wrdreg $0x30100  }
0xb0: {  	[dreg:$0x4] =	wrdreg $0x9  }
0xb1: {  	_ =	task.clear_ibuf [dreg:s6], $0x5FFFF;
	_ =	strace $0x90000049  }
0xb2: {  	s29 =	simm.s32 $0x9;
	_ =	strace $0x8000004B  }
0xb3: {  	_ =	swait.ge [sflag:s29], $0x1  }
0xb4: {  	[sflag:s29] =	ssyncadd.s32 $0xFFFFFFFF  }
0xb5: {  	_ =	strace $0x9000004B  }
0xb6: {  	_ =	sfence  }
0xb7: {  	s30 =	sld [smem:$0x0];
	_ =	sdelay $0x2  }
0xb8: {  	s31 =	sshll.u32 s1, $0xD;
	s1 =	sshrl.u32 s1, $0x2  }
0xb9: {  	s3 =	sand.u32 $0x4000, s31;
	s1 =	sadd.s32 s1, s30  }
0xba: {  	s0 =	sor.u32 s3, s0;
	s1 =	sshll.u32 s1, $0x11  }
0xbb: {  	s0 =	sor.u32 s1, s0  }
0xbc: {  	s0 =	sadd.s32 $0x8F2B, s0  }
0xbd: {  	[sflag:s0] =	ssyncadd.remote.s32 $0x1  }
0xbe: {  	_ =	sfence.sel $0xFFFF  }
0xbf: {  	[dreg:$0x0] =	wrdreg $0xFFFFFFFF;
	(pc) =	sbr.abs _section_cstart, $3  }
0xc0: {  	[dreg:$0x1] =	wrdreg $0xFFFFFFFF  }
0xc1: {  	_ =	task.clear_ibuf [dreg:s6], $0x2FFFF;
	_ =	strace $0x9FFFFFFF  }
0xc2: {  	(tm) =	ssettm $0x7FFFFFFF  }
0xc3: {  	_ =	shalt  }
tec
execute0_lowered:
.L_overlay_start_1:
0x0: {  	(tag) =	ssettag $0x1  }
0x1: {  	s1 =	srdreg.scid  }
0x2: {  	s0 =	stileid.u32;
	s5 =	rddreg [dreg:$0x0]  }
0x3: {  	s2 =	rddreg [dreg:$0x1];
	s20 =	simm.s32 $0x900;
	s21 =	simm.s32 $0x2  }
0x4: {  	s22 =	simm.s32 $0x80;
	s23 =	simm.s32 $0x100;
	s3 =	smul.u32 $0x30C, s0  }
0x5: {  	s24 =	simm.s32 $0x1;
	s25 =	simm.s32 $0x0;
	s8 =	smul.u32 $0x30D4, s0  }
0x6: {  	s4 =	sand.u32 $0x1, s1;
	s28 =	sshll.u32 s0, $0x1;
	s9 =	smul.u32 $0x61A80, s0  }
0x7: {  	s1 =	rddreg [dreg:$0x2];
	p0 =	slt.u32 s0, $0xA;
	s6 =	smul.u32 $0x186, s4  }
0x8: {  	s7 =	sor.u32 s4, s28;
	s29 =	smul.u32 $0x30D40, s4;
	s30 =	ssub.s32 $0x2, s4  }
0x9: {  	s4 =	sadd.s32 $0x63600, s5;
	s7 =	smin.u32 s7, $0x14;
	s31 =	sshrl.u32 s30, $0x1  }
0xa: {  	s9 =	sshrl.u32 s9, $0x2;
	s6 =	sadd.s32 s6, s3;
	s3 =	simm.s32 $0x0  }
0xb: {  	s6 =	sadd.s32 s7, s6;
	[smem:$0x7FF] =	sst s3;
	s7 =	sadd.s32 s8, s29  }
0xc: {  	s8 =	ssub.s32 s30, s31;
	s6 =	sshll.u32 s6, $0x4;
	_ =	strace $0x8000004A  }
0xd: {  	s7 =	sadd.s32 s7, s5;
	s8 =	smax.u32 s8, $0x1;
	s19 =	sadd.s32 s6, s5  }
0xe: {  	s5 =	simm.s32 $0x187;
	s6 =	sadd.s32 $0x24BC00, s7;
	s7 =	sadd.s32 s9, s2  }
0xf: {  	s5 =	simm.s32 @!p0 $0x186;
	s9 =	sadd.s32 $0x2710, s7;
	s10 =	sadd.s32 $0x4E20, s7  }
0x10: {  	s11 =	sadd.s32 $0x7530, s7;
	s12 =	sadd.s32 $0x9C40, s7;
	s13 =	sadd.s32 $0xC350, s7  }
0x11: {  	s14 =	sadd.s32 $0xEA60, s7;
	s15 =	sadd.s32 $0x11170, s7;
	s16 =	sadd.s32 $0x13880, s7  }
0x12: {  	v0 =	vimm.f32 $0.0e+00;
	s17 =	sadd.s32 $0x15F90, s7;
	s18 =	sadd.s32 $0x32800, s19;
	s19 =	sadd.s32 $0x1A00, s19  }
.LBB2_1:
0x13: {  	s26 =	simm.s32 $0x40;
	s28 =	simm.s32 $0x0  }
.LBB2_2:
0x14: {  	p0 =	sne.s32 s26, $0x9C00;
	[tilespmem:s28+$0x900] =	vst v0;
	s28 =	smov.u32 s26;
	s26 =	sadd.s32 $0x40, s26  }
.Ltmp0:
0x15: {  	(pc) =	sbr.rel @p0 .LBB2_2-.Ltmp0, $2  }
0x16: {  	_ =	sdelay $0x2  }
0x17: {  	s28 =	sshra.s32 s28, $0x2  }
0x18: {  	[tilespmem:s28+$0x900] =	vst v0  }
0x19: {  	[spmem:s7] =	stream.linear.scatter [tilespmem:s20], [sflag:$0x2], $0x2710, $0x38;
	[tilespmem:$0x1B6B0] =	vst v63  }
0x1a: {  	_ =	swait.ge [sflag:s21], $0x2710  }
0x1b: {  	[sflag:s21] =	ssyncset.done $0x0  }
0x1c: {  	[sflag:s21] =	ssyncadd.s32 $0xFFFFD8F0  }
0x1d: {  	[spmem:s9] =	stream.linear.scatter [tilespmem:s20], [sflag:$0x2], $0x2710, $0x38;
	[tilespmem:$0x1B6B0] =	vst v63  }
0x1e: {  	_ =	swait.ge [sflag:s21], $0x2710  }
0x1f: {  	[sflag:s21] =	ssyncset.done $0x0  }
0x20: {  	[sflag:s21] =	ssyncadd.s32 $0xFFFFD8F0  }
0x21: {  	[spmem:s10] =	stream.linear.scatter [tilespmem:s20], [sflag:$0x2], $0x2710, $0x38;
	[tilespmem:$0x1B6B0] =	vst v63  }
0x22: {  	_ =	swait.ge [sflag:s21], $0x2710  }
0x23: {  	[sflag:s21] =	ssyncset.done $0x0  }
0x24: {  	[sflag:s21] =	ssyncadd.s32 $0xFFFFD8F0  }
0x25: {  	[spmem:s11] =	stream.linear.scatter [tilespmem:s20], [sflag:$0x2], $0x2710, $0x38;
	[tilespmem:$0x1B6B0] =	vst v63  }
0x26: {  	_ =	swait.ge [sflag:s21], $0x2710  }
0x27: {  	[sflag:s21] =	ssyncset.done $0x0  }
0x28: {  	[sflag:s21] =	ssyncadd.s32 $0xFFFFD8F0  }
0x29: {  	[spmem:s12] =	stream.linear.scatter [tilespmem:s20], [sflag:$0x2], $0x2710, $0x38;
	[tilespmem:$0x1B6B0] =	vst v63  }
0x2a: {  	_ =	swait.ge [sflag:s21], $0x2710  }
0x2b: {  	[sflag:s21] =	ssyncset.done $0x0  }
0x2c: {  	[sflag:s21] =	ssyncadd.s32 $0xFFFFD8F0  }
0x2d: {  	[spmem:s13] =	stream.linear.scatter [tilespmem:s20], [sflag:$0x2], $0x2710, $0x38;
	[tilespmem:$0x1B6B0] =	vst v63  }
0x2e: {  	_ =	swait.ge [sflag:s21], $0x2710  }
0x2f: {  	[sflag:s21] =	ssyncset.done $0x0  }
0x30: {  	[sflag:s21] =	ssyncadd.s32 $0xFFFFD8F0  }
0x31: {  	[spmem:s14] =	stream.linear.scatter [tilespmem:s20], [sflag:$0x2], $0x2710, $0x38;
	[tilespmem:$0x1B6B0] =	vst v63  }
0x32: {  	_ =	swait.ge [sflag:s21], $0x2710  }
0x33: {  	[sflag:s21] =	ssyncset.done $0x0  }
0x34: {  	[sflag:s21] =	ssyncadd.s32 $0xFFFFD8F0  }
0x35: {  	[spmem:s15] =	stream.linear.scatter [tilespmem:s20], [sflag:$0x2], $0x2710, $0x38;
	[tilespmem:$0x1B6B0] =	vst v63  }
0x36: {  	_ =	swait.ge [sflag:s21], $0x2710  }
0x37: {  	[sflag:s21] =	ssyncset.done $0x0  }
0x38: {  	[sflag:s21] =	ssyncadd.s32 $0xFFFFD8F0  }
0x39: {  	[spmem:s16] =	stream.linear.scatter [tilespmem:s20], [sflag:$0x2], $0x2710, $0x38;
	[tilespmem:$0x1B6B0] =	vst v63  }
0x3a: {  	_ =	swait.ge [sflag:s21], $0x2710  }
0x3b: {  	[sflag:s21] =	ssyncset.done $0x0  }
0x3c: {  	[sflag:s21] =	ssyncadd.s32 $0xFFFFD8F0  }
0x3d: {  	[spmem:s17] =	stream.linear.scatter [tilespmem:s20], [sflag:$0x2], $0x2710, $0x38;
	[tilespmem:$0x1B6B0] =	vst v63  }
0x3e: {  	_ =	swait.ge [sflag:s21], $0x2710  }
0x3f: {  	[sflag:s21] =	ssyncset.done $0x0  }
0x40: {  	[sflag:s21] =	ssyncadd.s32 $0xFFFFD8F0  }
0x41: {  	[bflag:$0x0] =	sbarrier.arrive $0xFFFF  }
0x42: {  	[tilespmem:s3], [sflag:$0x2] =	stream.linear.gather [hbm4b:s18+s3], $0x80, $0x38;
	[tilespmem:$0x1B6B0] =	vst v63  }
0x43: {  	_ =	swait.ge [sflag:s21], $0x80  }
0x44: {  	[sflag:s21] =	ssyncset.done $0x0  }
0x45: {  	[sflag:s21] =	ssyncadd.s32 $0xFFFFFF80  }
0x46: {  	[tilespmem:s22], [sflag:$0x2] =	stream.linear.gather [hbm4b:s19+s3], $0x80, $0x38;
	[tilespmem:$0x1B6B0] =	vst v63  }
0x47: {  	_ =	swait.ge [sflag:s21], $0x80  }
0x48: {  	[sflag:s21] =	ssyncset.done $0x0  }
0x49: {  	[sflag:s21] =	ssyncadd.s32 $0xFFFFFF80  }
0x4a: {  	[tilespmem:s23], [sflag:$0x1] =	stream.indirect.gather [hbm4b:s4+s22], $0x10, s3, s22, $0xb8;
	[tilespmem:$0x1B6B0] =	vst v63  }
0x4b: {  	p0 =	sne.s32 s5, $0x1;
	_ =	swait.ge [sflag:s24], $0x800  }
.Ltmp1:
0x4c: {  	[sflag:s24] =	ssyncset.done $0x0;
	(pc) =	sbr.rel @!p0 .LBB2_5-.Ltmp1, $4  }
0x4d: {  	[sflag:s24] =	ssyncadd.s32 $0xFFFFF800  }
0x4e: {  	[spmem:s2] =	stream.indirect.scatter.add.f32 [tilespmem:s23], [sflag:$0x2], $0x10, s22, s22, $0xb8;
	[tilespmem:$0x1B6B0] =	vst v63  }
0x4f: {  	s26 =	sadd.s32 $0xFFFFFFFF, s5;
	_ =	swait.ge [sflag:s21], $0x800  }
0x50: {  	s28 =	smov.u32 s18;
	s29 =	smov.u32 s19;
	[sflag:s21] =	ssyncset.done $0x0  }
.LBB2_4:
0x51: {  	[sflag:s21] =	ssyncadd.s32 $0xFFFFF800;
	s28 =	sadd.s32 $0x10, s28;
	s29 =	sadd.s32 $0x10, s29  }
0x52: {  	[tilespmem:s3], [sflag:$0x2] =	stream.linear.gather [hbm4b:s28+s3], $0x80, $0x38;
	[tilespmem:$0x1B6B0] =	vst v63  }
0x53: {  	p0 =	sne.s32 s26, $0x1;
	s26 =	sadd.s32 $0xFFFFFFFF, s26;
	_ =	swait.ge [sflag:s21], $0x80  }
0x54: {  	[sflag:s21] =	ssyncset.done $0x0  }
0x55: {  	[sflag:s21] =	ssyncadd.s32 $0xFFFFFF80  }
0x56: {  	[tilespmem:s22], [sflag:$0x2] =	stream.linear.gather [hbm4b:s29+s3], $0x80, $0x38;
	[tilespmem:$0x1B6B0] =	vst v63  }
0x57: {  	_ =	swait.ge [sflag:s21], $0x80  }
0x58: {  	[sflag:s21] =	ssyncset.done $0x0  }
0x59: {  	[sflag:s21] =	ssyncadd.s32 $0xFFFFFF80  }
0x5a: {  	[tilespmem:s23], [sflag:$0x1] =	stream.indirect.gather [hbm4b:s4+s22], $0x10, s3, s22, $0xb8;
	[tilespmem:$0x1B6B0] =	vst v63  }
0x5b: {  	_ =	swait.ge [sflag:s24], $0x800  }
.Ltmp2:
0x5c: {  	[sflag:s24] =	ssyncset.done $0x0;
	(pc) =	sbr.rel @p0 .LBB2_4-.Ltmp2, $4  }
0x5d: {  	[sflag:s24] =	ssyncadd.s32 $0xFFFFF800  }
0x5e: {  	[spmem:s2] =	stream.indirect.scatter.add.f32 [tilespmem:s23], [sflag:$0x2], $0x10, s22, s22, $0xb8;
	[tilespmem:$0x1B6B0] =	vst v63  }
0x5f: {  	_ =	swait.ge [sflag:s21], $0x800  }
0x60: {  	[sflag:s21] =	ssyncset.done $0x0  }
.LBB2_5:
0x61: {  	[sflag:s21] =	ssyncadd.s32 $0xFFFFF800;
	s25 =	sadd.s32 $0x1, s25  }
0x62: {  	s26 =	sshll.u32 s0, $0x6;
	s28 =	sshrl.u32 s7, $0x3;
	p0 =	sne.s32 s25, s8  }
.Ltmp3:
0x63: {  	[bflag:$0x0] =	sbarrier.arrive $0xFFFF;
	s26 =	sor.u32 $0x1C02, s26;
	(pc) =	sbr.rel @p0 .LBB2_1-.Ltmp3, $4  }
0x64: {  	[hbm:s6], [sflag:s26] =	dma.local [spmem:s28], $0x30D4  }
0x65: {  	_ =	swait.ge [sflag:s21], $0x30D4  }
0x66: {  	[sflag:s21] =	ssyncset.done $0x0  }
0x67: {  	[sflag:s21] =	ssyncadd.s32 $0xFFFFCF2C  }
0x68: {  	_ =	sfence.sel $0x180000  }
0x69: {  	[bflag:$0x0] =	sbarrier.arrive $0xFFFF  }
0x6a: {  	p0 =	sne.s32 s0, $0x0;
	_ =	strace $0x9000004A  }
0x6b: {  	s0 =	sadd.s32 @!p0 $0x100000, s1;
	[bflag:$0x2] =	sbarrier.arrive $0xFFFF  }
0x6c: {  	[sflag:s0] =	ssyncadd.tile.s32 @!p0 $0x1;
	_ =	shalt  }
.Lfunc_end2:
_tile_overlayer_lowered:
.L_overlay_start_2:
0x6d: {  	(tag) =	ssettag $0x2  }
0x6e: {  	s0 =	rddreg [dreg:$0x0];
	s2 =	stileid.u32  }
0x6f: {  	s1 =	rddreg [dreg:$0x1];
	p0 =	sne.s32 s2, $0x0  }
0x70: {  	s3 =	rddreg [dreg:$0x2];
	[bflag:$0x3] =	sbarrier.arrive $0xFFFF;
	s2 =	simm.s32 @!p0 $0x1C02  }
0x71: {  	[timem:s3], [sflag:s2] =	dma.local @!p0 [hbm:s0], s1  }
0x72: {  	s0 =	simm.s32 @!p0 $0x2  }
0x73: {  	_ =	swait.ge @!p0 [sflag:s0], s1  }
0x74: {  	s1 =	ssub.s32 @!p0 $0x0, s1;
	[sflag:s0] =	ssyncset.done @!p0 $0x0  }
0x75: {  	[sflag:s0] =	ssyncadd.s32 @!p0 s1  }
0x76: {  	[bflag:$0x3] =	sbarrier.arrive $0xFFFF  }
0x77: {  	_ =	shalt  }

// kernel: kernel.15.cloned.1.call-start
scs
__scs_entry_jumppad:
0x0: {  	(pc) =	sbr.rel $0x88, $3  }
0x1: {  	(tag) =	ssettag $0x0;
	lr =	simm.s32 $0x1  }
0x2: {  	[smem:$0x3F96] =	sst lr;
	_ =	strace $0xD0000000  }
0x3: {  	_ = 	snop  }
0x4: {  	_ = 	snop  }
0x5: {  	_ = 	snop  }
0x6: {  	_ = 	snop  }
0x7: {  	_ = 	snop  }
__scs_overlays_trampoline_lowered:
0x8: {  	[smem:$0x3FA5] =	sst s0  }
0x9: {  	[smem:$0x3FA6] =	sst s1  }
0xa: {  	[smem:$0x3FA7] =	sst s2  }
0xb: {  	[smem:$0x3FA8] =	sst s3  }
0xc: {  	[smem:$0x3FA9] =	sst s4  }
0xd: {  	[smem:$0x3FAA] =	sst s5  }
0xe: {  	[smem:$0x3FAB] =	sst s6  }
0xf: {  	[smem:$0x3FAC] =	sst s7  }
0x10: {  	[smem:$0x3FAD] =	sst s8  }
0x11: {  	[smem:$0x3FAE] =	sst s9;
	s0 =	simm.s32 @!p0 $0x0  }
0x12: {  	s1 =	sld [smem:$0x3F94];
	s0 =	simm.s32 @p0 $0x1  }
0x13: {  	[smem:$0x3FAF] =	sst s0;
	s0 =	simm.s32 @!p1 $0x0  }
0x14: {  	s2 =	sld [smem:$0x3F93];
	s0 =	simm.s32 @p1 $0x1  }
0x15: {  	[smem:$0x3FB0] =	sst s0;
	s0 =	simm.s32 @!p2 $0x0  }
0x16: {  	s3 =	sld [smem:$0x3FDB];
	s0 =	simm.s32 @p2 $0x1  }
0x17: {  	s4 =	simm.s32 $0x1BF5;
	[smem:$0x3FB2] =	sst s0  }
0x18: {  	s0 =	sld [smem:$0x3F95];
	_ =	swait.ge [sflag:s4], $0x0  }
0x19: {  	s7 =	sld [smem:$0x3F96]  }
0x1a: {  	s8 =	sadd.s32 $0xFFFFE003, lr  }
0x1b: {  	s9 =	sadd.s32 $0xFFFFFEF7, lr;
	s5 =	simm.s32 $0xFFFFFFFF;
	p2 =	slt.u32 s8, $0xFFFFF086  }
0x1c: {  	p1 =	slt.u32 s9, $0xF7A;
	s5 =	simm.s32 @!p2 $0x0  }
0x1d: {  	s5 =	simm.s32 @p1 $0x1;
	p0 =	seq.s32 s7, s2  }
0x1e: {  	s7 =	smul.u32 @!p0 $0xF7A, s2;
	p2 =	seq.s32 @!p0 s5, $0x0  }
0x1f: {  	s9 =	smul.u32 $0xF7A, s1;
	s8 =	simm.s32 @!p0 $0x1BF5;
	p2 =	por !p2, p0  }
0x20: {  	[sflag:s8] =	ssyncset.s32 @!p0 $0xFFFFF086;
	s6 =	sadd.s32 @!p0 s3, s7;
	s7 =	simm.s32 @!p0 $0x108  }
0x21: {  	s3 =	sadd.s32 s3, s9;
	s6 =	sadd.s32 @!p0 $0x88, s6;
	s7 =	simm.s32 @p2 $0x1082  }
0x22: {  	[simem:s7], [sflag:s8] =	dma.local @!p0 [hbm:s6], $0xF7A  }
0x23: {  	s9 =	sor.u32 $0xD0000000, s2;
	s6 =	simm.s32 $0x108;
	_ =	swait.ge @!p0 [sflag:s8], $0x0  }
0x24: {  	s3 =	sadd.s32 $0x88, s3;
	s6 =	simm.s32 @!p1 $0x1082;
	[sflag:s4] =	ssyncset.s32 $0xFFFFF086  }
0x25: {  	[simem:s6], [sflag:s4] =	dma.local [hbm:s3], $0xF7A  }
0x26: {  	[smem:$0x3F96] =	sst s1;
	(tag) =	ssettag s2;
	_ =	strace s9  }
0x27: {  	s1 =	sld [smem:$0x3FA6]  }
0x28: {  	s2 =	sld [smem:$0x3FA7]  }
0x29: {  	s4 =	sld [smem:$0x3FA9]  }
0x2a: {  	p0 =	seq.s32 s5, $0x0;
	s5 =	sld [smem:$0x3FAA]  }
0x2b: {  	s6 =	sld [smem:$0x3FAB]  }
0x2c: {  	s7 =	sld [smem:$0x3FAC]  }
0x2d: {  	s3 =	simm.s32 $0x108;
	s8 =	sld [smem:$0x3FAD]  }
0x2e: {  	s3 =	simm.s32 @!p0 $0x1082;
	s9 =	sld [smem:$0x3FAE]  }
0x2f: {  	lr =	sadd.s32 s0, s3;
	s0 =	sld [smem:$0x3FA5]  }
0x30: {  	s3 =	sld [smem:$0x3FA8]  }
0x31: {  	[smem:$0x3FB1] =	sst s10  }
0x32: {  	s10 =	sld [smem:$0x3FAF];
	_ =	sdelay $0x3  }
0x33: {  	p0 =	seq.s32 s10, $0x1;
	s10 =	sld [smem:$0x3FB1];
	_ =	sdelay $0x3  }
0x34: {  	[smem:$0x3FB1] =	sst s10  }
0x35: {  	s10 =	sld [smem:$0x3FB0];
	_ =	sdelay $0x3  }
0x36: {  	p1 =	seq.s32 s10, $0x1;
	s10 =	sld [smem:$0x3FB1];
	_ =	sdelay $0x3  }
0x37: {  	[smem:$0x3FB1] =	sst s10  }
0x38: {  	s10 =	sld [smem:$0x3FB2]  }
0x39: {  	_ = 	snop;
	(pc) =	sbr.ind lr, $3  }
0x3a: {  	_ = 	snop  }
0x3b: {  	_ = 	snop  }
0x3c: {  	p2 =	seq.s32 s10, $0x1;
	s10 =	sld [smem:$0x3FB1]  }
0x3d: {  	_ =	shalt  }
0x3e: {  	_ =	shalt  }
0x3f: {  	_ =	shalt  }
0x40: {  	_ =	shalt  }
0x41: {  	_ =	shalt  }
0x42: {  	_ =	shalt  }
0x43: {  	_ =	shalt  }
0x44: {  	_ =	shalt  }
0x45: {  	_ =	shalt  }
0x46: {  	_ =	shalt  }
0x47: {  	_ =	shalt  }
0x48: {  	_ =	shalt  }
0x49: {  	_ =	shalt  }
0x4a: {  	_ =	shalt  }
0x4b: {  	_ =	shalt  }
0x4c: {  	_ =	shalt  }
0x4d: {  	_ =	shalt  }
0x4e: {  	_ =	shalt  }
0x4f: {  	_ =	shalt  }
0x50: {  	_ =	shalt  }
0x51: {  	_ =	shalt  }
0x52: {  	_ =	shalt  }
0x53: {  	_ =	shalt  }
0x54: {  	_ =	shalt  }
0x55: {  	_ =	shalt  }
0x56: {  	_ =	shalt  }
0x57: {  	_ =	shalt  }
0x58: {  	_ =	shalt  }
0x59: {  	_ =	shalt  }
0x5a: {  	_ =	shalt  }
0x5b: {  	_ =	shalt  }
0x5c: {  	_ =	shalt  }
0x5d: {  	_ =	shalt  }
0x5e: {  	_ =	shalt  }
0x5f: {  	_ =	shalt  }
0x60: {  	_ =	shalt  }
0x61: {  	_ =	shalt  }
0x62: {  	_ =	shalt  }
0x63: {  	_ =	shalt  }
0x64: {  	_ =	shalt  }
0x65: {  	_ =	shalt  }
0x66: {  	_ =	shalt  }
0x67: {  	_ =	shalt  }
0x68: {  	_ =	shalt  }
0x69: {  	_ =	shalt  }
0x6a: {  	_ =	shalt  }
0x6b: {  	_ =	shalt  }
0x6c: {  	_ =	shalt  }
0x6d: {  	_ =	shalt  }
0x6e: {  	_ =	shalt  }
0x6f: {  	_ =	shalt  }
0x70: {  	_ =	shalt  }
0x71: {  	_ =	shalt  }
0x72: {  	_ =	shalt  }
0x73: {  	_ =	shalt  }
0x74: {  	_ =	shalt  }
0x75: {  	_ =	shalt  }
0x76: {  	_ =	shalt  }
0x77: {  	_ =	shalt  }
0x78: {  	_ =	shalt  }
0x79: {  	_ =	shalt  }
0x7a: {  	_ =	shalt  }
0x7b: {  	_ =	shalt  }
0x7c: {  	_ =	shalt  }
0x7d: {  	_ =	shalt  }
0x7e: {  	_ =	shalt  }
0x7f: {  	_ =	shalt  }
0x80: {  	_ =	shalt  }
0x81: {  	_ =	shalt  }
0x82: {  	_ =	shalt  }
0x83: {  	_ =	shalt  }
0x84: {  	_ =	shalt  }
0x85: {  	_ =	shalt  }
0x86: {  	_ =	shalt  }
0x87: {  	_ =	shalt  }
.Lfunc_end0:
.L_simem_size_0:
called_computation.2_lowered:
.L_overlay_start_0:
0x88: {  	s2 =	sld [smem:$0x3FD9]  }
0x89: {  	s3 =	sld [smem:$0x3FFE];
	_ =	sdelay $0x1  }
0x8a: {  	s1 =	srdreg.scid  }
0x8b: {  	s0 =	sand.u32 $0x1, s1  }
0x8c: {  	s16 =	sshll.u32 s0, $0xA;
	s2 =	sadd.s32 s3, s2  }
0x8d: {  	s2 =	sadd.s32 s2, s16  }
0x8e: {  	[smem:$0x3FBD] =	sst s2  }
0x8f: {  	_ = 	snop  }
0x90: {  	(tm) =	ssettm $0x1  }
0x91: {  	s17 =	sld [smem:$0x3FFB];
	_ =	sdelay $0x3  }
0x92: {  	_ =	strace s17  }
0x93: {  	s2 =	sld [smem:$0x3FFC];
	_ =	sdelay $0x3  }
0x94: {  	_ =	strace s2  }
0x95: {  	s2 =	sld [smem:$0x3FFD];
	_ =	sdelay $0x3  }
0x96: {  	_ =	strace s2  }
0x97: {  	_ =	strace $0x8FFFFFFF  }
0x98: {  	s18 =	sld [smem:$0x3FDB];
	_ =	sdelay $0x1  }
0x99: {  	s19 =	simm.s32 $_scs_section_size  }
0x9a: {  	s4 =	simm.s32 $_size__tile_overlayer_lowered;
	s5 =	simm.s32 $_tile_overlayer_lowered  }
0x9b: {  	s22 =	simm.s32 $0x1BFF;
	s21 =	sshll.u32 s5, $0x1;
	s2 =	sadd.s32 s19, s18  }
0x9c: {  	s6 =	simm.s32 $0x0;
	s20 =	sshll.u32 s4, $0x1;
	s4 =	sadd.s32 s21, s2  }
0x9d: {  	[timem:s6], [sflag:s22] =	dma.local [hbm:s4], s20  }
0x9e: {  	_ =	swait.ge [sflag:s22], s20  }
0x9f: {  	s3 =	ssub.s32 $0x0, s20;
	[sflag:s22] =	ssyncset.done $0x0  }
0xa0: {  	[sflag:s22] =	ssyncadd.s32 s3;
	_ =	sdelay $0x1  }
0xa1: {  	s23 =	simm.s32 $0x1B8B  }
0xa2: {  	_ =	swait.ge [sflag:s23], $0x1  }
0xa3: {  	[sflag:s23] =	ssyncset.done $0x0  }
0xa4: {  	s25 =	simm.s32 $0x1B8E;
	s24 =	sld [smem:$0x3FFE];
	[sflag:s23] =	ssyncadd.s32 $0xFFFFFFFF  }
0xa5: {  	s26 =	simm.s32 $execute0_lowered;
	[smem:$0x3FD2] =	sst s25  }
0xa6: {  	s4 =	sshll.u32 s26, $0x1;
	_ =	strace $0x8000004C;
	[dreg:$0x1] =	wrdreg $0xFFFFFFFF  }
0xa7: {  	s28 =	simm.s32 $_size_execute0_lowered;
	s2 =	sadd.s32 s2, s4;
	[dreg:$0x0] =	wrdreg $0x0  }
0xa8: {  	s4 =	sshll.u32 s28, $0x1;
	[dreg:$0x2] =	wrdreg s2  }
0xa9: {  	[dreg:$0x3] =	wrdreg s4  }
0xaa: {  	[dreg:$0x4] =	wrdreg $0xC0  }
0xab: {  	_ =	task [dreg:s6], $0x5FFFF  }
0xac: {  	[dreg:$0x1] =	wrdreg $0xFFFFFFFF  }
0xad: {  	[dreg:$0x0] =	wrdreg $0x60  }
0xae: {  	[dreg:$0x2] =	wrdreg s24  }
0xaf: {  	[dreg:$0x3] =	wrdreg $0x30100  }
0xb0: {  	[dreg:$0x4] =	wrdreg $0x9  }
0xb1: {  	_ =	task.clear_ibuf [dreg:s6], $0x5FFFF;
	_ =	strace $0x9000004C  }
0xb2: {  	s29 =	simm.s32 $0x9;
	_ =	strace $0x8000004E  }
0xb3: {  	_ =	swait.ge [sflag:s29], $0x1  }
0xb4: {  	[sflag:s29] =	ssyncadd.s32 $0xFFFFFFFF  }
0xb5: {  	_ =	strace $0x9000004E  }
0xb6: {  	_ =	sfence  }
0xb7: {  	s30 =	sld [smem:$0x0];
	_ =	sdelay $0x2  }
0xb8: {  	s31 =	sshll.u32 s1, $0xD;
	s1 =	sshrl.u32 s1, $0x2  }
0xb9: {  	s3 =	sand.u32 $0x4000, s31;
	s1 =	sadd.s32 s1, s30  }
0xba: {  	s0 =	sor.u32 s3, s0;
	s1 =	sshll.u32 s1, $0x11  }
0xbb: {  	s0 =	sor.u32 s1, s0  }
0xbc: {  	s0 =	sadd.s32 $0x8F2B, s0  }
0xbd: {  	[sflag:s0] =	ssyncadd.remote.s32 $0x1  }
0xbe: {  	_ =	sfence.sel $0xFFFF  }
0xbf: {  	[dreg:$0x0] =	wrdreg $0xFFFFFFFF;
	(pc) =	sbr.abs _section_cstart, $3  }
0xc0: {  	[dreg:$0x1] =	wrdreg $0xFFFFFFFF  }
0xc1: {  	_ =	task.clear_ibuf [dreg:s6], $0x2FFFF;
	_ =	strace $0x9FFFFFFF  }
0xc2: {  	(tm) =	ssettm $0x7FFFFFFF  }
0xc3: {  	_ =	shalt  }
tec
execute0_lowered:
.L_overlay_start_1:
0x0: {  	(tag) =	ssettag $0x1  }
0x1: {  	s5 =	rddreg [dreg:$0x0]  }
0x2: {  	s2 =	rddreg [dreg:$0x1]  }
0x3: {  	s0 =	rddreg [dreg:$0x2]  }
0x4: {  	s1 =	stileid.u32;
	s6 =	srdreg.scid;
	s3 =	simm.s32 $0x0  }
0x5: {  	s20 =	simm.s32 $0x900;
	s21 =	simm.s32 $0x2;
	s22 =	simm.s32 $0x80  }
0x6: {  	s24 =	simm.s32 $0x1;
	s25 =	simm.s32 $0x0;
	s4 =	smul.u32 $0x30D0, s1  }
0x7: {  	s6 =	sand.u32 $0x1, s6;
	s7 =	smul.u32 $0x186A, s1;
	[smem:$0x7FF] =	sst s3  }
0x8: {  	s9 =	smul.u32 $0x61A80, s1;
	p0 =	slt.u32 s1, $0x4;
	s15 =	smin.u32 s1, $0x4  }
0x9: {  	s23 =	smul.u32 $0x186A0, s6;
	_ =	strace $0x8000004D;
	s6 =	ssub.s32 $0x2, s6  }
0xa: {  	s18 =	sshll.u32 s15, $0x4;
	s17 =	sadd.s32 s4, s5;
	s8 =	sshrl.u32 s6, $0x1  }
0xb: {  	s4 =	sadd.s32 $0x63600, s5;
	s31 =	sshrl.u32 s9, $0x2;
	s30 =	sadd.s32 s7, s23  }
0xc: {  	s8 =	ssub.s32 s6, s8;
	s6 =	sadd.s32 s31, s2;
	s19 =	sadd.s32 s18, s17  }
0xd: {  	v0 =	vmov s23;
	s23 =	simm.s32 $0x100;
	s7 =	sshll.u32 s30, $0x1;
	s8 =	smax.u32 s8, $0x1  }
0xe: {  	s9 =	sadd.s32 $0x2710, s6;
	s10 =	sadd.s32 $0x4E20, s6;
	s11 =	sadd.s32 $0x7530, s6  }
0xf: {  	s12 =	sadd.s32 $0x9C40, s6;
	s13 =	sadd.s32 $0xC350, s6;
	s14 =	sadd.s32 $0xEA60, s6  }
0x10: {  	s15 =	sadd.s32 $0x11170, s6;
	s16 =	sadd.s32 $0x13880, s6;
	s17 =	sadd.s32 $0x15F90, s6  }
0x11: {  	s18 =	sadd.s32 $0x1A00, s19;
	s7 =	sadd.s32 s7, s5;
	s5 =	simm.s32 $0x30E  }
0x12: {  	v1 =	vimm.f32 $0.0e+00;
	s19 =	sadd.s32 $0x32800, s19;
	s5 =	simm.s32 @!p0 $0x30D;
	s7 =	sadd.s32 $0x866400, s7  }
.LBB2_1:
0x13: {  	s26 =	simm.s32 $0x40;
	s28 =	simm.s32 $0x0  }
.LBB2_2:
0x14: {  	p0 =	sne.s32 s26, $0x9C00;
	[tilespmem:s28+$0x900] =	vst v1;
	s28 =	smov.u32 s26;
	s26 =	sadd.s32 $0x40, s26  }
.Ltmp0:
0x15: {  	(pc) =	sbr.rel @p0 .LBB2_2-.Ltmp0, $2  }
0x16: {  	_ =	sdelay $0x2  }
0x17: {  	s28 =	sshra.s32 s28, $0x2  }
0x18: {  	[tilespmem:s28+$0x900] =	vst v1  }
0x19: {  	[spmem:s6] =	stream.linear.scatter [tilespmem:s20], [sflag:$0x2], $0x2710, $0x38;
	[tilespmem:$0x1B6B0] =	vst v63  }
0x1a: {  	_ =	swait.ge [sflag:s21], $0x2710  }
0x1b: {  	[sflag:s21] =	ssyncset.done $0x0  }
0x1c: {  	[sflag:s21] =	ssyncadd.s32 $0xFFFFD8F0  }
0x1d: {  	[spmem:s9] =	stream.linear.scatter [tilespmem:s20], [sflag:$0x2], $0x2710, $0x38;
	[tilespmem:$0x1B6B0] =	vst v63  }
0x1e: {  	_ =	swait.ge [sflag:s21], $0x2710  }
0x1f: {  	[sflag:s21] =	ssyncset.done $0x0  }
0x20: {  	[sflag:s21] =	ssyncadd.s32 $0xFFFFD8F0  }
0x21: {  	[spmem:s10] =	stream.linear.scatter [tilespmem:s20], [sflag:$0x2], $0x2710, $0x38;
	[tilespmem:$0x1B6B0] =	vst v63  }
0x22: {  	_ =	swait.ge [sflag:s21], $0x2710  }
0x23: {  	[sflag:s21] =	ssyncset.done $0x0  }
0x24: {  	[sflag:s21] =	ssyncadd.s32 $0xFFFFD8F0  }
0x25: {  	[spmem:s11] =	stream.linear.scatter [tilespmem:s20], [sflag:$0x2], $0x2710, $0x38;
	[tilespmem:$0x1B6B0] =	vst v63  }
0x26: {  	_ =	swait.ge [sflag:s21], $0x2710  }
0x27: {  	[sflag:s21] =	ssyncset.done $0x0  }
0x28: {  	[sflag:s21] =	ssyncadd.s32 $0xFFFFD8F0  }
0x29: {  	[spmem:s12] =	stream.linear.scatter [tilespmem:s20], [sflag:$0x2], $0x2710, $0x38;
	[tilespmem:$0x1B6B0] =	vst v63  }
0x2a: {  	_ =	swait.ge [sflag:s21], $0x2710  }
0x2b: {  	[sflag:s21] =	ssyncset.done $0x0  }
0x2c: {  	[sflag:s21] =	ssyncadd.s32 $0xFFFFD8F0  }
0x2d: {  	[spmem:s13] =	stream.linear.scatter [tilespmem:s20], [sflag:$0x2], $0x2710, $0x38;
	[tilespmem:$0x1B6B0] =	vst v63  }
0x2e: {  	_ =	swait.ge [sflag:s21], $0x2710  }
0x2f: {  	[sflag:s21] =	ssyncset.done $0x0  }
0x30: {  	[sflag:s21] =	ssyncadd.s32 $0xFFFFD8F0  }
0x31: {  	[spmem:s14] =	stream.linear.scatter [tilespmem:s20], [sflag:$0x2], $0x2710, $0x38;
	[tilespmem:$0x1B6B0] =	vst v63  }
0x32: {  	_ =	swait.ge [sflag:s21], $0x2710  }
0x33: {  	[sflag:s21] =	ssyncset.done $0x0  }
0x34: {  	[sflag:s21] =	ssyncadd.s32 $0xFFFFD8F0  }
0x35: {  	[spmem:s15] =	stream.linear.scatter [tilespmem:s20], [sflag:$0x2], $0x2710, $0x38;
	[tilespmem:$0x1B6B0] =	vst v63  }
0x36: {  	_ =	swait.ge [sflag:s21], $0x2710  }
0x37: {  	[sflag:s21] =	ssyncset.done $0x0  }
0x38: {  	[sflag:s21] =	ssyncadd.s32 $0xFFFFD8F0  }
0x39: {  	[spmem:s16] =	stream.linear.scatter [tilespmem:s20], [sflag:$0x2], $0x2710, $0x38;
	[tilespmem:$0x1B6B0] =	vst v63  }
0x3a: {  	_ =	swait.ge [sflag:s21], $0x2710  }
0x3b: {  	[sflag:s21] =	ssyncset.done $0x0  }
0x3c: {  	[sflag:s21] =	ssyncadd.s32 $0xFFFFD8F0  }
0x3d: {  	[spmem:s17] =	stream.linear.scatter [tilespmem:s20], [sflag:$0x2], $0x2710, $0x38;
	[tilespmem:$0x1B6B0] =	vst v63  }
0x3e: {  	_ =	swait.ge [sflag:s21], $0x2710  }
0x3f: {  	[sflag:s21] =	ssyncset.done $0x0  }
0x40: {  	[sflag:s21] =	ssyncadd.s32 $0xFFFFD8F0  }
0x41: {  	[bflag:$0x0] =	sbarrier.arrive $0xFFFF  }
0x42: {  	[tilespmem:s3], [sflag:$0x2] =	stream.linear.gather [hbm4b:s19+s3], $0x80, $0x38;
	[tilespmem:$0x1B6B0] =	vst v63  }
0x43: {  	_ =	swait.ge [sflag:s21], $0x80  }
0x44: {  	[sflag:s21] =	ssyncset.done $0x0  }
0x45: {  	[sflag:s21] =	ssyncadd.s32 $0xFFFFFF80  }
0x46: {  	[tilespmem:s22], [sflag:$0x2] =	stream.linear.gather [hbm4b:s18+s3], $0x80, $0x38;
	[tilespmem:$0x1B6B0] =	vst v63  }
0x47: {  	_ =	swait.ge [sflag:s21], $0x80  }
0x48: {  	[sflag:s21] =	ssyncset.done $0x0  }
0x49: {  	[sflag:s21] =	ssyncadd.s32 $0xFFFFFF80  }
0x4a: {  	v2 =	vld [tilespmem:$0x70]  }
0x4b: {  	v3 =	vld [tilespmem:$0x60]  }
0x4c: {  	v4 =	vld [tilespmem:$0x50]  }
0x4d: {  	v6 =	vld [tilespmem:$0x20]  }
0x4e: {  	v5 =	vld [tilespmem:$0x30]  }
0x4f: {  	v7 =	vld [tilespmem:$0x10];
	v2 =	vadd.s32 v0, v2  }
0x50: {  	v8 =	vld [tilespmem:$0x40];
	v3 =	vadd.s32 v0, v3;
	[tilespmem:$0x70] =	vst v2  }
0x51: {  	v4 =	vadd.s32 v0, v4;
	v2 =	vld [tilespmem:$0x0];
	[tilespmem:$0x60] =	vst v3  }
0x52: {  	p0 =	sne.s32 s5, $0x1;
	v63 =	vadd.s32 v0, v6;
	[tilespmem:$0x50] =	vst v4  }
.Ltmp1:
0x53: {  	v3 =	vadd.s32 v0, v5;
	[tilespmem:$0x20] =	vst v63;
	(pc) =	sbr.rel @!p0 .LBB2_5-.Ltmp1, $4  }
0x54: {  	[tilespmem:$0x30] =	vst v3;
	v3 =	vadd.s32 v0, v7  }
0x55: {  	[tilespmem:$0x10] =	vst v3;
	v3 =	vadd.s32 v0, v8  }
0x56: {  	[tilespmem:$0x40] =	vst v3;
	v2 =	vadd.s32 v0, v2  }
0x57: {  	s26 =	sadd.s32 $0xFFFFFFFF, s5;
	s28 =	sadd.s32 $0x10, s18;
	s29 =	sadd.s32 $0x10, s19;
	[tilespmem:$0x0] =	vst v2  }
.LBB2_4:
0x58: {  	[tilespmem:s23], [sflag:$0x1] =	stream.indirect.gather [hbm4b:s4+s22], $0x10, s3, s22, $0xb8;
	[tilespmem:$0x1B6B0] =	vst v63  }
0x59: {  	p0 =	sne.s32 s26, $0x1;
	s26 =	sadd.s32 $0xFFFFFFFF, s26;
	_ =	swait.ge [sflag:s24], $0x800  }
0x5a: {  	[sflag:s24] =	ssyncset.done $0x0  }
0x5b: {  	[sflag:s24] =	ssyncadd.s32 $0xFFFFF800  }
0x5c: {  	[spmem:s2] =	stream.indirect.scatter.add.f32 [tilespmem:s23], [sflag:$0x2], $0x10, s22, s22, $0xb8;
	[tilespmem:$0x1B6B0] =	vst v63  }
0x5d: {  	_ =	swait.ge [sflag:s21], $0x800  }
0x5e: {  	[sflag:s21] =	ssyncset.done $0x0  }
0x5f: {  	[sflag:s21] =	ssyncadd.s32 $0xFFFFF800  }
0x60: {  	[tilespmem:s3], [sflag:$0x2] =	stream.linear.gather [hbm4b:s29+s3], $0x80, $0x38;
	[tilespmem:$0x1B6B0] =	vst v63  }
0x61: {  	_ =	swait.ge [sflag:s21], $0x80  }
0x62: {  	[sflag:s21] =	ssyncset.done $0x0  }
0x63: {  	[sflag:s21] =	ssyncadd.s32 $0xFFFFFF80  }
0x64: {  	[tilespmem:s22], [sflag:$0x2] =	stream.linear.gather [hbm4b:s28+s3], $0x80, $0x38;
	[tilespmem:$0x1B6B0] =	vst v63  }
0x65: {  	_ =	swait.ge [sflag:s21], $0x80  }
0x66: {  	[sflag:s21] =	ssyncset.done $0x0  }
0x67: {  	[sflag:s21] =	ssyncadd.s32 $0xFFFFFF80  }
0x68: {  	v2 =	vld [tilespmem:$0x70]  }
0x69: {  	v3 =	vld [tilespmem:$0x60]  }
0x6a: {  	v4 =	vld [tilespmem:$0x50]  }
0x6b: {  	v5 =	vld [tilespmem:$0x30]  }
0x6c: {  	v6 =	vld [tilespmem:$0x20]  }
0x6d: {  	v7 =	vld [tilespmem:$0x10];
	v2 =	vadd.s32 v0, v2  }
0x6e: {  	v8 =	vld [tilespmem:$0x40];
	v3 =	vadd.s32 v0, v3;
	[tilespmem:$0x70] =	vst v2  }
0x6f: {  	v2 =	vld [tilespmem:$0x0];
	v4 =	vadd.s32 v0, v4;
	[tilespmem:$0x60] =	vst v3  }
0x70: {  	v3 =	vadd.s32 v0, v5;
	[tilespmem:$0x50] =	vst v4  }
.Ltmp2:
0x71: {  	v4 =	vadd.s32 v0, v6;
	[tilespmem:$0x30] =	vst v3;
	(pc) =	sbr.rel @p0 .LBB2_4-.Ltmp2, $4  }
0x72: {  	v3 =	vadd.s32 v0, v7;
	[tilespmem:$0x20] =	vst v4  }
0x73: {  	[tilespmem:$0x10] =	vst v3;
	v3 =	vadd.s32 v0, v8  }
0x74: {  	v2 =	vadd.s32 v0, v2;
	[tilespmem:$0x40] =	vst v3  }
0x75: {  	s29 =	sadd.s32 $0x10, s29;
	s28 =	sadd.s32 $0x10, s28;
	[tilespmem:$0x0] =	vst v2  }
.LBB2_5:
0x76: {  	[tilespmem:s23], [sflag:$0x1] =	stream.indirect.gather [hbm4b:s4+s22], $0x10, s3, s22, $0xb8;
	[tilespmem:$0x1B6B0] =	vst v63  }
0x77: {  	_ =	swait.ge [sflag:s24], $0x800  }
0x78: {  	[sflag:s24] =	ssyncset.done $0x0  }
0x79: {  	[sflag:s24] =	ssyncadd.s32 $0xFFFFF800  }
0x7a: {  	[spmem:s2] =	stream.indirect.scatter.add.f32 [tilespmem:s23], [sflag:$0x2], $0x10, s22, s22, $0xb8;
	[tilespmem:$0x1B6B0] =	vst v63  }
0x7b: {  	_ =	swait.ge [sflag:s21], $0x800  }
0x7c: {  	s26 =	sshll.u32 s1, $0x6;
	s25 =	sadd.s32 $0x1, s25;
	[sflag:s21] =	ssyncset.done $0x0  }
0x7d: {  	s28 =	sshrl.u32 s6, $0x3;
	p0 =	sne.s32 s25, s8;
	[sflag:s21] =	ssyncadd.s32 $0xFFFFF800  }
.Ltmp3:
0x7e: {  	s26 =	sor.u32 $0x1C02, s26;
	[bflag:$0x0] =	sbarrier.arrive $0xFFFF;
	(pc) =	sbr.rel @p0 .LBB2_1-.Ltmp3, $4  }
0x7f: {  	[hbm:s7], [sflag:s26] =	dma.local [spmem:s28], $0x30D4  }
0x80: {  	_ =	swait.ge [sflag:s21], $0x30D4  }
0x81: {  	[sflag:s21] =	ssyncset.done $0x0  }
0x82: {  	[sflag:s21] =	ssyncadd.s32 $0xFFFFCF2C  }
0x83: {  	_ =	sfence.sel $0x180000  }
0x84: {  	[bflag:$0x0] =	sbarrier.arrive $0xFFFF  }
0x85: {  	p0 =	sne.s32 s1, $0x0;
	_ =	strace $0x9000004D  }
0x86: {  	s0 =	sadd.s32 @!p0 $0x100000, s0;
	[bflag:$0x2] =	sbarrier.arrive $0xFFFF  }
0x87: {  	[sflag:s0] =	ssyncadd.tile.s32 @!p0 $0x1;
	_ =	shalt  }
.Lfunc_end2:
_tile_overlayer_lowered:
.L_overlay_start_2:
0x88: {  	(tag) =	ssettag $0x2  }
0x89: {  	s0 =	rddreg [dreg:$0x0];
	s2 =	stileid.u32  }
0x8a: {  	s1 =	rddreg [dreg:$0x1];
	p0 =	sne.s32 s2, $0x0  }
0x8b: {  	s3 =	rddreg [dreg:$0x2];
	[bflag:$0x3] =	sbarrier.arrive $0xFFFF;
	s2 =	simm.s32 @!p0 $0x1C02  }
0x8c: {  	[timem:s3], [sflag:s2] =	dma.local @!p0 [hbm:s0], s1  }
0x8d: {  	s0 =	simm.s32 @!p0 $0x2  }
0x8e: {  	_ =	swait.ge @!p0 [sflag:s0], s1  }
0x8f: {  	s1 =	ssub.s32 @!p0 $0x0, s1;
	[sflag:s0] =	ssyncset.done @!p0 $0x0  }
0x90: {  	[sflag:s0] =	ssyncadd.s32 @!p0 s1  }
0x91: {  	[bflag:$0x3] =	sbarrier.arrive $0xFFFF  }
0x92: {  	_ =	shalt  }

// kernel: kernel.18.cloned.1.call-start
scs
__scs_entry_jumppad:
0x0: {  	(pc) =	sbr.rel $0x88, $3  }
0x1: {  	(tag) =	ssettag $0x0;
	lr =	simm.s32 $0x1  }
0x2: {  	[smem:$0x3F96] =	sst lr;
	_ =	strace $0xD0000000  }
0x3: {  	_ = 	snop  }
0x4: {  	_ = 	snop  }
0x5: {  	_ = 	snop  }
0x6: {  	_ = 	snop  }
0x7: {  	_ = 	snop  }
__scs_overlays_trampoline_lowered:
0x8: {  	[smem:$0x3FA5] =	sst s0  }
0x9: {  	[smem:$0x3FA6] =	sst s1  }
0xa: {  	[smem:$0x3FA7] =	sst s2  }
0xb: {  	[smem:$0x3FA8] =	sst s3  }
0xc: {  	[smem:$0x3FA9] =	sst s4  }
0xd: {  	[smem:$0x3FAA] =	sst s5  }
0xe: {  	[smem:$0x3FAB] =	sst s6  }
0xf: {  	[smem:$0x3FAC] =	sst s7  }
0x10: {  	[smem:$0x3FAD] =	sst s8  }
0x11: {  	[smem:$0x3FAE] =	sst s9;
	s0 =	simm.s32 @!p0 $0x0  }
0x12: {  	s1 =	sld [smem:$0x3F94];
	s0 =	simm.s32 @p0 $0x1  }
0x13: {  	[smem:$0x3FAF] =	sst s0;
	s0 =	simm.s32 @!p1 $0x0  }
0x14: {  	s2 =	sld [smem:$0x3F93];
	s0 =	simm.s32 @p1 $0x1  }
0x15: {  	[smem:$0x3FB0] =	sst s0;
	s0 =	simm.s32 @!p2 $0x0  }
0x16: {  	s3 =	sld [smem:$0x3FDB];
	s0 =	simm.s32 @p2 $0x1  }
0x17: {  	s4 =	simm.s32 $0x1BF5;
	[smem:$0x3FB2] =	sst s0  }
0x18: {  	s0 =	sld [smem:$0x3F95];
	_ =	swait.ge [sflag:s4], $0x0  }
0x19: {  	s7 =	sld [smem:$0x3F96]  }
0x1a: {  	s8 =	sadd.s32 $0xFFFFE003, lr  }
0x1b: {  	s9 =	sadd.s32 $0xFFFFFEF7, lr;
	s5 =	simm.s32 $0xFFFFFFFF;
	p2 =	slt.u32 s8, $0xFFFFF086  }
0x1c: {  	p1 =	slt.u32 s9, $0xF7A;
	s5 =	simm.s32 @!p2 $0x0  }
0x1d: {  	s5 =	simm.s32 @p1 $0x1;
	p0 =	seq.s32 s7, s2  }
0x1e: {  	s7 =	smul.u32 @!p0 $0xF7A, s2;
	p2 =	seq.s32 @!p0 s5, $0x0  }
0x1f: {  	s9 =	smul.u32 $0xF7A, s1;
	s8 =	simm.s32 @!p0 $0x1BF5;
	p2 =	por !p2, p0  }
0x20: {  	[sflag:s8] =	ssyncset.s32 @!p0 $0xFFFFF086;
	s6 =	sadd.s32 @!p0 s3, s7;
	s7 =	simm.s32 @!p0 $0x108  }
0x21: {  	s3 =	sadd.s32 s3, s9;
	s6 =	sadd.s32 @!p0 $0x88, s6;
	s7 =	simm.s32 @p2 $0x1082  }
0x22: {  	[simem:s7], [sflag:s8] =	dma.local @!p0 [hbm:s6], $0xF7A  }
0x23: {  	s9 =	sor.u32 $0xD0000000, s2;
	s6 =	simm.s32 $0x108;
	_ =	swait.ge @!p0 [sflag:s8], $0x0  }
0x24: {  	s3 =	sadd.s32 $0x88, s3;
	s6 =	simm.s32 @!p1 $0x1082;
	[sflag:s4] =	ssyncset.s32 $0xFFFFF086  }
0x25: {  	[simem:s6], [sflag:s4] =	dma.local [hbm:s3], $0xF7A  }
0x26: {  	[smem:$0x3F96] =	sst s1;
	(tag) =	ssettag s2;
	_ =	strace s9  }
0x27: {  	s1 =	sld [smem:$0x3FA6]  }
0x28: {  	s2 =	sld [smem:$0x3FA7]  }
0x29: {  	s4 =	sld [smem:$0x3FA9]  }
0x2a: {  	p0 =	seq.s32 s5, $0x0;
	s5 =	sld [smem:$0x3FAA]  }
0x2b: {  	s6 =	sld [smem:$0x3FAB]  }
0x2c: {  	s7 =	sld [smem:$0x3FAC]  }
0x2d: {  	s3 =	simm.s32 $0x108;
	s8 =	sld [smem:$0x3FAD]  }
0x2e: {  	s3 =	simm.s32 @!p0 $0x1082;
	s9 =	sld [smem:$0x3FAE]  }
0x2f: {  	lr =	sadd.s32 s0, s3;
	s0 =	sld [smem:$0x3FA5]  }
0x30: {  	s3 =	sld [smem:$0x3FA8]  }
0x31: {  	[smem:$0x3FB1] =	sst s10  }
0x32: {  	s10 =	sld [smem:$0x3FAF];
	_ =	sdelay $0x3  }
0x33: {  	p0 =	seq.s32 s10, $0x1;
	s10 =	sld [smem:$0x3FB1];
	_ =	sdelay $0x3  }
0x34: {  	[smem:$0x3FB1] =	sst s10  }
0x35: {  	s10 =	sld [smem:$0x3FB0];
	_ =	sdelay $0x3  }
0x36: {  	p1 =	seq.s32 s10, $0x1;
	s10 =	sld [smem:$0x3FB1];
	_ =	sdelay $0x3  }
0x37: {  	[smem:$0x3FB1] =	sst s10  }
0x38: {  	s10 =	sld [smem:$0x3FB2]  }
0x39: {  	_ = 	snop;
	(pc) =	sbr.ind lr, $3  }
0x3a: {  	_ = 	snop  }
0x3b: {  	_ = 	snop  }
0x3c: {  	p2 =	seq.s32 s10, $0x1;
	s10 =	sld [smem:$0x3FB1]  }
0x3d: {  	_ =	shalt  }
0x3e: {  	_ =	shalt  }
0x3f: {  	_ =	shalt  }
0x40: {  	_ =	shalt  }
0x41: {  	_ =	shalt  }
0x42: {  	_ =	shalt  }
0x43: {  	_ =	shalt  }
0x44: {  	_ =	shalt  }
0x45: {  	_ =	shalt  }
0x46: {  	_ =	shalt  }
0x47: {  	_ =	shalt  }
0x48: {  	_ =	shalt  }
0x49: {  	_ =	shalt  }
0x4a: {  	_ =	shalt  }
0x4b: {  	_ =	shalt  }
0x4c: {  	_ =	shalt  }
0x4d: {  	_ =	shalt  }
0x4e: {  	_ =	shalt  }
0x4f: {  	_ =	shalt  }
0x50: {  	_ =	shalt  }
0x51: {  	_ =	shalt  }
0x52: {  	_ =	shalt  }
0x53: {  	_ =	shalt  }
0x54: {  	_ =	shalt  }
0x55: {  	_ =	shalt  }
0x56: {  	_ =	shalt  }
0x57: {  	_ =	shalt  }
0x58: {  	_ =	shalt  }
0x59: {  	_ =	shalt  }
0x5a: {  	_ =	shalt  }
0x5b: {  	_ =	shalt  }
0x5c: {  	_ =	shalt  }
0x5d: {  	_ =	shalt  }
0x5e: {  	_ =	shalt  }
0x5f: {  	_ =	shalt  }
0x60: {  	_ =	shalt  }
0x61: {  	_ =	shalt  }
0x62: {  	_ =	shalt  }
0x63: {  	_ =	shalt  }
0x64: {  	_ =	shalt  }
0x65: {  	_ =	shalt  }
0x66: {  	_ =	shalt  }
0x67: {  	_ =	shalt  }
0x68: {  	_ =	shalt  }
0x69: {  	_ =	shalt  }
0x6a: {  	_ =	shalt  }
0x6b: {  	_ =	shalt  }
0x6c: {  	_ =	shalt  }
0x6d: {  	_ =	shalt  }
0x6e: {  	_ =	shalt  }
0x6f: {  	_ =	shalt  }
0x70: {  	_ =	shalt  }
0x71: {  	_ =	shalt  }
0x72: {  	_ =	shalt  }
0x73: {  	_ =	shalt  }
0x74: {  	_ =	shalt  }
0x75: {  	_ =	shalt  }
0x76: {  	_ =	shalt  }
0x77: {  	_ =	shalt  }
0x78: {  	_ =	shalt  }
0x79: {  	_ =	shalt  }
0x7a: {  	_ =	shalt  }
0x7b: {  	_ =	shalt  }
0x7c: {  	_ =	shalt  }
0x7d: {  	_ =	shalt  }
0x7e: {  	_ =	shalt  }
0x7f: {  	_ =	shalt  }
0x80: {  	_ =	shalt  }
0x81: {  	_ =	shalt  }
0x82: {  	_ =	shalt  }
0x83: {  	_ =	shalt  }
0x84: {  	_ =	shalt  }
0x85: {  	_ =	shalt  }
0x86: {  	_ =	shalt  }
0x87: {  	_ =	shalt  }
.Lfunc_end0:
.L_simem_size_0:
called_computation.3_lowered:
.L_overlay_start_0:
0x88: {  	s2 =	sld [smem:$0x3FD9]  }
0x89: {  	s3 =	sld [smem:$0x3FFE];
	_ =	sdelay $0x1  }
0x8a: {  	s1 =	srdreg.scid  }
0x8b: {  	s0 =	sand.u32 $0x1, s1  }
0x8c: {  	s17 =	sshll.u32 s0, $0xA;
	s2 =	sadd.s32 s3, s2  }
0x8d: {  	s2 =	sadd.s32 s2, s17  }
0x8e: {  	[smem:$0x3FBD] =	sst s2  }
0x8f: {  	_ = 	snop  }
0x90: {  	s2 =	sld [smem:$0x3FD0];
	(tm) =	ssettm $0x1  }
0x91: {  	s18 =	sld [smem:$0x3FFB];
	_ =	sdelay $0x3  }
0x92: {  	_ =	strace s18  }
0x93: {  	s3 =	sld [smem:$0x3FFC];
	_ =	sdelay $0x3  }
0x94: {  	_ =	strace s3  }
0x95: {  	s3 =	sld [smem:$0x3FFD];
	_ =	sdelay $0x3  }
0x96: {  	_ =	strace s3  }
0x97: {  	_ =	strace $0x8FFFFFFF  }
0x98: {  	s19 =	sld [smem:$0x3FDB];
	_ =	sdelay $0x1  }
0x99: {  	s4 =	simm.s32 $_scs_section_size  }
0x9a: {  	s5 =	simm.s32 $_size__tile_overlayer_lowered;
	s6 =	simm.s32 $_tile_overlayer_lowered  }
0x9b: {  	s22 =	simm.s32 $0x1BFF;
	s21 =	sshll.u32 s6, $0x1;
	s3 =	sadd.s32 s4, s19  }
0x9c: {  	s7 =	simm.s32 $0x0;
	s20 =	sshll.u32 s5, $0x1;
	s5 =	sadd.s32 s21, s3  }
0x9d: {  	[timem:s7], [sflag:s22] =	dma.local [hbm:s5], s20  }
0x9e: {  	_ =	swait.ge [sflag:s22], s20  }
0x9f: {  	s4 =	ssub.s32 $0x0, s20;
	[sflag:s22] =	ssyncset.done $0x0  }
0xa0: {  	[sflag:s22] =	ssyncadd.s32 s4;
	_ =	sdelay $0x1  }
0xa1: {  	s23 =	simm.s32 $0x1B8B  }
0xa2: {  	_ =	swait.ge [sflag:s23], $0x1  }
0xa3: {  	[sflag:s23] =	ssyncset.done $0x0  }
0xa4: {  	s25 =	simm.s32 $0x1B8E;
	s24 =	sld [smem:$0x3FFE];
	[sflag:s23] =	ssyncadd.s32 $0xFFFFFFFF  }
0xa5: {  	s26 =	simm.s32 $execute0_lowered;
	[smem:$0x3FD2] =	sst s25  }
0xa6: {  	s5 =	sshll.u32 s26, $0x1;
	_ =	strace $0x8000004F;
	[dreg:$0x1] =	wrdreg $0xFFFFFFFF  }
0xa7: {  	s28 =	simm.s32 $_size_execute0_lowered;
	s3 =	sadd.s32 s3, s5;
	[dreg:$0x0] =	wrdreg $0x0  }
0xa8: {  	s5 =	sshll.u32 s28, $0x1;
	[dreg:$0x2] =	wrdreg s3  }
0xa9: {  	[dreg:$0x3] =	wrdreg s5  }
0xaa: {  	[dreg:$0x4] =	wrdreg $0xC0  }
0xab: {  	_ =	task [dreg:s7], $0x5FFFF  }
0xac: {  	[dreg:$0x1] =	wrdreg $0xFFFFFFFF  }
0xad: {  	[dreg:$0x0] =	wrdreg $0x60  }
0xae: {  	[dreg:$0x2] =	wrdreg s24  }
0xaf: {  	[dreg:$0x3] =	wrdreg s2  }
0xb0: {  	[dreg:$0x4] =	wrdreg $0x9  }
0xb1: {  	_ =	task.clear_ibuf [dreg:s7], $0x5FFFF;
	_ =	strace $0x9000004F  }
0xb2: {  	s29 =	simm.s32 $0x9;
	_ =	strace $0x80000051  }
0xb3: {  	_ =	swait.ge [sflag:s29], $0x1  }
0xb4: {  	[sflag:s29] =	ssyncadd.s32 $0xFFFFFFFF  }
0xb5: {  	_ =	strace $0x90000051  }
0xb6: {  	_ =	sfence  }
0xb7: {  	s30 =	sld [smem:$0x0];
	_ =	sdelay $0x2  }
0xb8: {  	s31 =	sshll.u32 s1, $0xD;
	s1 =	sshrl.u32 s1, $0x2  }
0xb9: {  	s3 =	sand.u32 $0x4000, s31;
	s1 =	sadd.s32 s1, s30  }
0xba: {  	s0 =	sor.u32 s3, s0;
	s1 =	sshll.u32 s1, $0x11  }
0xbb: {  	s0 =	sor.u32 s1, s0  }
0xbc: {  	s0 =	sadd.s32 $0x8F2B, s0  }
0xbd: {  	[sflag:s0] =	ssyncadd.remote.s32 $0x1  }
0xbe: {  	_ =	sfence.sel $0xFFFF  }
0xbf: {  	[dreg:$0x0] =	wrdreg $0xFFFFFFFF;
	(pc) =	sbr.abs _section_cstart, $3  }
0xc0: {  	[dreg:$0x1] =	wrdreg $0xFFFFFFFF  }
0xc1: {  	_ =	task.clear_ibuf [dreg:s7], $0x2FFFF;
	_ =	strace $0x9FFFFFFF  }
0xc2: {  	(tm) =	ssettm $0x7FFFFFFF  }
0xc3: {  	_ =	shalt  }
tec
execute0_lowered:
.L_overlay_start_1:
0x0: {  	(tag) =	ssettag $0x1  }
0x1: {  	s10 =	rddreg [dreg:$0x0]  }
0x2: {  	s1 =	rddreg [dreg:$0x1]  }
0x3: {  	s0 =	rddreg [dreg:$0x2]  }
0x4: {  	s2 =	simm.s32 $0x0;
	s9 =	srdreg.scid;
	s4 =	stileid.u32  }
0x5: {  	s16 =	simm.s32 $0x1300;
	s17 =	simm.s32 $0x1400;
	s18 =	simm.s32 $0x80  }
0x6: {  	s19 =	simm.s32 $0x180;
	s20 =	simm.s32 $0x980;
	s21 =	simm.s32 $0x1  }
0x7: {  	s22 =	simm.s32 $0x2;
	s23 =	simm.s32 $0x1180;
	s24 =	simm.s32 $0x0  }
0x8: {  	[smem:$0x7FF] =	sst s2;
	s3 =	sadd.s32 $0x32800, s10;
	s6 =	sadd.s32 $0x8C8400, s10  }
0x9: {  	s5 =	sadd.s32 $0x1A00, s10;
	s7 =	sadd.s32 $0x67DE00, s10;
	s8 =	sadd.s32 $0x8C8000, s10  }
0xa: {  	s11 =	sand.u32 $0x1, s9;
	s9 =	sadd.s32 $0x6DFA00, s10;
	s10 =	sadd.s32 $0x6DFC00, s10  }
0xb: {  	s12 =	sshll.u32 s4, $0x1;
	p0 =	slt.u32 s4, $0xA;
	_ =	strace $0x80000050  }
0xc: {  	s13 =	ssub.s32 $0x2, s11;
	s12 =	sor.u32 s11, s12;
	s11 =	simm.s32 $0x187  }
0xd: {  	s14 =	sshrl.u32 s13, $0x1;
	s15 =	smul.u32 $0x186, s12;
	s12 =	smin.u32 s12, $0x14  }
0xe: {  	v0 =	vlaneseq.u32;
	s11 =	simm.s32 @!p0 $0x186;
	s13 =	ssub.s32 s13, s14;
	s14 =	simm.s32 $0x1200  }
0xf: {  	v0 =	vmul.u32 $0x10, v0;
	s12 =	sadd.s32 s12, s15;
	s13 =	smax.u32 s13, $0x1;
	s15 =	simm.s32 $0x3  }
.LBB2_1:
0x10: {  	[tilespmem:s14], [sflag:$0x3] =	stream.linear.gather [hbm4b:s1+s2], $0x100, $0x38;
	[tilespmem:$0x1410] =	vst v63  }
0x11: {  	_ =	swait.ge [sflag:s15], $0x100  }
0x12: {  	[sflag:s15] =	ssyncset.done $0x0  }
0x13: {  	[sflag:s15] =	ssyncadd.s32 $0xFFFFFF00  }
0x14: {  	[tilespmem:s16], [sflag:$0x3] =	stream.linear.gather [hbm4b:s8+s2], $0x100, $0x38;
	[tilespmem:$0x1410] =	vst v63  }
0x15: {  	_ =	swait.ge [sflag:s15], $0x100  }
0x16: {  	[sflag:s15] =	ssyncset.done $0x0  }
0x17: {  	[sflag:s15] =	ssyncadd.s32 $0xFFFFFF00  }
0x18: {  	[tilespmem:s17], [sflag:$0x3] =	stream.linear.gather [hbm4b:s9+s2], $0x10, $0x38;
	[tilespmem:$0x1410] =	vst v63  }
0x19: {  	_ =	swait.ge [sflag:s15], $0x10  }
0x1a: {  	[sflag:s15] =	ssyncset.done $0x0  }
0x1b: {  	[sflag:s15] =	ssyncadd.s32 $0xFFFFFFF0  }
0x1c: {  	v1 =	vld [tilespmem:$0x1200]  }
0x1d: {  	v2 =	vld [tilespmem:$0x1210]  }
0x1e: {  	v3 =	vld [tilespmem:$0x1220]  }
0x1f: {  	v4 =	vld [tilespmem:$0x1230]  }
0x20: {  	v5 =	vld [tilespmem:$0x1240]  }
0x21: {  	v6 =	vld [tilespmem:$0x1250]  }
0x22: {  	v7 =	vld [tilespmem:$0x1260]  }
0x23: {  	v8 =	vld [tilespmem:$0x1270]  }
0x24: {  	v9 =	vld [tilespmem:$0x1280]  }
0x25: {  	v10 =	vld [tilespmem:$0x1290]  }
0x26: {  	v11 =	vld [tilespmem:$0x12A0]  }
0x27: {  	v12 =	vld [tilespmem:$0x12B0]  }
0x28: {  	v13 =	vld [tilespmem:$0x12C0]  }
0x29: {  	v14 =	vld [tilespmem:$0x12D0]  }
0x2a: {  	v15 =	vld [tilespmem:$0x12E0]  }
0x2b: {  	v16 =	vld [tilespmem:$0x12F0]  }
0x2c: {  	v17 =	vld [tilespmem:$0x1300]  }
0x2d: {  	v18 =	vld [tilespmem:$0x1310]  }
0x2e: {  	v19 =	vld [tilespmem:$0x1320]  }
0x2f: {  	v20 =	vld [tilespmem:$0x1330]  }
0x30: {  	v21 =	vld [tilespmem:$0x1340]  }
0x31: {  	v22 =	vld [tilespmem:$0x1350]  }
0x32: {  	v23 =	vld [tilespmem:$0x1360]  }
0x33: {  	v24 =	vld [tilespmem:$0x1370]  }
0x34: {  	v25 =	vld [tilespmem:$0x1380]  }
0x35: {  	v26 =	vld [tilespmem:$0x1390]  }
0x36: {  	v27 =	vld [tilespmem:$0x13A0]  }
0x37: {  	v28 =	vld [tilespmem:$0x13B0]  }
0x38: {  	v29 =	vld [tilespmem:$0x13C0]  }
0x39: {  	v30 =	vld [tilespmem:$0x13D0]  }
0x3a: {  	v31 =	vld [tilespmem:$0x13E0]  }
0x3b: {  	v32 =	vld [tilespmem:$0x13F0]  }
0x3c: {  	s25 =	simm.s32 $0x0;
	v33 =	vld [tilespmem:$0x1400]  }
.LBB2_2:
0x3d: {  	s26 =	sadd.s32 s25, s12  }
0x3e: {  	s26 =	sshll.u32 s26, $0x4  }
0x3f: {  	s26 =	sand.u32 $0x1FFFFFF0, s26  }
0x40: {  	s29 =	simm.s32 $0x0;
	s28 =	sadd.s32 s3, s26  }
0x41: {  	[tilespmem:s29], [sflag:$0x3] =	stream.linear.gather [hbm4b:s28+s29], $0x80, $0x38;
	[tilespmem:$0x1410] =	vst v63  }
0x42: {  	_ =	swait.ge [sflag:s15], $0x80  }
0x43: {  	[sflag:s15] =	ssyncset.done $0x0  }
0x44: {  	s28 =	sadd.s32 s5, s26;
	[sflag:s15] =	ssyncadd.s32 $0xFFFFFF80  }
0x45: {  	[tilespmem:s18], [sflag:$0x3] =	stream.linear.gather [hbm4b:s28+s29], $0x80, $0x38;
	[tilespmem:$0x1410] =	vst v63  }
0x46: {  	_ =	swait.ge [sflag:s15], $0x80  }
0x47: {  	[sflag:s15] =	ssyncset.done $0x0  }
0x48: {  	s30 =	simm.s32 $0x100;
	s28 =	sadd.s32 s6, s26;
	[sflag:s15] =	ssyncadd.s32 $0xFFFFFF80  }
0x49: {  	[tilespmem:s30], [sflag:$0x3] =	stream.linear.gather [hbm4b:s28+s29], $0x80, $0x38;
	[tilespmem:$0x1410] =	vst v63  }
0x4a: {  	_ =	swait.ge [sflag:s15], $0x80  }
0x4b: {  	[sflag:s15] =	ssyncset.done $0x0  }
0x4c: {  	[sflag:s15] =	ssyncadd.s32 $0xFFFFFF80  }
0x4d: {  	v34 =	vld [tilespmem:$0x80]  }
0x4e: {  	v35 =	vld [tilespmem:$0x90]  }
0x4f: {  	v36 =	vld [tilespmem:$0xA0]  }
0x50: {  	v37 =	vld [tilespmem:$0xB0]  }
0x51: {  	v38 =	vld [tilespmem:$0xC0]  }
0x52: {  	v39 =	vld [tilespmem:$0xD0];
	v34 =	vadd.s32 $0x186A0, v34  }
0x53: {  	v46 =	vld [tilespmem:$0xE0];
	v45 =	vadd.s32 $0x186A0, v35;
	[tilespmem:$0x80] =	vst v34  }
0x54: {  	v48 =	vld [tilespmem:$0xF0];
	v47 =	vadd.s32 $0x186A0, v36;
	[tilespmem:$0x90] =	vst v45  }
0x55: {  	v49 =	vadd.s32 $0x186A0, v37;
	[tilespmem:$0xA0] =	vst v47  }
0x56: {  	v50 =	vadd.s32 $0x186A0, v38;
	[tilespmem:$0xB0] =	vst v49  }
0x57: {  	v51 =	vadd.s32 $0x186A0, v39;
	[tilespmem:$0xC0] =	vst v50  }
0x58: {  	v52 =	vadd.s32 $0x186A0, v46;
	[tilespmem:$0xD0] =	vst v51  }
0x59: {  	v53 =	vadd.s32 $0x186A0, v48;
	[tilespmem:$0xE0] =	vst v52  }
0x5a: {  	[tilespmem:$0xF0] =	vst v53  }
0x5b: {  	[tilespmem:s19], [sflag:$0x1] =	stream.indirect.gather [hbm4b:s7+s18], $0x10, s29, s18, $0xb8;
	[tilespmem:$0x1410] =	vst v63  }
0x5c: {  	v54 =	vmov s29  }
0x5d: {  	v34 =	vshll.u32 v54, $0x4;
	[tilespmem:s20], [sflag:$0x2] =	stream.indirect.gather [hbm4b:s7+s18], $0x10, s18, s18, $0xb8;
	[tilespmem:$0x1410] =	vst v63  }
0x5e: {  	v34 =	vor.u32 v0, v34;
	_ =	swait.ge [sflag:s21], $0x800  }
0x5f: {  	v55 =	vor.u32 $0x2, v34;
	[sflag:s21] =	ssyncset.done $0x0  }
0x60: {  	[sflag:s21] =	ssyncadd.s32 $0xFFFFF800  }
0x61: {  	_ =	swait.ge [sflag:s22], $0x800  }
0x62: {  	[sflag:s22] =	ssyncset.done $0x0  }
0x63: {  	v56 =	vor.u32 $0x1, v34;
	[sflag:s22] =	ssyncadd.s32 $0xFFFFF800  }
0x64: {  	v57 =	vld.idx.msk [tilespmem:v55+s19+$0x0], $0xffff  }
0x65: {  	v58 =	vld.idx.msk [tilespmem:v34+s19+$0x0], $0xffff  }
0x66: {  	v59 =	vor.u32 $0x3, v34;
	v40 =	vld.idx.msk [tilespmem:v34+s20+$0x0], $0xffff  }
0x67: {  	v41 =	vld [tilespmem:s30+$0x0]  }
0x68: {  	v43 =	vor.u32 $0x4, v34;
	v42 =	vld.idx.msk [tilespmem:v56+s19+$0x0], $0xffff  }
0x69: {  	v36 =	vld.idx.msk [tilespmem:v56+s20+$0x0], $0xffff  }
0x6a: {  	v44 =	vor.u32 $0x5, v34;
	v35 =	vld.idx.msk [tilespmem:v55+s20+$0x0], $0xffff  }
0x6b: {  	v46 =	vor.u32 $0x6, v34;
	v45 =	vld.idx.msk [tilespmem:v59+s19+$0x0], $0xffff  }
0x6c: {  	v47 =	vor.u32 $0xE, v34;
	v48 =	vor.u32 $0xF, v34;
	v49 =	vor.u32 $0xD, v34;
	v39 =	vld.idx.msk [tilespmem:v59+s20+$0x0], $0xffff  }
0x6d: {  	v63 =	vor.u32 $0x8, v34;
	v50 =	vld.idx.msk [tilespmem:v43+s19+$0x0], $0xffff;
	v38 =	vadd.f32 v40, v58;
	v60 =	vmul.f32 v41, v1  }
0x6e: {  	v51 =	vor.u32 $0x7, v34;
	v52 =	vor.u32 $0xB, v34;
	v53 =	vor.u32 $0xC, v34;
	v43 =	vld.idx.msk [tilespmem:v43+s20+$0x0], $0xffff  }
0x6f: {  	v62 =	vld.idx.msk [tilespmem:v44+s19+$0x0], $0xffff;
	v36 =	vadd.f32 v36, v42;
	v61 =	vmul.f32 v41, v2;
	v38 =	vadd.f32 v38, v60  }
0x70: {  	v54 =	vor.u32 $0xA, v34;
	v44 =	vld.idx.msk [tilespmem:v44+s20+$0x0], $0xffff;
	v34 =	vor.u32 $0x9, v34;
	v35 =	vadd.f32 v35, v57  }
0x71: {  	v55 =	vld.idx.msk [tilespmem:v46+s19+$0x0], $0xffff;
	v57 =	vmul.f32 v41, v3;
	v36 =	vadd.f32 v36, v61;
	v38 =	vmax.f32 v38, $0.0e+00  }
0x72: {  	v37 =	vld.idx.msk [tilespmem:v63+s20+$0x0], $0xffff;
	v39 =	vadd.f32 v39, v45;
	v59 =	vmul.f32 v41, v4;
	v38 =	vmul.f32 v38, v17  }
0x73: {  	v58 =	vld.idx.msk [tilespmem:v46+s20+$0x0], $0xffff;
	v43 =	vadd.f32 v43, v50;
	v35 =	vadd.f32 v35, v57;
	v36 =	vmax.f32 v36, $0.0e+00  }
0x74: {  	v46 =	vld.idx.msk [tilespmem:v51+s19+$0x0], $0xffff;
	v39 =	vadd.f32 v39, v59;
	v36 =	vmul.f32 v36, v18;
	v38 =	vadd.f32 v38, v33  }
0x75: {  	v62 =	vadd.f32 v44, v62;
	v60 =	vld.idx.msk [tilespmem:v51+s20+$0x0], $0xffff;
	v61 =	vmul.f32 v41, v5;
	v35 =	vmax.f32 v35, $0.0e+00  }
0x76: {  	v51 =	vld.idx.msk [tilespmem:v63+s19+$0x0], $0xffff;
	v39 =	vmax.f32 v39, $0.0e+00;
	v35 =	vmul.f32 v35, v19;
	v36 =	vadd.f32 v36, v38  }
0x77: {  	v63 =	vmul.f32 v41, v6;
	v40 =	vadd.f32 v43, v61;
	v43 =	vld.idx.msk [tilespmem:v34+s19+$0x0], $0xffff;
	v56 =	vmul.f32 v39, v20  }
0x78: {  	v34 =	vld.idx.msk [tilespmem:v34+s20+$0x0], $0xffff;
	v57 =	vadd.f32 v58, v55;
	v58 =	vmul.f32 v41, v7;
	v35 =	vadd.f32 v35, v36  }
0x79: {  	v44 =	vld.idx.msk [tilespmem:v54+s19+$0x0], $0xffff;
	v55 =	vmul.f32 v41, v9;
	v40 =	vmax.f32 v40, $0.0e+00;
	v38 =	vadd.f32 v62, v63  }
0x7a: {  	v61 =	vld.idx.msk [tilespmem:v54+s20+$0x0], $0xffff;
	v59 =	vmul.f32 v40, v21;
	v60 =	vadd.f32 v60, v46;
	v35 =	vadd.f32 v56, v35  }
0x7b: {  	v39 =	vadd.f32 v57, v58;
	v62 =	vmul.f32 v41, v8;
	v38 =	vmax.f32 v38, $0.0e+00  }
0x7c: {  	v54 =	vld.idx.msk [tilespmem:v52+s20+$0x0], $0xffff;
	v37 =	vadd.f32 v37, v51;
	v63 =	vmul.f32 v38, v22;
	v35 =	vadd.f32 v59, v35  }
0x7d: {  	v46 =	vld.idx.msk [tilespmem:v52+s19+$0x0], $0xffff;
	v39 =	vmax.f32 v39, $0.0e+00;
	v34 =	vadd.f32 v34, v43;
	v40 =	vadd.f32 v60, v62  }
0x7e: {  	v37 =	vadd.f32 v37, v55;
	v57 =	vmul.f32 v39, v23;
	v35 =	vadd.f32 v63, v35  }
0x7f: {  	v58 =	vld.idx.msk [tilespmem:v53+s20+$0x0], $0xffff;
	v61 =	vadd.f32 v61, v44;
	v40 =	vmax.f32 v40, $0.0e+00;
	v59 =	vmul.f32 v41, v10  }
0x80: {  	v37 =	vmax.f32 v37, $0.0e+00;
	v56 =	vld.idx.msk [tilespmem:v53+s19+$0x0], $0xffff;
	v60 =	vmul.f32 v40, v24;
	v35 =	vadd.f32 v57, v35  }
0x81: {  	v43 =	vld.idx.msk [tilespmem:v49+s19+$0x0], $0xffff;
	v51 =	vmul.f32 v37, v25;
	v34 =	vadd.f32 v34, v59;
	v63 =	vmul.f32 v41, v11  }
0x82: {  	v62 =	vld.idx.msk [tilespmem:v49+s20+$0x0], $0xffff;
	v52 =	vadd.f32 v54, v46;
	v54 =	vmul.f32 v41, v12;
	v35 =	vadd.f32 v60, v35  }
0x83: {  	v49 =	vld.idx.msk [tilespmem:v47+s19+$0x0], $0xffff;
	v34 =	vmax.f32 v34, $0.0e+00;
	v40 =	vadd.f32 v61, v63  }
0x84: {  	v53 =	vld.idx.msk [tilespmem:v47+s20+$0x0], $0xffff;
	v37 =	vadd.f32 v52, v54;
	v34 =	vmul.f32 v34, v26;
	v35 =	vadd.f32 v51, v35  }
0x85: {  	v55 =	vld.idx.msk [tilespmem:v48+s19+$0x0], $0xffff;
	v56 =	vadd.f32 v58, v56;
	v58 =	vmul.f32 v41, v13;
	v40 =	vmax.f32 v40, $0.0e+00  }
0x86: {  	v37 =	vmax.f32 v37, $0.0e+00;
	v57 =	vld.idx.msk [tilespmem:v48+s20+$0x0], $0xffff;
	v59 =	vmul.f32 v40, v27;
	v34 =	vadd.f32 v34, v35  }
0x87: {  	v61 =	vmul.f32 v41, v14;
	v36 =	vadd.f32 v56, v58;
	v60 =	vadd.f32 v62, v43  }
0x88: {  	v45 =	vmul.f32 v41, v15;
	v62 =	vmul.f32 v37, v28;
	v34 =	vadd.f32 v59, v34  }
0x89: {  	v63 =	vadd.f32 v53, v49;
	v36 =	vmax.f32 v36, $0.0e+00;
	v44 =	vadd.f32 v60, v61  }
0x8a: {  	v49 =	vmul.f32 v41, v16;
	v47 =	vmul.f32 v36, v29;
	v34 =	vadd.f32 v62, v34  }
0x8b: {  	v37 =	vadd.f32 v63, v45;
	v48 =	vadd.f32 v57, v55;
	v38 =	vmax.f32 v44, $0.0e+00  }
0x8c: {  	v50 =	vmul.f32 v38, v30;
	v34 =	vadd.f32 v47, v34  }
0x8d: {  	v37 =	vmax.f32 v37, $0.0e+00;
	v36 =	vadd.f32 v48, v49  }
0x8e: {  	v51 =	vmul.f32 v37, v31;
	v34 =	vadd.f32 v50, v34  }
0x8f: {  	v36 =	vmax.f32 v36, $0.0e+00  }
0x90: {  	v52 =	vmul.f32 v36, v32;
	v34 =	vadd.f32 v51, v34;
	_ =	sdelay $0x1  }
0x91: {  	v34 =	vadd.f32 v52, v34;
	_ =	sdelay $0x1  }
0x92: {  	v34 =	vsub.f32 $0.0e+00, v34;
	_ =	sdelay $0x1  }
0x93: {  	v34 =	vmul.f32 $1.442695020e+00, v34;
	_ =	sdelay $0x1  }
0x94: {  	(erf) = vpow2.f32 v34;
	_ =	sdelay $0x8  }
0x95: {  	v34 =	vpop (erf)  }
0x96: {  	v34 =	vadd.f32 $1.000000000e+00, v34;
	_ =	sdelay $0x1  }
0x97: {  	(erf) = vrcp.f32 v34;
	_ =	sdelay $0x1  }
0x98: {  	s28 =	simm.s32 $0x10  }
0x99: {  	v53 =	vmov s28  }
0x9a: {  	v34 =	vshll.u32 v53, $0x4  }
0x9b: {  	v34 =	vor.u32 v0, v34  }
0x9c: {  	v54 =	vor.u32 $0x2, v34;
	_ =	sdelay $0x2  }
0x9d: {  	s28 =	simm.s32 $0x1180;
	v55 =	vpop (erf)  }
0x9e: {  	v56 =	vor.u32 $0x1, v34;
	[tilespmem:s28+$0x0] =	vst v55  }
0x9f: {  	v36 =	vld.idx.msk [tilespmem:v54+s19+$0x0], $0xffff  }
0xa0: {  	v57 =	vld.idx.msk [tilespmem:v34+s19+$0x0], $0xffff  }
0xa1: {  	s29 =	simm.s32 $0x110;
	v58 =	vor.u32 $0x3, v34;
	v59 =	vld.idx.msk [tilespmem:v34+s20+$0x0], $0xffff  }
0xa2: {  	v41 =	vld [tilespmem:s29+$0x0]  }
0xa3: {  	v61 =	vor.u32 $0x4, v34;
	v60 =	vld.idx.msk [tilespmem:v56+s19+$0x0], $0xffff  }
0xa4: {  	v37 =	vld.idx.msk [tilespmem:v56+s20+$0x0], $0xffff  }
0xa5: {  	v62 =	vor.u32 $0x5, v34;
	v35 =	vld.idx.msk [tilespmem:v54+s20+$0x0], $0xffff  }
0xa6: {  	v63 =	vor.u32 $0x6, v34;
	v45 =	vld.idx.msk [tilespmem:v58+s19+$0x0], $0xffff  }
0xa7: {  	v39 =	vld.idx.msk [tilespmem:v58+s20+$0x0], $0xffff  }
0xa8: {  	v47 =	vor.u32 $0xE, v34;
	v48 =	vor.u32 $0xF, v34;
	v49 =	vor.u32 $0xD, v34;
	v50 =	vld.idx.msk [tilespmem:v61+s19+$0x0], $0xffff  }
0xa9: {  	v52 =	vor.u32 $0xB, v34;
	v43 =	vld.idx.msk [tilespmem:v61+s20+$0x0], $0xffff;
	v38 =	vadd.f32 v59, v57;
	v57 =	vmul.f32 v41, v1  }
0xaa: {  	v53 =	vor.u32 $0xC, v34;
	v58 =	vor.u32 $0x7, v34;
	v61 =	vor.u32 $0x8, v34;
	v44 =	vld.idx.msk [tilespmem:v62+s20+$0x0], $0xffff  }
0xab: {  	v55 =	vld.idx.msk [tilespmem:v63+s19+$0x0], $0xffff;
	v37 =	vadd.f32 v37, v60;
	v59 =	vmul.f32 v41, v2;
	v38 =	vadd.f32 v38, v57  }
0xac: {  	v54 =	vor.u32 $0xA, v34;
	v34 =	vor.u32 $0x9, v34;
	v63 =	vld.idx.msk [tilespmem:v63+s20+$0x0], $0xffff;
	v35 =	vadd.f32 v35, v36  }
0xad: {  	v60 =	vld.idx.msk [tilespmem:v62+s19+$0x0], $0xffff;
	v62 =	vmul.f32 v41, v3;
	v37 =	vadd.f32 v37, v59;
	v38 =	vmax.f32 v38, $0.0e+00  }
0xae: {  	v39 =	vadd.f32 v39, v45;
	v56 =	vmul.f32 v41, v4;
	v38 =	vmul.f32 v38, v17  }
0xaf: {  	v43 =	vadd.f32 v43, v50;
	v51 =	vld.idx.msk [tilespmem:v61+s19+$0x0], $0xffff;
	v35 =	vadd.f32 v35, v62;
	v37 =	vmax.f32 v37, $0.0e+00  }
0xb0: {  	v36 =	vld.idx.msk [tilespmem:v61+s20+$0x0], $0xffff;
	v61 =	vmul.f32 v41, v6;
	v37 =	vmul.f32 v37, v18;
	v38 =	vadd.f32 v38, v33  }
0xb1: {  	v57 =	vld.idx.msk [tilespmem:v58+s19+$0x0], $0xffff;
	v39 =	vadd.f32 v39, v56;
	v59 =	vmul.f32 v41, v5;
	v35 =	vmax.f32 v35, $0.0e+00  }
0xb2: {  	v63 =	vadd.f32 v63, v55;
	v58 =	vld.idx.msk [tilespmem:v58+s20+$0x0], $0xffff;
	v35 =	vmul.f32 v35, v19;
	v37 =	vadd.f32 v37, v38  }
0xb3: {  	v50 =	vld.idx.msk [tilespmem:v53+s19+$0x0], $0xffff;
	v39 =	vmax.f32 v39, $0.0e+00;
	v40 =	vadd.f32 v43, v59;
	v60 =	vadd.f32 v44, v60  }
0xb4: {  	v55 =	vmul.f32 v41, v7;
	v43 =	vld.idx.msk [tilespmem:v34+s19+$0x0], $0xffff;
	v62 =	vmul.f32 v39, v20;
	v35 =	vadd.f32 v35, v37  }
0xb5: {  	v34 =	vld.idx.msk [tilespmem:v34+s20+$0x0], $0xffff;
	v59 =	vmul.f32 v41, v8;
	v40 =	vmax.f32 v40, $0.0e+00;
	v38 =	vadd.f32 v60, v61  }
0xb6: {  	v44 =	vld.idx.msk [tilespmem:v54+s19+$0x0], $0xffff;
	v39 =	vadd.f32 v63, v55;
	v56 =	vmul.f32 v40, v21;
	v35 =	vadd.f32 v62, v35  }
0xb7: {  	v36 =	vadd.f32 v36, v51;
	v57 =	vadd.f32 v58, v57;
	v58 =	vld.idx.msk [tilespmem:v54+s20+$0x0], $0xffff;
	v38 =	vmax.f32 v38, $0.0e+00  }
0xb8: {  	v39 =	vmax.f32 v39, $0.0e+00;
	v60 =	vld.idx.msk [tilespmem:v52+s19+$0x0], $0xffff;
	v61 =	vmul.f32 v38, v22;
	v35 =	vadd.f32 v56, v35  }
0xb9: {  	v63 =	vmul.f32 v41, v9;
	v51 =	vmul.f32 v39, v23;
	v40 =	vadd.f32 v57, v59;
	v62 =	vld.idx.msk [tilespmem:v52+s20+$0x0], $0xffff  }
0xba: {  	v34 =	vadd.f32 v34, v43;
	v52 =	vld.idx.msk [tilespmem:v53+s20+$0x0], $0xffff;
	v53 =	vmul.f32 v41, v10;
	v35 =	vadd.f32 v61, v35  }
0xbb: {  	v36 =	vadd.f32 v36, v63;
	v40 =	vmax.f32 v40, $0.0e+00  }
0xbc: {  	v54 =	vld.idx.msk [tilespmem:v49+s19+$0x0], $0xffff;
	v55 =	vmul.f32 v40, v24;
	v34 =	vadd.f32 v34, v53;
	v35 =	vadd.f32 v51, v35  }
0xbd: {  	v63 =	vld.idx.msk [tilespmem:v48+s19+$0x0], $0xffff;
	v36 =	vmax.f32 v36, $0.0e+00;
	v56 =	vadd.f32 v58, v44;
	v58 =	vmul.f32 v41, v11  }
0xbe: {  	v57 =	vld.idx.msk [tilespmem:v49+s20+$0x0], $0xffff;
	v36 =	vmul.f32 v36, v25;
	v34 =	vmax.f32 v34, $0.0e+00;
	v35 =	vadd.f32 v55, v35  }
0xbf: {  	v59 =	vld.idx.msk [tilespmem:v47+s19+$0x0], $0xffff;
	v40 =	vadd.f32 v56, v58;
	v60 =	vadd.f32 v62, v60;
	v62 =	vmul.f32 v41, v12  }
0xc0: {  	v49 =	vmul.f32 v41, v13;
	v61 =	vld.idx.msk [tilespmem:v47+s20+$0x0], $0xffff;
	v34 =	vmul.f32 v34, v26;
	v35 =	vadd.f32 v36, v35  }
0xc1: {  	v48 =	vld.idx.msk [tilespmem:v48+s20+$0x0], $0xffff;
	v47 =	vadd.f32 v52, v50;
	v40 =	vmax.f32 v40, $0.0e+00;
	v37 =	vadd.f32 v60, v62  }
0xc2: {  	v52 =	vmul.f32 v41, v14;
	v50 =	vmul.f32 v40, v27;
	v34 =	vadd.f32 v34, v35  }
0xc3: {  	v51 =	vadd.f32 v57, v54;
	v37 =	vmax.f32 v37, $0.0e+00;
	v36 =	vadd.f32 v47, v49  }
0xc4: {  	v56 =	vmul.f32 v41, v15;
	v53 =	vmul.f32 v37, v28;
	v34 =	vadd.f32 v50, v34  }
0xc5: {  	v55 =	vadd.f32 v51, v52;
	v54 =	vadd.f32 v61, v59;
	v36 =	vmax.f32 v36, $0.0e+00  }
0xc6: {  	v58 =	vadd.f32 v48, v63;
	v57 =	vmul.f32 v36, v29;
	v34 =	vadd.f32 v53, v34  }
0xc7: {  	v59 =	vmul.f32 v41, v16;
	v38 =	vmax.f32 v55, $0.0e+00;
	v37 =	vadd.f32 v54, v56  }
0xc8: {  	v60 =	vmul.f32 v38, v30;
	v34 =	vadd.f32 v57, v34  }
0xc9: {  	v37 =	vmax.f32 v37, $0.0e+00;
	v36 =	vadd.f32 v58, v59  }
0xca: {  	v61 =	vmul.f32 v37, v31;
	v34 =	vadd.f32 v60, v34  }
0xcb: {  	v36 =	vmax.f32 v36, $0.0e+00  }
0xcc: {  	v62 =	vmul.f32 v36, v32;
	v34 =	vadd.f32 v61, v34;
	_ =	sdelay $0x1  }
0xcd: {  	v34 =	vadd.f32 v62, v34;
	_ =	sdelay $0x1  }
0xce: {  	v34 =	vsub.f32 $0.0e+00, v34;
	_ =	sdelay $0x1  }
0xcf: {  	v34 =	vmul.f32 $1.442695020e+00, v34;
	_ =	sdelay $0x1  }
0xd0: {  	(erf) = vpow2.f32 v34;
	_ =	sdelay $0x8  }
0xd1: {  	v34 =	vpop (erf)  }
0xd2: {  	v34 =	vadd.f32 $1.000000000e+00, v34;
	_ =	sdelay $0x1  }
0xd3: {  	(erf) = vrcp.f32 v34;
	_ =	sdelay $0x1  }
0xd4: {  	s30 =	simm.s32 $0x20  }
0xd5: {  	v63 =	vmov s30  }
0xd6: {  	v35 =	vshll.u32 v63, $0x4  }
0xd7: {  	v35 =	vor.u32 v0, v35  }
0xd8: {  	v36 =	vor.u32 $0x2, v35  }
0xd9: {  	s30 =	simm.s32 $0x30;
	v37 =	vor.u32 $0x1, v35  }
.LBB2_3:
0xda: {  	p0 =	sne.s32 s30, $0x70  }
0xdb: {  	s28 =	sadd.s32 $0x10, s28;
	v34 =	vpop (erf)  }
0xdc: {  	[tilespmem:s28+$0x0] =	vst v34  }
0xdd: {  	v38 =	vld.idx.msk [tilespmem:v36+s19+$0x0], $0xffff  }
0xde: {  	v39 =	vld.idx.msk [tilespmem:v37+s19+$0x0], $0xffff  }
0xdf: {  	v41 =	vor.u32 $0x3, v35;
	v40 =	vld.idx.msk [tilespmem:v35+s19+$0x0], $0xffff  }
0xe0: {  	s29 =	sadd.s32 $0x10, s29;
	v42 =	vld.idx.msk [tilespmem:v35+s20+$0x0], $0xffff  }
0xe1: {  	v43 =	vor.u32 $0x4, v35;
	v34 =	vld [tilespmem:s29+$0x0]  }
0xe2: {  	v37 =	vld.idx.msk [tilespmem:v37+s20+$0x0], $0xffff  }
0xe3: {  	v44 =	vor.u32 $0x5, v35;
	v36 =	vld.idx.msk [tilespmem:v36+s20+$0x0], $0xffff  }
0xe4: {  	v45 =	vld.idx.msk [tilespmem:v41+s19+$0x0], $0xffff  }
0xe5: {  	v46 =	vor.u32 $0x6, v35;
	v47 =	vor.u32 $0xE, v35;
	v48 =	vor.u32 $0xF, v35;
	v41 =	vld.idx.msk [tilespmem:v41+s20+$0x0], $0xffff  }
0xe6: {  	v50 =	vor.u32 $0xD, v35;
	v40 =	vadd.f32 v42, v40;
	v42 =	vmul.f32 v34, v1;
	v49 =	vld.idx.msk [tilespmem:v43+s19+$0x0], $0xffff  }
0xe7: {  	v51 =	vor.u32 $0x7, v35;
	v52 =	vor.u32 $0xB, v35;
	v53 =	vor.u32 $0xC, v35;
	v43 =	vld.idx.msk [tilespmem:v43+s20+$0x0], $0xffff  }
0xe8: {  	v37 =	vadd.f32 v37, v39;
	v39 =	vmul.f32 v34, v2;
	v40 =	vadd.f32 v40, v42;
	v42 =	vld.idx.msk [tilespmem:v44+s19+$0x0], $0xffff  }
0xe9: {  	v54 =	vor.u32 $0xA, v35;
	v36 =	vadd.f32 v36, v38;
	v38 =	vld.idx.msk [tilespmem:v44+s20+$0x0], $0xffff;
	v44 =	vor.u32 $0x8, v35  }
0xea: {  	v37 =	vadd.f32 v37, v39;
	v39 =	vmul.f32 v34, v3;
	v40 =	vmax.f32 v40, $0.0e+00;
	v55 =	vld.idx.msk [tilespmem:v46+s19+$0x0], $0xffff  }
0xeb: {  	v35 =	vor.u32 $0x9, v35;
	v41 =	vadd.f32 v41, v45;
	v40 =	vmul.f32 v40, v17;
	v45 =	vld.idx.msk [tilespmem:v46+s20+$0x0], $0xffff  }
0xec: {  	v37 =	vmax.f32 v37, $0.0e+00;
	v36 =	vadd.f32 v36, v39;
	v39 =	vmul.f32 v34, v4;
	v46 =	vld.idx.msk [tilespmem:v51+s19+$0x0], $0xffff  }
0xed: {  	v37 =	vmul.f32 v37, v18;
	v43 =	vadd.f32 v43, v49;
	v40 =	vadd.f32 v40, v33;
	v49 =	vld.idx.msk [tilespmem:v51+s20+$0x0], $0xffff  }
0xee: {  	v36 =	vmax.f32 v36, $0.0e+00;
	v39 =	vadd.f32 v41, v39;
	v41 =	vmul.f32 v34, v5;
	v51 =	vld.idx.msk [tilespmem:v44+s19+$0x0], $0xffff  }
0xef: {  	v36 =	vmul.f32 v36, v19;
	v38 =	vadd.f32 v38, v42;
	v37 =	vadd.f32 v37, v40;
	v40 =	vld.idx.msk [tilespmem:v44+s20+$0x0], $0xffff  }
0xf0: {  	v42 =	vmul.f32 v34, v6;
	v39 =	vmax.f32 v39, $0.0e+00;
	v41 =	vadd.f32 v43, v41;
	v43 =	vld.idx.msk [tilespmem:v35+s19+$0x0], $0xffff  }
0xf1: {  	v36 =	vadd.f32 v36, v37;
	v37 =	vmul.f32 v39, v20;
	v39 =	vadd.f32 v45, v55;
	v35 =	vld.idx.msk [tilespmem:v35+s20+$0x0], $0xffff  }
0xf2: {  	v38 =	vadd.f32 v38, v42;
	v42 =	vmul.f32 v34, v7;
	v41 =	vmax.f32 v41, $0.0e+00;
	v44 =	vld.idx.msk [tilespmem:v54+s19+$0x0], $0xffff  }
0xf3: {  	v36 =	vadd.f32 v37, v36;
	v37 =	vmul.f32 v41, v21;
	v41 =	vadd.f32 v49, v46;
	v45 =	vld.idx.msk [tilespmem:v54+s20+$0x0], $0xffff  }
0xf4: {  	v38 =	vmax.f32 v38, $0.0e+00;
	v39 =	vadd.f32 v39, v42;
	v42 =	vmul.f32 v34, v8;
	v46 =	vld.idx.msk [tilespmem:v52+s19+$0x0], $0xffff  }
0xf5: {  	v36 =	vadd.f32 v37, v36;
	v37 =	vmul.f32 v38, v22;
	v38 =	vadd.f32 v40, v51;
	v40 =	vld.idx.msk [tilespmem:v52+s20+$0x0], $0xffff  }
0xf6: {  	v39 =	vmax.f32 v39, $0.0e+00;
	v41 =	vadd.f32 v41, v42;
	v42 =	vmul.f32 v34, v9;
	v49 =	vld.idx.msk [tilespmem:v53+s19+$0x0], $0xffff  }
0xf7: {  	v35 =	vadd.f32 v35, v43;
	v36 =	vadd.f32 v37, v36;
	v37 =	vmul.f32 v39, v23;
	v39 =	vld.idx.msk [tilespmem:v53+s20+$0x0], $0xffff  }
0xf8: {  	v41 =	vmax.f32 v41, $0.0e+00;
	v38 =	vadd.f32 v38, v42;
	v42 =	vmul.f32 v34, v10;
	v43 =	vld.idx.msk [tilespmem:v50+s19+$0x0], $0xffff  }
0xf9: {  	v36 =	vadd.f32 v37, v36;
	v37 =	vmul.f32 v41, v24;
	v41 =	vadd.f32 v45, v44;
	v44 =	vld.idx.msk [tilespmem:v50+s20+$0x0], $0xffff  }
0xfa: {  	v38 =	vmax.f32 v38, $0.0e+00;
	v35 =	vadd.f32 v35, v42;
	v42 =	vmul.f32 v34, v11;
	v45 =	vld.idx.msk [tilespmem:v47+s19+$0x0], $0xffff  }
0xfb: {  	v36 =	vadd.f32 v37, v36;
	v37 =	vmul.f32 v38, v25;
	v38 =	vadd.f32 v40, v46;
	v40 =	vld.idx.msk [tilespmem:v47+s20+$0x0], $0xffff  }
0xfc: {  	v35 =	vmax.f32 v35, $0.0e+00;
	v41 =	vadd.f32 v41, v42;
	v42 =	vmul.f32 v34, v12;
	v46 =	vld.idx.msk [tilespmem:v48+s19+$0x0], $0xffff  }
0xfd: {  	v35 =	vmul.f32 v35, v26;
	v36 =	vadd.f32 v37, v36;
	v37 =	vadd.f32 v39, v49;
	v39 =	vld.idx.msk [tilespmem:v48+s20+$0x0], $0xffff  }
0xfe: {  	v41 =	vmax.f32 v41, $0.0e+00;
	v38 =	vadd.f32 v38, v42;
	v42 =	vmul.f32 v34, v13  }
0xff: {  	v35 =	vadd.f32 v35, v36;
	v36 =	vmul.f32 v41, v27;
	v41 =	vadd.f32 v44, v43  }
0x100: {  	v38 =	vmax.f32 v38, $0.0e+00;
	v37 =	vadd.f32 v37, v42;
	v42 =	vmul.f32 v34, v14  }
0x101: {  	v35 =	vadd.f32 v36, v35;
	v36 =	vmul.f32 v38, v28;
	v38 =	vadd.f32 v40, v45  }
0x102: {  	v37 =	vmax.f32 v37, $0.0e+00;
	v40 =	vadd.f32 v41, v42;
	v41 =	vmul.f32 v34, v15  }
0x103: {  	v35 =	vadd.f32 v36, v35;
	v36 =	vmul.f32 v37, v29;
	v37 =	vadd.f32 v39, v46  }
0x104: {  	v34 =	vmul.f32 v34, v16;
	v39 =	vmax.f32 v40, $0.0e+00;
	v38 =	vadd.f32 v38, v41  }
0x105: {  	v35 =	vadd.f32 v36, v35;
	v36 =	vmul.f32 v39, v30  }
0x106: {  	v38 =	vmax.f32 v38, $0.0e+00;
	v34 =	vadd.f32 v37, v34  }
0x107: {  	v35 =	vadd.f32 v36, v35;
	v36 =	vmul.f32 v38, v31  }
0x108: {  	v34 =	vmax.f32 v34, $0.0e+00  }
0x109: {  	v34 =	vmul.f32 v34, v32;
	v35 =	vadd.f32 v36, v35;
	_ =	sdelay $0x1  }
0x10a: {  	v34 =	vadd.f32 v34, v35;
	_ =	sdelay $0x1  }
0x10b: {  	v34 =	vsub.f32 $0.0e+00, v34;
	_ =	sdelay $0x1  }
0x10c: {  	v34 =	vmul.f32 $1.442695020e+00, v34;
	_ =	sdelay $0x1  }
0x10d: {  	(erf) = vpow2.f32 v34;
	_ =	sdelay $0x8  }
0x10e: {  	v34 =	vpop (erf)  }
0x10f: {  	v34 =	vadd.f32 $1.000000000e+00, v34;
	_ =	sdelay $0x1  }
0x110: {  	(erf) = vrcp.f32 v34;
	_ =	sdelay $0x2  }
.Ltmp0:
0x111: {  	v34 =	vmov s30;
	(pc) =	sbr.rel @p0 .LBB2_3-.Ltmp0, $4  }
0x112: {  	v34 =	vshll.u32 v34, $0x4  }
0x113: {  	v35 =	vor.u32 v0, v34  }
0x114: {  	v36 =	vor.u32 $0x2, v35  }
0x115: {  	s30 =	sadd.s32 $0x10, s30;
	v37 =	vor.u32 $0x1, v35  }
0x116: {  	_ =	sdelay $0x1  }
0x117: {  	s28 =	sadd.s32 $0x10, s28;
	v34 =	vpop (erf)  }
0x118: {  	[tilespmem:s28+$0x0] =	vst v34  }
0x119: {  	v34 =	vld.idx.msk [tilespmem:v36+s19+$0x0], $0xffff  }
0x11a: {  	v38 =	vld.idx.msk [tilespmem:v35+s19+$0x0], $0xffff  }
0x11b: {  	v39 =	vor.u32 $0x3, v35;
	s29 =	sadd.s32 $0x10, s29;
	v40 =	vld.idx.msk [tilespmem:v35+s20+$0x0], $0xffff  }
0x11c: {  	v41 =	vld [tilespmem:s29+$0x0]  }
0x11d: {  	v43 =	vor.u32 $0x4, v35;
	v42 =	vld.idx.msk [tilespmem:v37+s19+$0x0], $0xffff  }
0x11e: {  	v56 =	vld.idx.msk [tilespmem:v37+s20+$0x0], $0xffff  }
0x11f: {  	v44 =	vor.u32 $0x5, v35;
	v57 =	vld.idx.msk [tilespmem:v36+s20+$0x0], $0xffff  }
0x120: {  	v46 =	vor.u32 $0x6, v35;
	v45 =	vld.idx.msk [tilespmem:v39+s19+$0x0], $0xffff  }
0x121: {  	v47 =	vor.u32 $0xE, v35;
	v48 =	vor.u32 $0xF, v35;
	v49 =	vor.u32 $0xD, v35;
	v39 =	vld.idx.msk [tilespmem:v39+s20+$0x0], $0xffff  }
0x122: {  	v51 =	vor.u32 $0x7, v35;
	v50 =	vld.idx.msk [tilespmem:v43+s19+$0x0], $0xffff;
	v38 =	vadd.f32 v40, v38;
	v58 =	vmul.f32 v41, v1  }
0x123: {  	v52 =	vor.u32 $0xB, v35;
	v53 =	vor.u32 $0xC, v35;
	v61 =	vor.u32 $0x8, v35;
	v43 =	vld.idx.msk [tilespmem:v43+s20+$0x0], $0xffff  }
0x124: {  	v60 =	vld.idx.msk [tilespmem:v44+s19+$0x0], $0xffff;
	v37 =	vadd.f32 v56, v42;
	v59 =	vmul.f32 v41, v2;
	v38 =	vadd.f32 v38, v58  }
0x125: {  	v54 =	vor.u32 $0xA, v35;
	v35 =	vor.u32 $0x9, v35;
	v44 =	vld.idx.msk [tilespmem:v44+s20+$0x0], $0xffff;
	v34 =	vadd.f32 v57, v34  }
0x126: {  	v55 =	vld.idx.msk [tilespmem:v46+s19+$0x0], $0xffff;
	v62 =	vmul.f32 v41, v3;
	v37 =	vadd.f32 v37, v59;
	v38 =	vmax.f32 v38, $0.0e+00  }
0x127: {  	v63 =	vld.idx.msk [tilespmem:v46+s20+$0x0], $0xffff;
	v56 =	vmul.f32 v41, v4;
	v39 =	vadd.f32 v39, v45;
	v38 =	vmul.f32 v38, v17  }
0x128: {  	v36 =	vld.idx.msk [tilespmem:v61+s20+$0x0], $0xffff;
	v34 =	vadd.f32 v34, v62;
	v43 =	vadd.f32 v43, v50;
	v37 =	vmax.f32 v37, $0.0e+00  }
0x129: {  	v57 =	vld.idx.msk [tilespmem:v51+s19+$0x0], $0xffff;
	v59 =	vmul.f32 v41, v5;
	v37 =	vmul.f32 v37, v18;
	v38 =	vadd.f32 v38, v33  }
0x12a: {  	v58 =	vld.idx.msk [tilespmem:v51+s20+$0x0], $0xffff;
	v60 =	vadd.f32 v44, v60;
	v34 =	vmax.f32 v34, $0.0e+00;
	v39 =	vadd.f32 v39, v56  }
0x12b: {  	v51 =	vld.idx.msk [tilespmem:v61+s19+$0x0], $0xffff;
	v61 =	vmul.f32 v41, v6;
	v34 =	vmul.f32 v34, v19;
	v37 =	vadd.f32 v37, v38  }
0x12c: {  	v63 =	vadd.f32 v63, v55;
	v40 =	vadd.f32 v43, v59;
	v43 =	vld.idx.msk [tilespmem:v35+s19+$0x0], $0xffff;
	v39 =	vmax.f32 v39, $0.0e+00  }
0x12d: {  	v55 =	vmul.f32 v41, v7;
	v35 =	vld.idx.msk [tilespmem:v35+s20+$0x0], $0xffff;
	v62 =	vmul.f32 v39, v20;
	v34 =	vadd.f32 v34, v37  }
0x12e: {  	v44 =	vld.idx.msk [tilespmem:v54+s19+$0x0], $0xffff;
	v59 =	vmul.f32 v41, v8;
	v40 =	vmax.f32 v40, $0.0e+00;
	v38 =	vadd.f32 v60, v61  }
0x12f: {  	v50 =	vld.idx.msk [tilespmem:v53+s19+$0x0], $0xffff;
	v56 =	vmul.f32 v40, v21;
	v57 =	vadd.f32 v58, v57;
	v34 =	vadd.f32 v62, v34  }
0x130: {  	v58 =	vld.idx.msk [tilespmem:v54+s20+$0x0], $0xffff;
	v39 =	vadd.f32 v63, v55;
	v36 =	vadd.f32 v36, v51;
	v38 =	vmax.f32 v38, $0.0e+00  }
0x131: {  	v63 =	vmul.f32 v41, v9;
	v60 =	vld.idx.msk [tilespmem:v52+s19+$0x0], $0xffff;
	v61 =	vmul.f32 v38, v22;
	v34 =	vadd.f32 v56, v34  }
0x132: {  	v39 =	vmax.f32 v39, $0.0e+00;
	v40 =	vadd.f32 v57, v59;
	v35 =	vadd.f32 v35, v43;
	v62 =	vld.idx.msk [tilespmem:v52+s20+$0x0], $0xffff  }
0x133: {  	v51 =	vmul.f32 v39, v23;
	v52 =	vld.idx.msk [tilespmem:v53+s20+$0x0], $0xffff;
	v53 =	vmul.f32 v41, v10;
	v34 =	vadd.f32 v61, v34  }
0x134: {  	v36 =	vadd.f32 v36, v63;
	v40 =	vmax.f32 v40, $0.0e+00  }
0x135: {  	v55 =	vmul.f32 v40, v24;
	v35 =	vadd.f32 v35, v53;
	v34 =	vadd.f32 v51, v34  }
0x136: {  	v54 =	vld.idx.msk [tilespmem:v49+s19+$0x0], $0xffff;
	v36 =	vmax.f32 v36, $0.0e+00;
	v56 =	vadd.f32 v58, v44;
	v58 =	vmul.f32 v41, v11  }
0x137: {  	v57 =	vld.idx.msk [tilespmem:v49+s20+$0x0], $0xffff;
	v36 =	vmul.f32 v36, v25;
	v35 =	vmax.f32 v35, $0.0e+00;
	v34 =	vadd.f32 v55, v34  }
0x138: {  	v59 =	vld.idx.msk [tilespmem:v47+s19+$0x0], $0xffff;
	v40 =	vadd.f32 v56, v58;
	v60 =	vadd.f32 v62, v60;
	v62 =	vmul.f32 v41, v12  }
0x139: {  	v61 =	vld.idx.msk [tilespmem:v47+s20+$0x0], $0xffff;
	v35 =	vmul.f32 v35, v26;
	v47 =	vadd.f32 v52, v50;
	v34 =	vadd.f32 v36, v34  }
0x13a: {  	v63 =	vld.idx.msk [tilespmem:v48+s19+$0x0], $0xffff;
	v50 =	vmul.f32 v41, v13;
	v40 =	vmax.f32 v40, $0.0e+00;
	v37 =	vadd.f32 v60, v62  }
0x13b: {  	v49 =	vld.idx.msk [tilespmem:v48+s20+$0x0], $0xffff;
	v53 =	vmul.f32 v41, v14;
	v51 =	vmul.f32 v40, v27;
	v34 =	vadd.f32 v35, v34  }
0x13c: {  	v52 =	vadd.f32 v57, v54;
	v37 =	vmax.f32 v37, $0.0e+00;
	v36 =	vadd.f32 v47, v50  }
0x13d: {  	v57 =	vmul.f32 v41, v15;
	v54 =	vmul.f32 v37, v28;
	v34 =	vadd.f32 v51, v34  }
0x13e: {  	v56 =	vadd.f32 v52, v53;
	v55 =	vadd.f32 v61, v59;
	v36 =	vmax.f32 v36, $0.0e+00  }
0x13f: {  	v60 =	vmul.f32 v41, v16;
	v58 =	vmul.f32 v36, v29;
	v34 =	vadd.f32 v54, v34  }
0x140: {  	v59 =	vadd.f32 v49, v63;
	v38 =	vmax.f32 v56, $0.0e+00;
	v37 =	vadd.f32 v55, v57  }
0x141: {  	v61 =	vmul.f32 v38, v30;
	v34 =	vadd.f32 v58, v34  }
0x142: {  	v37 =	vmax.f32 v37, $0.0e+00;
	v36 =	vadd.f32 v59, v60  }
0x143: {  	v62 =	vmul.f32 v37, v31;
	v34 =	vadd.f32 v61, v34  }
0x144: {  	v36 =	vmax.f32 v36, $0.0e+00  }
0x145: {  	v63 =	vmul.f32 v36, v32;
	v34 =	vadd.f32 v62, v34;
	_ =	sdelay $0x1  }
0x146: {  	v34 =	vadd.f32 v63, v34;
	_ =	sdelay $0x1  }
0x147: {  	v34 =	vsub.f32 $0.0e+00, v34;
	_ =	sdelay $0x1  }
0x148: {  	v34 =	vmul.f32 $1.442695020e+00, v34;
	_ =	sdelay $0x1  }
0x149: {  	(erf) = vpow2.f32 v34;
	_ =	sdelay $0x8  }
0x14a: {  	v34 =	vpop (erf)  }
0x14b: {  	v34 =	vadd.f32 $1.000000000e+00, v34;
	_ =	sdelay $0x1  }
0x14c: {  	(erf) = vrcp.f32 v34;
	_ =	sdelay $0x7  }
0x14d: {  	s25 =	sadd.s32 $0x1, s25  }
0x14e: {  	p0 =	sne.s32 s25, s11;
	s28 =	sadd.s32 $0x10, s28;
	v34 =	vpop (erf)  }
.Ltmp1:
0x14f: {  	s26 =	sadd.s32 s10, s26;
	[tilespmem:s28+$0x0] =	vst v34;
	(pc) =	sbr.rel @p0 .LBB2_2-.Ltmp1, $4  }
0x150: {  	[hbm4b:s26+s2] =	stream.linear.scatter [tilespmem:s23], [sflag:$0x3], $0x80, $0x38;
	[tilespmem:$0x1410] =	vst v63  }
0x151: {  	_ =	swait.ge [sflag:s15], $0x80  }
0x152: {  	[sflag:s15] =	ssyncset.done $0x0  }
0x153: {  	[sflag:s15] =	ssyncadd.s32 $0xFFFFFF80  }
0x154: {  	s24 =	sadd.s32 $0x1, s24  }
0x155: {  	p0 =	sne.s32 s24, s13  }
.Ltmp2:
0x156: {  	_ = 	snop;
	(pc) =	sbr.rel @p0 .LBB2_1-.Ltmp2, $1  }
0x157: {  	_ =	sdelay $0x3  }
0x158: {  	_ =	sfence.sel $0x180000  }
0x159: {  	[bflag:$0x0] =	sbarrier.arrive $0xFFFF  }
0x15a: {  	p0 =	sne.s32 s4, $0x0;
	_ =	strace $0x90000050  }
0x15b: {  	s0 =	sadd.s32 @!p0 $0x100000, s0;
	[bflag:$0x2] =	sbarrier.arrive $0xFFFF  }
0x15c: {  	[sflag:s0] =	ssyncadd.tile.s32 @!p0 $0x1;
	_ =	shalt  }
.Lfunc_end2:
_tile_overlayer_lowered:
.L_overlay_start_2:
0x15d: {  	(tag) =	ssettag $0x2  }
0x15e: {  	s0 =	rddreg [dreg:$0x0];
	s2 =	stileid.u32  }
0x15f: {  	s1 =	rddreg [dreg:$0x1];
	p0 =	sne.s32 s2, $0x0  }
0x160: {  	s3 =	rddreg [dreg:$0x2];
	[bflag:$0x3] =	sbarrier.arrive $0xFFFF;
	s2 =	simm.s32 @!p0 $0x1C03  }
0x161: {  	[timem:s3], [sflag:s2] =	dma.local @!p0 [hbm:s0], s1  }
0x162: {  	s0 =	simm.s32 @!p0 $0x3  }
0x163: {  	_ =	swait.ge @!p0 [sflag:s0], s1  }
0x164: {  	s1 =	ssub.s32 @!p0 $0x0, s1;
	[sflag:s0] =	ssyncset.done @!p0 $0x0  }
0x165: {  	[sflag:s0] =	ssyncadd.s32 @!p0 s1  }
0x166: {  	[bflag:$0x3] =	sbarrier.arrive $0xFFFF  }
0x167: {  	_ =	shalt  }

// kernel: kernel.9.cloned.1.call-start
scs
__scs_entry_jumppad:
0x0: {  	(pc) =	sbr.rel $0x88, $3  }
0x1: {  	(tag) =	ssettag $0x0;
	lr =	simm.s32 $0x1  }
0x2: {  	[smem:$0x3F96] =	sst lr;
	_ =	strace $0xD0000000  }
0x3: {  	_ = 	snop  }
0x4: {  	_ = 	snop  }
0x5: {  	_ = 	snop  }
0x6: {  	_ = 	snop  }
0x7: {  	_ = 	snop  }
__scs_overlays_trampoline_lowered:
0x8: {  	[smem:$0x3FA5] =	sst s0  }
0x9: {  	[smem:$0x3FA6] =	sst s1  }
0xa: {  	[smem:$0x3FA7] =	sst s2  }
0xb: {  	[smem:$0x3FA8] =	sst s3  }
0xc: {  	[smem:$0x3FA9] =	sst s4  }
0xd: {  	[smem:$0x3FAA] =	sst s5  }
0xe: {  	[smem:$0x3FAB] =	sst s6  }
0xf: {  	[smem:$0x3FAC] =	sst s7  }
0x10: {  	[smem:$0x3FAD] =	sst s8  }
0x11: {  	[smem:$0x3FAE] =	sst s9;
	s0 =	simm.s32 @!p0 $0x0  }
0x12: {  	s1 =	sld [smem:$0x3F94];
	s0 =	simm.s32 @p0 $0x1  }
0x13: {  	[smem:$0x3FAF] =	sst s0;
	s0 =	simm.s32 @!p1 $0x0  }
0x14: {  	s2 =	sld [smem:$0x3F93];
	s0 =	simm.s32 @p1 $0x1  }
0x15: {  	[smem:$0x3FB0] =	sst s0;
	s0 =	simm.s32 @!p2 $0x0  }
0x16: {  	s3 =	sld [smem:$0x3FDB];
	s0 =	simm.s32 @p2 $0x1  }
0x17: {  	s4 =	simm.s32 $0x1BF5;
	[smem:$0x3FB2] =	sst s0  }
0x18: {  	s0 =	sld [smem:$0x3F95];
	_ =	swait.ge [sflag:s4], $0x0  }
0x19: {  	s7 =	sld [smem:$0x3F96]  }
0x1a: {  	s8 =	sadd.s32 $0xFFFFE003, lr  }
0x1b: {  	s9 =	sadd.s32 $0xFFFFFEF7, lr;
	s5 =	simm.s32 $0xFFFFFFFF;
	p2 =	slt.u32 s8, $0xFFFFF086  }
0x1c: {  	p1 =	slt.u32 s9, $0xF7A;
	s5 =	simm.s32 @!p2 $0x0  }
0x1d: {  	s5 =	simm.s32 @p1 $0x1;
	p0 =	seq.s32 s7, s2  }
0x1e: {  	s7 =	smul.u32 @!p0 $0xF7A, s2;
	p2 =	seq.s32 @!p0 s5, $0x0  }
0x1f: {  	s9 =	smul.u32 $0xF7A, s1;
	s8 =	simm.s32 @!p0 $0x1BF5;
	p2 =	por !p2, p0  }
0x20: {  	[sflag:s8] =	ssyncset.s32 @!p0 $0xFFFFF086;
	s6 =	sadd.s32 @!p0 s3, s7;
	s7 =	simm.s32 @!p0 $0x108  }
0x21: {  	s3 =	sadd.s32 s3, s9;
	s6 =	sadd.s32 @!p0 $0x88, s6;
	s7 =	simm.s32 @p2 $0x1082  }
0x22: {  	[simem:s7], [sflag:s8] =	dma.local @!p0 [hbm:s6], $0xF7A  }
0x23: {  	s9 =	sor.u32 $0xD0000000, s2;
	s6 =	simm.s32 $0x108;
	_ =	swait.ge @!p0 [sflag:s8], $0x0  }
0x24: {  	s3 =	sadd.s32 $0x88, s3;
	s6 =	simm.s32 @!p1 $0x1082;
	[sflag:s4] =	ssyncset.s32 $0xFFFFF086  }
0x25: {  	[simem:s6], [sflag:s4] =	dma.local [hbm:s3], $0xF7A  }
0x26: {  	[smem:$0x3F96] =	sst s1;
	(tag) =	ssettag s2;
	_ =	strace s9  }
0x27: {  	s1 =	sld [smem:$0x3FA6]  }
0x28: {  	s2 =	sld [smem:$0x3FA7]  }
0x29: {  	s4 =	sld [smem:$0x3FA9]  }
0x2a: {  	p0 =	seq.s32 s5, $0x0;
	s5 =	sld [smem:$0x3FAA]  }
0x2b: {  	s6 =	sld [smem:$0x3FAB]  }
0x2c: {  	s7 =	sld [smem:$0x3FAC]  }
0x2d: {  	s3 =	simm.s32 $0x108;
	s8 =	sld [smem:$0x3FAD]  }
0x2e: {  	s3 =	simm.s32 @!p0 $0x1082;
	s9 =	sld [smem:$0x3FAE]  }
0x2f: {  	lr =	sadd.s32 s0, s3;
	s0 =	sld [smem:$0x3FA5]  }
0x30: {  	s3 =	sld [smem:$0x3FA8]  }
0x31: {  	[smem:$0x3FB1] =	sst s10  }
0x32: {  	s10 =	sld [smem:$0x3FAF];
	_ =	sdelay $0x3  }
0x33: {  	p0 =	seq.s32 s10, $0x1;
	s10 =	sld [smem:$0x3FB1];
	_ =	sdelay $0x3  }
0x34: {  	[smem:$0x3FB1] =	sst s10  }
0x35: {  	s10 =	sld [smem:$0x3FB0];
	_ =	sdelay $0x3  }
0x36: {  	p1 =	seq.s32 s10, $0x1;
	s10 =	sld [smem:$0x3FB1];
	_ =	sdelay $0x3  }
0x37: {  	[smem:$0x3FB1] =	sst s10  }
0x38: {  	s10 =	sld [smem:$0x3FB2]  }
0x39: {  	_ = 	snop;
	(pc) =	sbr.ind lr, $3  }
0x3a: {  	_ = 	snop  }
0x3b: {  	_ = 	snop  }
0x3c: {  	p2 =	seq.s32 s10, $0x1;
	s10 =	sld [smem:$0x3FB1]  }
0x3d: {  	_ =	shalt  }
0x3e: {  	_ =	shalt  }
0x3f: {  	_ =	shalt  }
0x40: {  	_ =	shalt  }
0x41: {  	_ =	shalt  }
0x42: {  	_ =	shalt  }
0x43: {  	_ =	shalt  }
0x44: {  	_ =	shalt  }
0x45: {  	_ =	shalt  }
0x46: {  	_ =	shalt  }
0x47: {  	_ =	shalt  }
0x48: {  	_ =	shalt  }
0x49: {  	_ =	shalt  }
0x4a: {  	_ =	shalt  }
0x4b: {  	_ =	shalt  }
0x4c: {  	_ =	shalt  }
0x4d: {  	_ =	shalt  }
0x4e: {  	_ =	shalt  }
0x4f: {  	_ =	shalt  }
0x50: {  	_ =	shalt  }
0x51: {  	_ =	shalt  }
0x52: {  	_ =	shalt  }
0x53: {  	_ =	shalt  }
0x54: {  	_ =	shalt  }
0x55: {  	_ =	shalt  }
0x56: {  	_ =	shalt  }
0x57: {  	_ =	shalt  }
0x58: {  	_ =	shalt  }
0x59: {  	_ =	shalt  }
0x5a: {  	_ =	shalt  }
0x5b: {  	_ =	shalt  }
0x5c: {  	_ =	shalt  }
0x5d: {  	_ =	shalt  }
0x5e: {  	_ =	shalt  }
0x5f: {  	_ =	shalt  }
0x60: {  	_ =	shalt  }
0x61: {  	_ =	shalt  }
0x62: {  	_ =	shalt  }
0x63: {  	_ =	shalt  }
0x64: {  	_ =	shalt  }
0x65: {  	_ =	shalt  }
0x66: {  	_ =	shalt  }
0x67: {  	_ =	shalt  }
0x68: {  	_ =	shalt  }
0x69: {  	_ =	shalt  }
0x6a: {  	_ =	shalt  }
0x6b: {  	_ =	shalt  }
0x6c: {  	_ =	shalt  }
0x6d: {  	_ =	shalt  }
0x6e: {  	_ =	shalt  }
0x6f: {  	_ =	shalt  }
0x70: {  	_ =	shalt  }
0x71: {  	_ =	shalt  }
0x72: {  	_ =	shalt  }
0x73: {  	_ =	shalt  }
0x74: {  	_ =	shalt  }
0x75: {  	_ =	shalt  }
0x76: {  	_ =	shalt  }
0x77: {  	_ =	shalt  }
0x78: {  	_ =	shalt  }
0x79: {  	_ =	shalt  }
0x7a: {  	_ =	shalt  }
0x7b: {  	_ =	shalt  }
0x7c: {  	_ =	shalt  }
0x7d: {  	_ =	shalt  }
0x7e: {  	_ =	shalt  }
0x7f: {  	_ =	shalt  }
0x80: {  	_ =	shalt  }
0x81: {  	_ =	shalt  }
0x82: {  	_ =	shalt  }
0x83: {  	_ =	shalt  }
0x84: {  	_ =	shalt  }
0x85: {  	_ =	shalt  }
0x86: {  	_ =	shalt  }
0x87: {  	_ =	shalt  }
.Lfunc_end0:
.L_simem_size_0:
called_computation_lowered:
.L_overlay_start_0:
0x88: {  	s2 =	sld [smem:$0x3FD9]  }
0x89: {  	s3 =	sld [smem:$0x3FFE];
	_ =	sdelay $0x1  }
0x8a: {  	s1 =	srdreg.scid  }
0x8b: {  	s0 =	sand.u32 $0x1, s1  }
0x8c: {  	s16 =	sshll.u32 s0, $0xA;
	s2 =	sadd.s32 s3, s2  }
0x8d: {  	s2 =	sadd.s32 s2, s16  }
0x8e: {  	[smem:$0x3FBD] =	sst s2  }
0x8f: {  	_ = 	snop  }
0x90: {  	(tm) =	ssettm $0x1  }
0x91: {  	s17 =	sld [smem:$0x3FFB];
	_ =	sdelay $0x3  }
0x92: {  	_ =	strace s17  }
0x93: {  	s2 =	sld [smem:$0x3FFC];
	_ =	sdelay $0x3  }
0x94: {  	_ =	strace s2  }
0x95: {  	s2 =	sld [smem:$0x3FFD];
	_ =	sdelay $0x3  }
0x96: {  	_ =	strace s2  }
0x97: {  	_ =	strace $0x8FFFFFFF  }
0x98: {  	s18 =	sld [smem:$0x3FDB];
	_ =	sdelay $0x1  }
0x99: {  	s19 =	simm.s32 $_scs_section_size  }
0x9a: {  	s4 =	simm.s32 $_size__tile_overlayer_lowered;
	s5 =	simm.s32 $_tile_overlayer_lowered  }
0x9b: {  	s22 =	simm.s32 $0x1BFF;
	s21 =	sshll.u32 s5, $0x1;
	s2 =	sadd.s32 s19, s18  }
0x9c: {  	s6 =	simm.s32 $0x0;
	s20 =	sshll.u32 s4, $0x1;
	s4 =	sadd.s32 s21, s2  }
0x9d: {  	[timem:s6], [sflag:s22] =	dma.local [hbm:s4], s20  }
0x9e: {  	_ =	swait.ge [sflag:s22], s20  }
0x9f: {  	s3 =	ssub.s32 $0x0, s20;
	[sflag:s22] =	ssyncset.done $0x0  }
0xa0: {  	[sflag:s22] =	ssyncadd.s32 s3;
	_ =	sdelay $0x1  }
0xa1: {  	s23 =	simm.s32 $0x1B8B  }
0xa2: {  	_ =	swait.ge [sflag:s23], $0x1  }
0xa3: {  	[sflag:s23] =	ssyncset.done $0x0  }
0xa4: {  	s25 =	simm.s32 $0x1B8E;
	s24 =	sld [smem:$0x3FFE];
	[sflag:s23] =	ssyncadd.s32 $0xFFFFFFFF  }
0xa5: {  	s26 =	simm.s32 $execute0_lowered;
	[smem:$0x3FD2] =	sst s25  }
0xa6: {  	s4 =	sshll.u32 s26, $0x1;
	_ =	strace $0x80000046;
	[dreg:$0x1] =	wrdreg $0xFFFFFFFF  }
0xa7: {  	s28 =	simm.s32 $_size_execute0_lowered;
	s2 =	sadd.s32 s2, s4;
	[dreg:$0x0] =	wrdreg $0x0  }
0xa8: {  	s4 =	sshll.u32 s28, $0x1;
	[dreg:$0x2] =	wrdreg s2  }
0xa9: {  	[dreg:$0x3] =	wrdreg s4  }
0xaa: {  	[dreg:$0x4] =	wrdreg $0xC0  }
0xab: {  	_ =	task [dreg:s6], $0x5FFFF  }
0xac: {  	[dreg:$0x1] =	wrdreg $0xFFFFFFFF  }
0xad: {  	[dreg:$0x0] =	wrdreg $0x60  }
0xae: {  	[dreg:$0x2] =	wrdreg s24  }
0xaf: {  	[dreg:$0x3] =	wrdreg $0x2F900  }
0xb0: {  	[dreg:$0x4] =	wrdreg $0x9  }
0xb1: {  	_ =	task.clear_ibuf [dreg:s6], $0x5FFFF;
	_ =	strace $0x90000046  }
0xb2: {  	s29 =	simm.s32 $0x9;
	_ =	strace $0x80000048  }
0xb3: {  	_ =	swait.ge [sflag:s29], $0x1  }
0xb4: {  	[sflag:s29] =	ssyncadd.s32 $0xFFFFFFFF  }
0xb5: {  	_ =	strace $0x90000048  }
0xb6: {  	_ =	sfence  }
0xb7: {  	s30 =	sld [smem:$0x0];
	_ =	sdelay $0x2  }
0xb8: {  	s31 =	sshll.u32 s1, $0xD;
	s1 =	sshrl.u32 s1, $0x2  }
0xb9: {  	s3 =	sand.u32 $0x4000, s31;
	s1 =	sadd.s32 s1, s30  }
0xba: {  	s0 =	sor.u32 s3, s0;
	s1 =	sshll.u32 s1, $0x11  }
0xbb: {  	s0 =	sor.u32 s1, s0  }
0xbc: {  	s0 =	sadd.s32 $0x8F2B, s0  }
0xbd: {  	[sflag:s0] =	ssyncadd.remote.s32 $0x1  }
0xbe: {  	_ =	sfence.sel $0xFFFF  }
0xbf: {  	[dreg:$0x0] =	wrdreg $0xFFFFFFFF;
	(pc) =	sbr.abs _section_cstart, $3  }
0xc0: {  	[dreg:$0x1] =	wrdreg $0xFFFFFFFF  }
0xc1: {  	_ =	task.clear_ibuf [dreg:s6], $0x2FFFF;
	_ =	strace $0x9FFFFFFF  }
0xc2: {  	(tm) =	ssettm $0x7FFFFFFF  }
0xc3: {  	_ =	shalt  }
tec
execute0_lowered:
.L_overlay_start_1:
0x0: {  	(tag) =	ssettag $0x1  }
0x1: {  	s1 =	srdreg.scid;
	s4 =	rddreg [dreg:$0x0]  }
0x2: {  	s0 =	stileid.u32;
	s2 =	rddreg [dreg:$0x1];
	s3 =	simm.s32 $0x0  }
0x3: {  	s18 =	simm.s32 $0x880;
	s19 =	simm.s32 $0x1;
	s6 =	smul.u32 $0x30C, s0  }
0x4: {  	s20 =	simm.s32 $0x80;
	s21 =	simm.s32 $0x0;
	s26 =	smul.u32 $0x30D4, s0  }
0x5: {  	s5 =	sand.u32 $0x1, s1;
	s1 =	rddreg [dreg:$0x2];
	s9 =	smul.u32 $0x61A80, s0  }
0x6: {  	s7 =	sshll.u32 s0, $0x1;
	[smem:$0x7FF] =	sst s3;
	s8 =	smul.u32 $0x186, s5  }
0x7: {  	p0 =	slt.u32 s0, $0xA;
	s7 =	sor.u32 s5, s7;
	s25 =	smul.u32 $0x30D40, s5  }
0x8: {  	_ =	strace $0x80000047;
	s5 =	ssub.s32 $0x2, s5;
	s7 =	smin.u32 s7, $0x14  }
0x9: {  	s28 =	sshrl.u32 s5, $0x1;
	s31 =	sshrl.u32 s9, $0x2;
	s6 =	sadd.s32 s8, s6  }
0xa: {  	s30 =	ssub.s32 s5, s28;
	s6 =	sadd.s32 s7, s6;
	s7 =	sadd.s32 s26, s25  }
0xb: {  	s6 =	sshll.u32 s6, $0x4;
	s29 =	sadd.s32 s7, s4;
	s7 =	smax.u32 s30, $0x1  }
0xc: {  	s17 =	sadd.s32 s6, s4;
	s4 =	simm.s32 $0x187;
	s6 =	sadd.s32 s31, s2  }
0xd: {  	s5 =	sadd.s32 $0x63600, s29;
	s4 =	simm.s32 @!p0 $0x186;
	s8 =	sadd.s32 $0x2710, s6  }
0xe: {  	s9 =	sadd.s32 $0x4E20, s6;
	s10 =	sadd.s32 $0x7530, s6;
	s11 =	sadd.s32 $0x9C40, s6  }
0xf: {  	s12 =	sadd.s32 $0xC350, s6;
	s13 =	sadd.s32 $0xEA60, s6;
	s14 =	sadd.s32 $0x11170, s6  }
0x10: {  	v0 =	vimm.f32 $1.000000000e+00;
	v1 =	vimm.f32 $0.0e+00;
	s15 =	sadd.s32 $0x13880, s6;
	s16 =	sadd.s32 $0x15F90, s6;
	s17 =	sadd.s32 $0x1A00, s17  }
.LBB2_1:
0x11: {  	s22 =	simm.s32 $0x0  }
.LBB2_2:
0x12: {  	p0 =	sne.s32 s22, $0x1FC0  }
.Ltmp0:
0x13: {  	_ = 	snop;
	(pc) =	sbr.rel @p0 .LBB2_2-.Ltmp0, $3  }
0x14: {  	_ =	sdelay $0x1  }
0x15: {  	s23 =	sshra.s32 s22, $0x2  }
0x16: {  	s22 =	sadd.s32 $0x40, s22;
	[tilespmem:s23+$0x80] =	vst v0  }
0x17: {  	s22 =	simm.s32 $0x40;
	s23 =	simm.s32 $0x0  }
.LBB2_4:
0x18: {  	p0 =	sne.s32 s22, $0x9C00;
	[tilespmem:s23+$0x880] =	vst v1;
	s23 =	smov.u32 s22;
	s22 =	sadd.s32 $0x40, s22  }
.Ltmp1:
0x19: {  	(pc) =	sbr.rel @p0 .LBB2_4-.Ltmp1, $2  }
0x1a: {  	_ =	sdelay $0x2  }
0x1b: {  	s23 =	sshra.s32 s23, $0x2  }
0x1c: {  	[tilespmem:s23+$0x880] =	vst v1  }
0x1d: {  	[spmem:s6] =	stream.linear.scatter [tilespmem:s18], [sflag:$0x1], $0x2710, $0x38;
	[tilespmem:$0x1B630] =	vst v63  }
0x1e: {  	_ =	swait.ge [sflag:s19], $0x2710  }
0x1f: {  	[sflag:s19] =	ssyncset.done $0x0  }
0x20: {  	[sflag:s19] =	ssyncadd.s32 $0xFFFFD8F0  }
0x21: {  	[spmem:s8] =	stream.linear.scatter [tilespmem:s18], [sflag:$0x1], $0x2710, $0x38;
	[tilespmem:$0x1B630] =	vst v63  }
0x22: {  	_ =	swait.ge [sflag:s19], $0x2710  }
0x23: {  	[sflag:s19] =	ssyncset.done $0x0  }
0x24: {  	[sflag:s19] =	ssyncadd.s32 $0xFFFFD8F0  }
0x25: {  	[spmem:s9] =	stream.linear.scatter [tilespmem:s18], [sflag:$0x1], $0x2710, $0x38;
	[tilespmem:$0x1B630] =	vst v63  }
0x26: {  	_ =	swait.ge [sflag:s19], $0x2710  }
0x27: {  	[sflag:s19] =	ssyncset.done $0x0  }
0x28: {  	[sflag:s19] =	ssyncadd.s32 $0xFFFFD8F0  }
0x29: {  	[spmem:s10] =	stream.linear.scatter [tilespmem:s18], [sflag:$0x1], $0x2710, $0x38;
	[tilespmem:$0x1B630] =	vst v63  }
0x2a: {  	_ =	swait.ge [sflag:s19], $0x2710  }
0x2b: {  	[sflag:s19] =	ssyncset.done $0x0  }
0x2c: {  	[sflag:s19] =	ssyncadd.s32 $0xFFFFD8F0  }
0x2d: {  	[spmem:s11] =	stream.linear.scatter [tilespmem:s18], [sflag:$0x1], $0x2710, $0x38;
	[tilespmem:$0x1B630] =	vst v63  }
0x2e: {  	_ =	swait.ge [sflag:s19], $0x2710  }
0x2f: {  	[sflag:s19] =	ssyncset.done $0x0  }
0x30: {  	[sflag:s19] =	ssyncadd.s32 $0xFFFFD8F0  }
0x31: {  	[spmem:s12] =	stream.linear.scatter [tilespmem:s18], [sflag:$0x1], $0x2710, $0x38;
	[tilespmem:$0x1B630] =	vst v63  }
0x32: {  	_ =	swait.ge [sflag:s19], $0x2710  }
0x33: {  	[sflag:s19] =	ssyncset.done $0x0  }
0x34: {  	[sflag:s19] =	ssyncadd.s32 $0xFFFFD8F0  }
0x35: {  	[spmem:s13] =	stream.linear.scatter [tilespmem:s18], [sflag:$0x1], $0x2710, $0x38;
	[tilespmem:$0x1B630] =	vst v63  }
0x36: {  	_ =	swait.ge [sflag:s19], $0x2710  }
0x37: {  	[sflag:s19] =	ssyncset.done $0x0  }
0x38: {  	[sflag:s19] =	ssyncadd.s32 $0xFFFFD8F0  }
0x39: {  	[spmem:s14] =	stream.linear.scatter [tilespmem:s18], [sflag:$0x1], $0x2710, $0x38;
	[tilespmem:$0x1B630] =	vst v63  }
0x3a: {  	_ =	swait.ge [sflag:s19], $0x2710  }
0x3b: {  	[sflag:s19] =	ssyncset.done $0x0  }
0x3c: {  	[sflag:s19] =	ssyncadd.s32 $0xFFFFD8F0  }
0x3d: {  	[spmem:s15] =	stream.linear.scatter [tilespmem:s18], [sflag:$0x1], $0x2710, $0x38;
	[tilespmem:$0x1B630] =	vst v63  }
0x3e: {  	_ =	swait.ge [sflag:s19], $0x2710  }
0x3f: {  	[sflag:s19] =	ssyncset.done $0x0  }
0x40: {  	[sflag:s19] =	ssyncadd.s32 $0xFFFFD8F0  }
0x41: {  	[spmem:s16] =	stream.linear.scatter [tilespmem:s18], [sflag:$0x1], $0x2710, $0x38;
	[tilespmem:$0x1B630] =	vst v63  }
0x42: {  	_ =	swait.ge [sflag:s19], $0x2710  }
0x43: {  	[sflag:s19] =	ssyncset.done $0x0  }
0x44: {  	[sflag:s19] =	ssyncadd.s32 $0xFFFFD8F0  }
0x45: {  	[bflag:$0x0] =	sbarrier.arrive $0xFFFF  }
0x46: {  	[tilespmem:s3], [sflag:$0x1] =	stream.linear.gather [hbm4b:s17+s3], $0x80, $0x38;
	[tilespmem:$0x1B630] =	vst v63  }
0x47: {  	p0 =	sne.s32 s4, $0x1;
	_ =	swait.ge [sflag:s19], $0x80  }
.Ltmp2:
0x48: {  	[sflag:s19] =	ssyncset.done $0x0;
	(pc) =	sbr.rel @!p0 .LBB2_7-.Ltmp2, $4  }
0x49: {  	[sflag:s19] =	ssyncadd.s32 $0xFFFFFF80  }
0x4a: {  	[spmem:s2] =	stream.indirect.scatter.add.f32 [tilespmem:s20], [sflag:$0x1], $0x10, s3, s20, $0xb8;
	[tilespmem:$0x1B630] =	vst v63  }
0x4b: {  	_ =	swait.ge [sflag:s19], $0x800  }
0x4c: {  	s22 =	sadd.s32 $0xFFFFFFFF, s4;
	s23 =	smov.u32 s17;
	[sflag:s19] =	ssyncset.done $0x0  }
.LBB2_6:
0x4d: {  	p0 =	sne.s32 s22, $0x1;
	[sflag:s19] =	ssyncadd.s32 $0xFFFFF800;
	s23 =	sadd.s32 $0x10, s23  }
0x4e: {  	[tilespmem:s3], [sflag:$0x1] =	stream.linear.gather [hbm4b:s23+s3], $0x80, $0x38;
	[tilespmem:$0x1B630] =	vst v63  }
0x4f: {  	s22 =	sadd.s32 $0xFFFFFFFF, s22;
	_ =	swait.ge [sflag:s19], $0x80  }
.Ltmp3:
0x50: {  	[sflag:s19] =	ssyncset.done $0x0;
	(pc) =	sbr.rel @p0 .LBB2_6-.Ltmp3, $4  }
0x51: {  	[sflag:s19] =	ssyncadd.s32 $0xFFFFFF80  }
0x52: {  	[spmem:s2] =	stream.indirect.scatter.add.f32 [tilespmem:s20], [sflag:$0x1], $0x10, s3, s20, $0xb8;
	[tilespmem:$0x1B630] =	vst v63  }
0x53: {  	_ =	swait.ge [sflag:s19], $0x800  }
0x54: {  	[sflag:s19] =	ssyncset.done $0x0  }
.LBB2_7:
0x55: {  	[sflag:s19] =	ssyncadd.s32 $0xFFFFF800;
	s21 =	sadd.s32 $0x1, s21  }
0x56: {  	s22 =	sshll.u32 s0, $0x6;
	s23 =	sshrl.u32 s6, $0x3;
	p0 =	sne.s32 s21, s7  }
.Ltmp4:
0x57: {  	[bflag:$0x0] =	sbarrier.arrive $0xFFFF;
	s22 =	sor.u32 $0x1C01, s22;
	(pc) =	sbr.rel @p0 .LBB2_1-.Ltmp4, $4  }
0x58: {  	[hbm:s5], [sflag:s22] =	dma.local [spmem:s23], $0x30D4  }
0x59: {  	_ =	swait.ge [sflag:s19], $0x30D4  }
0x5a: {  	[sflag:s19] =	ssyncset.done $0x0  }
0x5b: {  	[sflag:s19] =	ssyncadd.s32 $0xFFFFCF2C  }
0x5c: {  	_ =	sfence.sel $0x180000  }
0x5d: {  	[bflag:$0x0] =	sbarrier.arrive $0xFFFF  }
0x5e: {  	p0 =	sne.s32 s0, $0x0;
	_ =	strace $0x90000047  }
0x5f: {  	s0 =	sadd.s32 @!p0 $0x100000, s1;
	[bflag:$0x2] =	sbarrier.arrive $0xFFFF  }
0x60: {  	[sflag:s0] =	ssyncadd.tile.s32 @!p0 $0x1;
	_ =	shalt  }
.Lfunc_end2:
_tile_overlayer_lowered:
.L_overlay_start_2:
0x61: {  	(tag) =	ssettag $0x2  }
0x62: {  	s0 =	rddreg [dreg:$0x0];
	s2 =	stileid.u32  }
0x63: {  	s1 =	rddreg [dreg:$0x1];
	p0 =	sne.s32 s2, $0x0  }
0x64: {  	s3 =	rddreg [dreg:$0x2];
	[bflag:$0x3] =	sbarrier.arrive $0xFFFF;
	s2 =	simm.s32 @!p0 $0x1C01  }
0x65: {  	[timem:s3], [sflag:s2] =	dma.local @!p0 [hbm:s0], s1  }
0x66: {  	s0 =	simm.s32 @!p0 $0x1  }
0x67: {  	_ =	swait.ge @!p0 [sflag:s0], s1  }
0x68: {  	s1 =	ssub.s32 @!p0 $0x0, s1;
	[sflag:s0] =	ssyncset.done @!p0 $0x0  }
0x69: {  	[sflag:s0] =	ssyncadd.s32 @!p0 s1  }
0x6a: {  	[bflag:$0x3] =	sbarrier.arrive $0xFFFF  }
0x6b: {  	_ =	shalt  }

</sc_bundles>
